<compile_context>
chip_gen: v7x
topology: tpu7x:2x2x1
jax: 0.10.2.dev20260603
libtpu: 0.0.44.dev20260713+nightly
codegen_flags: <defaults>
</compile_context>

<pallas_src>
import functools

import jax
import jax.numpy as jnp
from jax import lax
from jax.experimental import pallas as pl
from jax.experimental.pallas import tpu as pltpu
from jax.experimental.pallas import tpu_sc as plsc

N_NODES = 10000
N_EDGES = 320000
N_GRAPHS = 128
D = 146
DP = 160
EPS = 1e-5
NC = 2
NS = 16
NW = NC * NS
EDGES_PER_W = N_EDGES // NW
CHUNK = 80
NCHUNK = EDGES_PER_W // CHUNK
ROWS_PER_TILE = N_NODES // NS
NBLK = 10
BLK = N_NODES // NBLK
N_CLASSES_OUT = 10


def _sc_mesh():
    return plsc.VectorSubcoreMesh(core_axis_name="c", subcore_axis_name="s")


def _sc_params():
    return pltpu.CompilerParams(needs_layout_passes=False,
                                use_tc_tiling_on_sc=False)


N_PAD = 10240
E_TILE = N_EDGES // NS
NSLICE = N_PAD // NS


def _sc_degrees(src, dst):
    @functools.partial(
        pl.kernel,
        mesh=_sc_mesh(),
        compiler_params=_sc_params(),
        out_type=jax.ShapeDtypeStruct((2, N_PAD), jnp.float32),
        scratch_types=[
            pltpu.VMEM_SHARED((NS, 2, N_PAD), jnp.float32),
            pltpu.VMEM((N_PAD,), jnp.float32),
            pltpu.VMEM((N_PAD,), jnp.float32),
            pltpu.VMEM((E_TILE,), jnp.int32),
            pltpu.VMEM((E_TILE,), jnp.int32),
            pltpu.VMEM((NS, 2, NSLICE), jnp.float32),
            pltpu.VMEM((2, NSLICE), jnp.float32),
        ],
    )
    def k(src_hbm, dst_hbm, out_hbm, parts, sdeg_v, ddeg_v, src_v, dst_v,
          red_v, res_v):
        c = lax.axis_index("c")
        s = lax.axis_index("s")

        @pl.when(c == 0)
        def _():
            zeros = jnp.zeros((16,), jnp.float32)

            def zero_body(i, carry):
                sdeg_v[pl.ds(i * 16, 16)] = zeros
                ddeg_v[pl.ds(i * 16, 16)] = zeros
                return carry

            lax.fori_loop(0, N_PAD // 16, zero_body, 0)

            base = s * E_TILE
            pltpu.sync_copy(src_hbm.at[pl.ds(base, E_TILE)], src_v)
            pltpu.sync_copy(dst_hbm.at[pl.ds(base, E_TILE)], dst_v)

            ones = jnp.ones((16,), jnp.float32)

            def body(i, carry):
                si = src_v[pl.ds(i * 16, 16)]
                di = dst_v[pl.ds(i * 16, 16)]
                plsc.addupdate_scatter(sdeg_v, [si], ones)
                plsc.addupdate_scatter(ddeg_v, [di], ones)
                return carry

            lax.fori_loop(0, E_TILE // 16, body, 0)
            pltpu.sync_copy(sdeg_v, parts.at[s, 0])
            pltpu.sync_copy(ddeg_v, parts.at[s, 1])
            plsc.subcore_barrier()
            pltpu.sync_copy(parts.at[:, :, pl.ds(s * NSLICE, NSLICE)], red_v)

            def red_body(j, carry):
                for h in range(2):
                    acc = red_v[0, h, pl.ds(j * 16, 16)]
                    for t in range(1, NS):
                        acc = acc + red_v[t, h, pl.ds(j * 16, 16)]
                    res_v[h, pl.ds(j * 16, 16)] = acc
                return carry

            lax.fori_loop(0, NSLICE // 16, red_body, 0)
            pltpu.sync_copy(res_v.at[0], out_hbm.at[0, pl.ds(s * NSLICE, NSLICE)])
            pltpu.sync_copy(res_v.at[1], out_hbm.at[1, pl.ds(s * NSLICE, NSLICE)])

    return k(src, dst)


def _sc_agg(h_scaled, src, dst, zeros_tile):
    @functools.partial(
        pl.kernel,
        mesh=_sc_mesh(),
        compiler_params=_sc_params(),
        out_type=jax.ShapeDtypeStruct((NC, N_NODES, DP), jnp.float32),
        scratch_types=[
            pltpu.VMEM_SHARED((N_NODES, DP), jnp.float32),
            [pltpu.VMEM((CHUNK,), jnp.int32)] * 2,
            [pltpu.VMEM((CHUNK,), jnp.int32)] * 2,
            [pltpu.VMEM((CHUNK, DP), jnp.float32)] * 2,
            [pltpu.SemaphoreType.DMA] * 2,
            [pltpu.SemaphoreType.DMA] * 2,
        ],
    )
    def k(h_hbm, src_hbm, dst_hbm, z_hbm, out_hbm, acc, sidx, didx,
          rows, gsem, tsem):
        c = lax.axis_index("c")
        s = lax.axis_index("s")
        w = c * NS + s
        ebase = w * EDGES_PER_W

        def load_idx(b, chunk):
            pltpu.sync_copy(src_hbm.at[pl.ds(ebase + chunk * CHUNK, CHUNK)],
                            sidx[b])
            pltpu.sync_copy(dst_hbm.at[pl.ds(ebase + chunk * CHUNK, CHUNK)],
                            didx[b])

        def gather(b):
            pltpu.async_copy(h_hbm.at[sidx[b]], rows[b], gsem[b])

        def wait_gather(b):
            pltpu.make_async_copy(h_hbm.at[sidx[b]], rows[b], gsem[b]).wait()

        def scatter(b):
            pltpu.async_copy(rows[b], acc.at[didx[b]], tsem[b], add=True)

        def wait_scatter(b):
            pltpu.make_async_copy(rows[b], acc.at[didx[b]], tsem[b]).wait()

        load_idx(0, 0)
        gather(0)
        pltpu.sync_copy(z_hbm, acc.at[pl.ds(s * ROWS_PER_TILE, ROWS_PER_TILE)])
        plsc.subcore_barrier()

        def body(j, carry):
            @pl.when(j > 0)
            def _():
                wait_scatter(1)

            load_idx(1, 2 * j + 1)
            gather(1)
            wait_gather(0)
            scatter(0)
            wait_scatter(0)
            load_idx(0, 2 * j + 2)
            gather(0)
            wait_gather(1)
            scatter(1)
            return carry

        lax.fori_loop(0, (NCHUNK - 1) // 2, body, 0)
        wait_scatter(1)
        wait_gather(0)
        scatter(0)
        wait_scatter(0)
        plsc.subcore_barrier()
        pltpu.sync_copy(
            acc.at[pl.ds(s * ROWS_PER_TILE, ROWS_PER_TILE)],
            out_hbm.at[c, pl.ds(s * ROWS_PER_TILE, ROWS_PER_TILE)],
        )

    return k(h_scaled, src, dst, zeros_tile)


def _norms_kernel(deg2):
    NB = N_PAD // NBLK

    def body(d_ref, out_ref):
        nrm = lax.rsqrt(jnp.clip(d_ref[...], 1.0, None))
        rows = lax.broadcasted_iota(jnp.int32, (256, 256), 0)
        cols = lax.broadcasted_iota(jnp.int32, (256, 256), 1)
        eye = (rows == cols).astype(jnp.float32)
        for t in range(NB // 256):
            blk = nrm[:, t * 256:(t + 1) * 256]
            out_ref[t * 256:(t + 1) * 256, :] = lax.dot_general(
                eye, blk, (((1,), (1,)), ((), ())),
                preferred_element_type=jnp.float32)

    return pl.pallas_call(
        body,
        grid=(NBLK,),
        in_specs=[pl.BlockSpec((2, NB), lambda i: (0, i))],
        out_specs=pl.BlockSpec((NB, 2), lambda i: (i, 0)),
        out_shape=jax.ShapeDtypeStruct((N_PAD, 2), jnp.float32),
    )(deg2)


def _embed_kernel(xt, wp, bp, norms):
    def body(x_ref, w_ref, b_ref, n_ref, h_ref, hs_ref):
        h = lax.dot_general(x_ref[...], w_ref[...], (((0,), (0,)), ((), ())),
                            preferred_element_type=jnp.float32)
        h = h + b_ref[...]
        h_ref[...] = h
        hs_ref[...] = h * n_ref[:N_NODES, 0:1]

    return pl.pallas_call(
        body,
        in_specs=[
            pl.BlockSpec((D, N_NODES), lambda: (0, 0)),
            pl.BlockSpec((D, DP), lambda: (0, 0)),
            pl.BlockSpec((1, DP), lambda: (0, 0)),
            pl.BlockSpec((N_PAD, 2), lambda: (0, 0)),
        ],
        out_specs=[
            pl.BlockSpec((N_NODES, DP), lambda: (0, 0)),
            pl.BlockSpec((N_NODES, DP), lambda: (0, 0)),
        ],
        out_shape=[
            jax.ShapeDtypeStruct((N_NODES, DP), jnp.float32),
            jax.ShapeDtypeStruct((N_NODES, DP), jnp.float32),
        ],
    )(xt, wp, bp, norms)


def _layer_kernel(parts, norms, snorm, h_in, wp, bp, gp, bep):
    def body(p_ref, n_ref, sn_ref, h_ref, w_ref, b_ref, g_ref, be_ref,
             o_ref, os_ref, z_sc, st_sc):
        j = pl.program_id(0)
        i = pl.program_id(1)

        @pl.when(j == 0)
        def _():
            @pl.when(i == 0)
            def _():
                st_sc[...] = jnp.zeros_like(st_sc)

            agg = (p_ref[0] + p_ref[1]) * n_ref[:, 1:2]
            z = jnp.dot(agg, w_ref[...], preferred_element_type=jnp.float32)
            z = (z + b_ref[...]) * sn_ref[...]
            z_sc[pl.ds(i * BLK, BLK), :] = z
            st_sc[0:1, :] += jnp.sum(z, axis=0, keepdims=True)
            st_sc[1:2, :] += jnp.sum(z * z, axis=0, keepdims=True)

        @pl.when(j == 1)
        def _():
            inv_n = 1.0 / N_NODES
            mean = st_sc[0:1, :] * inv_n
            var = st_sc[1:2, :] * inv_n - mean * mean
            zblk = z_sc[pl.ds(i * BLK, BLK), :]
            hn = (zblk - mean) * lax.rsqrt(var + EPS)
            hn = hn * g_ref[...] + be_ref[...]
            h = h_ref[...] + jnp.maximum(hn, 0.0)
            o_ref[...] = h
            os_ref[...] = h * n_ref[:, 0:1]

    return pl.pallas_call(
        body,
        grid=(2, NBLK),
        in_specs=[
            pl.BlockSpec((NC, BLK, DP), lambda j, i: (0, i * (1 - j), 0)),
            pl.BlockSpec((BLK, 2), lambda j, i: (i, 0)),
            pl.BlockSpec((BLK, 1), lambda j, i: (i * (1 - j), 0)),
            pl.BlockSpec((BLK, DP), lambda j, i: (i * j, 0)),
            pl.BlockSpec((DP, DP), lambda j, i: (0, 0)),
            pl.BlockSpec((1, DP), lambda j, i: (0, 0)),
            pl.BlockSpec((1, DP), lambda j, i: (0, 0)),
            pl.BlockSpec((1, DP), lambda j, i: (0, 0)),
        ],
        out_specs=[
            pl.BlockSpec((BLK, DP), lambda j, i: (i * j, 0)),
            pl.BlockSpec((BLK, DP), lambda j, i: (i * j, 0)),
        ],
        out_shape=[
            jax.ShapeDtypeStruct((N_NODES, DP), jnp.float32),
            jax.ShapeDtypeStruct((N_NODES, DP), jnp.float32),
        ],
        scratch_shapes=[
            pltpu.VMEM((N_NODES, DP), jnp.float32),
            pltpu.VMEM((8, DP), jnp.float32),
        ],
    )(parts, norms, snorm, h_in, wp, bp, gp, bep)


def _pool_mlp_kernel(h, gid2d, wr0, br0, wr1, br1, wr2, br2):
    def body(h_ref, g_ref, w0_ref, b0_ref, w1_ref, b1_ref, w2_ref, b2_ref,
             o_ref, acc, cnt):
        i = pl.program_id(0)

        @pl.when(i == 0)
        def _():
            acc[...] = jnp.zeros_like(acc)
            cnt[...] = jnp.zeros_like(cnt)

        giota = lax.broadcasted_iota(jnp.int32, (BLK, N_GRAPHS), 1)
        onehot = (g_ref[...] == giota).astype(jnp.float32)
        acc[...] += lax.dot_general(
            onehot, h_ref[...], (((0,), (0,)), ((), ())),
            preferred_element_type=jnp.float32)
        cnt[...] += lax.dot_general(
            onehot, jnp.ones((BLK, 8), jnp.float32), (((0,), (0,)), ((), ())),
            preferred_element_type=jnp.float32)

        @pl.when(i == NBLK - 1)
        def _():
            hg = acc[...] / jnp.clip(cnt[:, 0:1], 1.0, None)
            y = jnp.dot(hg, w0_ref[...], preferred_element_type=jnp.float32)
            y = jnp.maximum(y + b0_ref[...], 0.0)
            y = jnp.dot(y, w1_ref[...], preferred_element_type=jnp.float32)
            y = jnp.maximum(y + b1_ref[...], 0.0)
            y = jnp.dot(y, w2_ref[...], preferred_element_type=jnp.float32)
            o_ref[...] = y + b2_ref[...]

    return pl.pallas_call(
        body,
        grid=(NBLK,),
        in_specs=[
            pl.BlockSpec((BLK, DP), lambda i: (i, 0)),
            pl.BlockSpec((BLK, 1), lambda i: (i, 0)),
            pl.BlockSpec((DP, 80), lambda i: (0, 0)),
            pl.BlockSpec((1, 80), lambda i: (0, 0)),
            pl.BlockSpec((80, 48), lambda i: (0, 0)),
            pl.BlockSpec((1, 48), lambda i: (0, 0)),
            pl.BlockSpec((48, 128), lambda i: (0, 0)),
            pl.BlockSpec((1, 128), lambda i: (0, 0)),
        ],
        out_specs=pl.BlockSpec((N_GRAPHS, 128), lambda i: (0, 0)),
        out_shape=jax.ShapeDtypeStruct((N_GRAPHS, 128), jnp.float32),
        scratch_shapes=[
            pltpu.VMEM((N_GRAPHS, DP), jnp.float32),
            pltpu.VMEM((N_GRAPHS, 8), jnp.float32),
        ],
    )(h, gid2d, wr0, br0, wr1, br1, wr2, br2)


def _pad2(a, r, c):
    return jnp.pad(a, ((0, r - a.shape[0]), (0, c - a.shape[1])))


def _pad_row(v, c):
    return jnp.pad(v, (0, c - v.shape[0])).reshape(1, c)


def kernel(nodes_feat, edge_index, edges_feat, nodes_num_norm_sqrt,
           edges_num_norm_sqrt, graph_ids,
           W_emb, b_emb, W1, b1, g1, be1, W2, b2, g2, be2,
           W3, b3, g3, be3, W4, b4, g4, be4,
           Wr0, br0, Wr1, br1, Wr2, br2):
    del edges_feat, edges_num_norm_sqrt

    zeros_tile = jnp.zeros((ROWS_PER_TILE, DP), jnp.float32)
    gid2d = graph_ids.reshape(N_NODES, 1)
    src = edge_index[0]
    dst = edge_index[1]

    deg2 = _sc_degrees(src, dst)
    norms = _norms_kernel(deg2)

    h, hs = _embed_kernel(nodes_feat.T, _pad2(W_emb, D, DP),
                          _pad_row(b_emb, DP), norms)

    layer_params = [
        (W1, b1, g1, be1), (W2, b2, g2, be2), (W3, b3, g3, be3), (W4, b4, g4, be4),
    ]
    for (W, b, g, be) in layer_params:
        parts = _sc_agg(hs, src, dst, zeros_tile)
        h, hs = _layer_kernel(parts, norms, nodes_num_norm_sqrt, h,
                              _pad2(W, DP, DP), _pad_row(b, DP),
                              _pad_row(g, DP), _pad_row(be, DP))

    logits = _pool_mlp_kernel(
        h, gid2d,
        _pad2(Wr0, DP, 80), _pad_row(br0, 80),
        _pad2(Wr1, 80, 48), _pad_row(br1, 48),
        _pad2(Wr2, 48, 128), _pad_row(br2, 128),
    )
    return logits[:, :N_CLASSES_OUT]

# --- scband reference (transcript-rebuilt; emitter-appended) ---
"""Pipeline reference for scband-gcnnet2-7035156431270 (READ-ONLY COPY).

The authoritative reference and input builder live on the scoring server;
editing this copy changes nothing except your own understanding.
"""

import jax, jax.numpy as jnp
import numpy as np

N_NODES = 10000
N_EDGES = 320000
N_GRAPHS = 128
D = 146
N_CLASSES = 10
EPS = 1e-5


def _lin_init(k, fan_in, shape):
    return jax.random.normal(k, shape, dtype=jnp.float32) * (1.0 / np.sqrt(fan_in))


def setup_inputs(seed: int = 0):
    key = jax.random.key(seed)
    ks = jax.random.split(key, 32)
    inp = {}
    inp["nodes_feat"] = jax.random.normal(ks[0], (N_NODES, D), dtype=jnp.float32)
    inp["edge_index"] = jax.random.randint(ks[1], (2, N_EDGES), 0, N_NODES, dtype=jnp.int32)
    inp["edges_feat"] = jax.random.normal(ks[2], (N_EDGES, 4), dtype=jnp.float32)
    inp["nodes_num_norm_sqrt"] = jax.random.uniform(ks[3], (N_NODES, 1), dtype=jnp.float32, minval=0.01, maxval=1.0)
    inp["edges_num_norm_sqrt"] = jax.random.uniform(ks[4], (N_EDGES, 1), dtype=jnp.float32, minval=0.01, maxval=1.0)
    inp["graph_ids"] = jnp.sort(jax.random.randint(ks[5], (N_NODES,), 0, N_GRAPHS, dtype=jnp.int32))
    # embedding_h Linear(146 -> 146)
    inp["W_emb"] = _lin_init(ks[6], D, (D, D)); inp["b_emb"] = jnp.zeros((D,), jnp.float32)
    # 4 GCN layers: GraphConv weight/bias + BatchNorm gamma/beta
    for i, koff in zip(range(1, 5), range(7, 23, 4)):
        inp[f"W{i}"] = _lin_init(ks[koff], D, (D, D))
        inp[f"b{i}"] = jnp.zeros((D,), jnp.float32)
        inp[f"g{i}"] = jnp.ones((D,), jnp.float32)
        inp[f"be{i}"] = jnp.zeros((D,), jnp.float32)
    # MLPReadout L=2: 146 -> 73 -> 36 -> 10
    inp["Wr0"] = _lin_init(ks[23], D, (D, D // 2)); inp["br0"] = jnp.zeros((D // 2,), jnp.float32)
    inp["Wr1"] = _lin_init(ks[24], D // 2, (D // 2, D // 4)); inp["br1"] = jnp.zeros((D // 4,), jnp.float32)
    inp["Wr2"] = _lin_init(ks[25], D // 4, (D // 4, N_CLASSES)); inp["br2"] = jnp.zeros((N_CLASSES,), jnp.float32)
    return inp


def _graph_conv(x, src, dst, W, b):
    # DGL GraphConv with norm='both': D_out^{-1/2} -> sum-aggregate -> D_in^{-1/2} -> XW + b
    ones = jnp.ones((src.shape[0],), jnp.float32)
    out_deg = jax.ops.segment_sum(ones, src, num_segments=N_NODES)
    in_deg = jax.ops.segment_sum(ones, dst, num_segments=N_NODES)
    norm_src = jnp.power(jnp.clip(out_deg, 1.0, None), -0.5)
    norm_dst = jnp.power(jnp.clip(in_deg, 1.0, None), -0.5)
    h = x * norm_src[:, None]
    agg = jax.ops.segment_sum(h[src], dst, num_segments=N_NODES)
    agg = agg * norm_dst[:, None]
    return agg @ W + b


def _batch_norm(h, gamma, beta):
    mean = jnp.mean(h, axis=0)
    var = jnp.var(h, axis=0)
    return (h - mean) / jnp.sqrt(var + EPS) * gamma + beta


def _gcn_layer(x, src, dst, snorm_n, W, b, gamma, beta):
    h_in = x
    h = _graph_conv(x, src, dst, W, b)
    h = h * snorm_n              # graph_norm
    h = _batch_norm(h, gamma, beta)
    h = jax.nn.relu(h)
    h = h_in + h                 # residual (in_dim == out_dim)
    return h                     # dropout = 0.0


def reference(nodes_feat, edge_index, edges_feat, nodes_num_norm_sqrt, edges_num_norm_sqrt, graph_ids,
              W_emb, b_emb, W1, b1, g1, be1, W2, b2, g2, be2, W3, b3, g3, be3, W4, b4, g4, be4,
              Wr0, br0, Wr1, br1, Wr2, br2):
    src = edge_index[0]
    dst = edge_index[1]
    h = nodes_feat @ W_emb + b_emb
    h = _gcn_layer(h, src, dst, nodes_num_norm_sqrt, W1, b1, g1, be1)
    h = _gcn_layer(h, src, dst, nodes_num_norm_sqrt, W2, b2, g2, be2)
    h = _gcn_layer(h, src, dst, nodes_num_norm_sqrt, W3, b3, g3, be3)
    h = _gcn_layer(h, src, dst, nodes_num_norm_sqrt, W4, b4, g4, be4)
    # dgl.mean_nodes: per-graph mean over nodes
    sums = jax.ops.segment_sum(h, graph_ids, num_segments=N_GRAPHS)
    cnts = jax.ops.segment_sum(jnp.ones((N_NODES,), jnp.float32), graph_ids, num_segments=N_GRAPHS)
    hg = sums / jnp.clip(cnts, 1.0, None)[:, None]
    # MLPReadout
    y = jax.nn.relu(hg @ Wr0 + br0)
    y = jax.nn.relu(y @ Wr1 + br1)
    logits = y @ Wr2 + br2
    return logits

if __name__ == "__main__":
    import jax
    _d = setup_inputs()
    print(jax.jit(kernel)(*tuple(_d.values())))

</pallas_src>

<mosaic_0001>
#map = affine_map<(d0, d1) -> (0)>
#map1 = affine_map<(d0, d1) -> (0, 0)>
module attributes {stable_mosaic.version = 14 : i64} {
  func.func @k(%arg0: i32, %arg1: i32, %arg2: memref<320000xi32, #tpu.memory_space<hbm>>, %arg3: memref<320000xi32, #tpu.memory_space<hbm>>, %arg4: memref<2x10240xf32, #tpu.memory_space<hbm>>, %arg5: memref<16x2x10240xf32, #tpu.memory_space<vmem_shared>>, %arg6: memref<10240xf32, #tpu.memory_space<vmem>>, %arg7: memref<10240xf32, #tpu.memory_space<vmem>>, %arg8: memref<20000xi32, #tpu.memory_space<vmem>>, %arg9: memref<20000xi32, #tpu.memory_space<vmem>>, %arg10: memref<16x2x640xf32, #tpu.memory_space<vmem>>, %arg11: memref<2x640xf32, #tpu.memory_space<vmem>>) attributes {dimension_semantics = [#tpu.dimension_semantics<core_parallel>, #tpu.dimension_semantics<subcore_parallel>], iteration_bounds = array<i64: 2, 16>, scalar_prefetch = 0 : i64, scratch_operands = 7 : i64, tpu.core_type = #tpu.core_type<sc_vector_subcore>, window_params = [{transform_indices = #map}, {transform_indices = #map}, {transform_indices = #map1}]} {
    %eq3A = arith.constant 0 : i32
    %eq3A_0 = arith.cmpi eq, %arg0, %eq3A : i32
    %convert_element_type3A = arith.extui %eq3A_0 : i1 to i32
    %cond3A = arith.constant 0 : i32
    %cond3A_1 = arith.cmpi ne, %convert_element_type3A, %cond3A : i32
    scf.if %cond3A_1 {
      %broadcast_in_dim3A = arith.constant 0.000000e+00 : f32
      %broadcast_in_dim3A_2 = vector.broadcast %broadcast_in_dim3A : f32 to vector<16xf32>
      %scan3A = arith.constant 0 : i32
      %scan3A_3 = arith.constant 0 : i32
      %scan3A_4 = arith.constant 640 : i32
      %scan3A_5 = arith.addi %scan3A_3, %scan3A_4 : i32
      %scan3A_6 = arith.constant 1 : i32
      scf.for %scan3A_34 = %scan3A_3 to %scan3A_5 step %scan3A_6  : i32 {
        %mul3A_35 = arith.constant 16 : i32
        %mul3A_36 = arith.muli %scan3A_34, %mul3A_35 : i32
        %swap3A = arith.index_cast %mul3A_36 : i32 to index
        %swap3A_37 = tpu.vector_load %arg6[%swap3A] {strides = array<i32>} : memref<10240xf32, #tpu.memory_space<vmem>>, vector<16xf32>,
        tpu.vector_store %arg6[%swap3A], %broadcast_in_dim3A_2 {strides = array<i32>} : memref<10240xf32, #tpu.memory_space<vmem>>, vector<16xf32>,
        %mul3A_38 = arith.constant 16 : i32
        %mul3A_39 = arith.muli %scan3A_34, %mul3A_38 : i32
        %swap3A_40 = arith.index_cast %mul3A_39 : i32 to index
        %swap3A_41 = tpu.vector_load %arg7[%swap3A_40] {strides = array<i32>} : memref<10240xf32, #tpu.memory_space<vmem>>, vector<16xf32>,
        tpu.vector_store %arg7[%swap3A_40], %broadcast_in_dim3A_2 {strides = array<i32>} : memref<10240xf32, #tpu.memory_space<vmem>>, vector<16xf32>,
      }
      %scan3A_7 = arith.constant 640 : i32
      %mul3A = arith.constant 20000 : i32
      %mul3A_8 = arith.muli %arg1, %mul3A : i32
      "tpu.region"() ({
        %run_scoped3A_34 = tpu.sem_alloc : memref<!tpu.dma_semaphore, #tpu.memory_space<semaphore_mem>>
        %dma_start3A = tpu.memref_slice %arg2[%mul3A_8] : memref<320000xi32, #tpu.memory_space<hbm>> -> memref<20000xi32, #tpu.memory_space<hbm>>
        %dma_start3A_35 = tpu.memref_slice %arg2[%mul3A_8] : memref<320000xi32, #tpu.memory_space<hbm>> -> memref<20000xi32, #tpu.memory_space<hbm>>
        tpu.enqueue_dma source(%dma_start3A_35 : memref<20000xi32, #tpu.memory_space<hbm>>) target(%arg8 : memref<20000xi32, #tpu.memory_space<vmem>>) target_semaphore(%run_scoped3A_34 : memref<!tpu.dma_semaphore, #tpu.memory_space<semaphore_mem>>)
        %dma_wait3A = tpu.memref_slice %arg2[%mul3A_8] : memref<320000xi32, #tpu.memory_space<hbm>> -> memref<20000xi32, #tpu.memory_space<hbm>>
        %dma_wait3A_36 = tpu.memref_slice %arg2[%mul3A_8] : memref<320000xi32, #tpu.memory_space<hbm>> -> memref<20000xi32, #tpu.memory_space<hbm>>
        tpu.wait_dma2 semaphore(%run_scoped3A_34 : memref<!tpu.dma_semaphore, #tpu.memory_space<semaphore_mem>>) src(%dma_wait3A_36 : memref<20000xi32, #tpu.memory_space<hbm>>) dst(%arg8 : memref<20000xi32, #tpu.memory_space<vmem>>)
        tpu.yield
      }) : () -> ()
      "tpu.region"() ({
        %run_scoped3A_34 = tpu.sem_alloc : memref<!tpu.dma_semaphore, #tpu.memory_space<semaphore_mem>>
        %dma_start3A = tpu.memref_slice %arg3[%mul3A_8] : memref<320000xi32, #tpu.memory_space<hbm>> -> memref<20000xi32, #tpu.memory_space<hbm>>
        %dma_start3A_35 = tpu.memref_slice %arg3[%mul3A_8] : memref<320000xi32, #tpu.memory_space<hbm>> -> memref<20000xi32, #tpu.memory_space<hbm>>
        tpu.enqueue_dma source(%dma_start3A_35 : memref<20000xi32, #tpu.memory_space<hbm>>) target(%arg9 : memref<20000xi32, #tpu.memory_space<vmem>>) target_semaphore(%run_scoped3A_34 : memref<!tpu.dma_semaphore, #tpu.memory_space<semaphore_mem>>)
        %dma_wait3A = tpu.memref_slice %arg3[%mul3A_8] : memref<320000xi32, #tpu.memory_space<hbm>> -> memref<20000xi32, #tpu.memory_space<hbm>>
        %dma_wait3A_36 = tpu.memref_slice %arg3[%mul3A_8] : memref<320000xi32, #tpu.memory_space<hbm>> -> memref<20000xi32, #tpu.memory_space<hbm>>
        tpu.wait_dma2 semaphore(%run_scoped3A_34 : memref<!tpu.dma_semaphore, #tpu.memory_space<semaphore_mem>>) src(%dma_wait3A_36 : memref<20000xi32, #tpu.memory_space<hbm>>) dst(%arg9 : memref<20000xi32, #tpu.memory_space<vmem>>)
        tpu.yield
      }) : () -> ()
      %broadcast_in_dim3A_9 = arith.constant 1.000000e+00 : f32
      %broadcast_in_dim3A_10 = vector.broadcast %broadcast_in_dim3A_9 : f32 to vector<16xf32>
      %scan3A_11 = arith.constant 0 : i32
      %scan3A_12 = arith.constant 0 : i32
      %scan3A_13 = arith.constant 1250 : i32
      %scan3A_14 = arith.addi %scan3A_12, %scan3A_13 : i32
      %scan3A_15 = arith.constant 1 : i32
      scf.for %scan3A_34 = %scan3A_12 to %scan3A_14 step %scan3A_15  : i32 {
        %mul3A_35 = arith.constant 16 : i32
        %mul3A_36 = arith.muli %scan3A_34, %mul3A_35 : i32
        %get3A = arith.index_cast %mul3A_36 : i32 to index
        %get3A_37 = tpu.vector_load %arg8[%get3A] {strides = array<i32>} : memref<20000xi32, #tpu.memory_space<vmem>>, vector<16xi32>,
        %mul3A_38 = arith.constant 16 : i32
        %mul3A_39 = arith.muli %scan3A_34, %mul3A_38 : i32
        %get3A_40 = arith.index_cast %mul3A_39 : i32 to index
        %get3A_41 = tpu.vector_load %arg9[%get3A_40] {strides = array<i32>} : memref<20000xi32, #tpu.memory_space<vmem>>, vector<16xi32>,
        tpu.vector_store_idx %arg6[%get3A_37], %broadcast_in_dim3A_10 {add = true} : memref<10240xf32, #tpu.memory_space<vmem>>[vector<16xi32>], vector<16xf32>,
        tpu.vector_store_idx %arg7[%get3A_41], %broadcast_in_dim3A_10 {add = true} : memref<10240xf32, #tpu.memory_space<vmem>>[vector<16xi32>], vector<16xf32>,
      }
      %scan3A_16 = arith.constant 1250 : i32
      %run_scoped3A = arith.constant 0 : i32
      "tpu.region"() ({
        %run_scoped3A_34 = tpu.sem_alloc : memref<!tpu.dma_semaphore, #tpu.memory_space<semaphore_mem>>
        %dma_start3A = arith.constant 0 : i32
        %dma_start3A_35 = tpu.memref_slice %arg5[%arg1, %run_scoped3A, %dma_start3A] : memref<16x2x10240xf32, #tpu.memory_space<vmem_shared>> -> memref<1x1x10240xf32, #tpu.memory_space<vmem_shared>>
        %dma_start3A_36 = tpu.memref_squeeze %dma_start3A_35 : memref<1x1x10240xf32, #tpu.memory_space<vmem_shared>> -> memref<10240xf32, #tpu.memory_space<vmem_shared>>
        %dma_start3A_37 = arith.constant 0 : i32
        %dma_start3A_38 = tpu.memref_slice %arg5[%arg1, %run_scoped3A, %dma_start3A_37] : memref<16x2x10240xf32, #tpu.memory_space<vmem_shared>> -> memref<1x1x10240xf32, #tpu.memory_space<vmem_shared>>
        %dma_start3A_39 = tpu.memref_squeeze %dma_start3A_38 : memref<1x1x10240xf32, #tpu.memory_space<vmem_shared>> -> memref<10240xf32, #tpu.memory_space<vmem_shared>>
        tpu.enqueue_dma source(%arg6 : memref<10240xf32, #tpu.memory_space<vmem>>) target(%dma_start3A_39 : memref<10240xf32, #tpu.memory_space<vmem_shared>>) target_semaphore(%run_scoped3A_34 : memref<!tpu.dma_semaphore, #tpu.memory_space<semaphore_mem>>)
        %dma_wait3A = arith.constant 0 : i32
        %dma_wait3A_40 = tpu.memref_slice %arg5[%arg1, %run_scoped3A, %dma_wait3A] : memref<16x2x10240xf32, #tpu.memory_space<vmem_shared>> -> memref<1x1x10240xf32, #tpu.memory_space<vmem_shared>>
        %dma_wait3A_41 = tpu.memref_squeeze %dma_wait3A_40 : memref<1x1x10240xf32, #tpu.memory_space<vmem_shared>> -> memref<10240xf32, #tpu.memory_space<vmem_shared>>
        %dma_wait3A_42 = arith.constant 0 : i32
        %dma_wait3A_43 = tpu.memref_slice %arg5[%arg1, %run_scoped3A, %dma_wait3A_42] : memref<16x2x10240xf32, #tpu.memory_space<vmem_shared>> -> memref<1x1x10240xf32, #tpu.memory_space<vmem_shared>>
        %dma_wait3A_44 = tpu.memref_squeeze %dma_wait3A_43 : memref<1x1x10240xf32, #tpu.memory_space<vmem_shared>> -> memref<10240xf32, #tpu.memory_space<vmem_shared>>
        tpu.wait_dma2 semaphore(%run_scoped3A_34 : memref<!tpu.dma_semaphore, #tpu.memory_space<semaphore_mem>>) src(%arg6 : memref<10240xf32, #tpu.memory_space<vmem>>) dst(%dma_wait3A_44 : memref<10240xf32, #tpu.memory_space<vmem_shared>>)
        tpu.yield
      }) : () -> ()
      %run_scoped3A_17 = arith.constant 1 : i32
      "tpu.region"() ({
        %run_scoped3A_34 = tpu.sem_alloc : memref<!tpu.dma_semaphore, #tpu.memory_space<semaphore_mem>>
        %dma_start3A = arith.constant 0 : i32
        %dma_start3A_35 = tpu.memref_slice %arg5[%arg1, %run_scoped3A_17, %dma_start3A] : memref<16x2x10240xf32, #tpu.memory_space<vmem_shared>> -> memref<1x1x10240xf32, #tpu.memory_space<vmem_shared>>
        %dma_start3A_36 = tpu.memref_squeeze %dma_start3A_35 : memref<1x1x10240xf32, #tpu.memory_space<vmem_shared>> -> memref<10240xf32, #tpu.memory_space<vmem_shared>>
        %dma_start3A_37 = arith.constant 0 : i32
        %dma_start3A_38 = tpu.memref_slice %arg5[%arg1, %run_scoped3A_17, %dma_start3A_37] : memref<16x2x10240xf32, #tpu.memory_space<vmem_shared>> -> memref<1x1x10240xf32, #tpu.memory_space<vmem_shared>>
        %dma_start3A_39 = tpu.memref_squeeze %dma_start3A_38 : memref<1x1x10240xf32, #tpu.memory_space<vmem_shared>> -> memref<10240xf32, #tpu.memory_space<vmem_shared>>
        tpu.enqueue_dma source(%arg7 : memref<10240xf32, #tpu.memory_space<vmem>>) target(%dma_start3A_39 : memref<10240xf32, #tpu.memory_space<vmem_shared>>) target_semaphore(%run_scoped3A_34 : memref<!tpu.dma_semaphore, #tpu.memory_space<semaphore_mem>>)
        %dma_wait3A = arith.constant 0 : i32
        %dma_wait3A_40 = tpu.memref_slice %arg5[%arg1, %run_scoped3A_17, %dma_wait3A] : memref<16x2x10240xf32, #tpu.memory_space<vmem_shared>> -> memref<1x1x10240xf32, #tpu.memory_space<vmem_shared>>
        %dma_wait3A_41 = tpu.memref_squeeze %dma_wait3A_40 : memref<1x1x10240xf32, #tpu.memory_space<vmem_shared>> -> memref<10240xf32, #tpu.memory_space<vmem_shared>>
        %dma_wait3A_42 = arith.constant 0 : i32
        %dma_wait3A_43 = tpu.memref_slice %arg5[%arg1, %run_scoped3A_17, %dma_wait3A_42] : memref<16x2x10240xf32, #tpu.memory_space<vmem_shared>> -> memref<1x1x10240xf32, #tpu.memory_space<vmem_shared>>
        %dma_wait3A_44 = tpu.memref_squeeze %dma_wait3A_43 : memref<1x1x10240xf32, #tpu.memory_space<vmem_shared>> -> memref<10240xf32, #tpu.memory_space<vmem_shared>>
        tpu.wait_dma2 semaphore(%run_scoped3A_34 : memref<!tpu.dma_semaphore, #tpu.memory_space<semaphore_mem>>) src(%arg7 : memref<10240xf32, #tpu.memory_space<vmem>>) dst(%dma_wait3A_44 : memref<10240xf32, #tpu.memory_space<vmem_shared>>)
        tpu.yield
      }) : () -> ()
      %barrier3A = arith.constant 0 : index
      tpu.barrier barrier_id(%barrier3A)
      %mul3A_18 = arith.constant 640 : i32
      %mul3A_19 = arith.muli %arg1, %mul3A_18 : i32
      "tpu.region"() ({
        %run_scoped3A_34 = tpu.sem_alloc : memref<!tpu.dma_semaphore, #tpu.memory_space<semaphore_mem>>
        %dma_start3A = arith.constant 0 : i32
        %dma_start3A_35 = arith.constant 0 : i32
        %dma_start3A_36 = tpu.memref_slice %arg5[%dma_start3A, %dma_start3A_35, %mul3A_19] : memref<16x2x10240xf32, #tpu.memory_space<vmem_shared>> -> memref<16x2x640xf32, #tpu.memory_space<vmem_shared>>
        %dma_start3A_37 = arith.constant 0 : i32
        %dma_start3A_38 = arith.constant 0 : i32
        %dma_start3A_39 = tpu.memref_slice %arg5[%dma_start3A_37, %dma_start3A_38, %mul3A_19] : memref<16x2x10240xf32, #tpu.memory_space<vmem_shared>> -> memref<16x2x640xf32, #tpu.memory_space<vmem_shared>>
        tpu.enqueue_dma source(%dma_start3A_39 : memref<16x2x640xf32, #tpu.memory_space<vmem_shared>>) target(%arg10 : memref<16x2x640xf32, #tpu.memory_space<vmem>>) target_semaphore(%run_scoped3A_34 : memref<!tpu.dma_semaphore, #tpu.memory_space<semaphore_mem>>)
        %dma_wait3A = arith.constant 0 : i32
        %dma_wait3A_40 = arith.constant 0 : i32
        %dma_wait3A_41 = tpu.memref_slice %arg5[%dma_wait3A, %dma_wait3A_40, %mul3A_19] : memref<16x2x10240xf32, #tpu.memory_space<vmem_shared>> -> memref<16x2x640xf32, #tpu.memory_space<vmem_shared>>
        %dma_wait3A_42 = arith.constant 0 : i32
        %dma_wait3A_43 = arith.constant 0 : i32
        %dma_wait3A_44 = tpu.memref_slice %arg5[%dma_wait3A_42, %dma_wait3A_43, %mul3A_19] : memref<16x2x10240xf32, #tpu.memory_space<vmem_shared>> -> memref<16x2x640xf32, #tpu.memory_space<vmem_shared>>
        tpu.wait_dma2 semaphore(%run_scoped3A_34 : memref<!tpu.dma_semaphore, #tpu.memory_space<semaphore_mem>>) src(%dma_wait3A_44 : memref<16x2x640xf32, #tpu.memory_space<vmem_shared>>) dst(%arg10 : memref<16x2x640xf32, #tpu.memory_space<vmem>>)
        tpu.yield
      }) : () -> ()
      %scan3A_20 = arith.constant 0 : i32
      %scan3A_21 = arith.constant 0 : i32
      %scan3A_22 = arith.constant 40 : i32
      %scan3A_23 = arith.addi %scan3A_21, %scan3A_22 : i32
      %scan3A_24 = arith.constant 1 : i32
      scf.for %scan3A_34 = %scan3A_21 to %scan3A_23 step %scan3A_24  : i32 {
        %mul3A_35 = arith.constant 16 : i32
        %mul3A_36 = arith.muli %scan3A_34, %mul3A_35 : i32
        %get3A = arith.constant 0 : i32
        %get3A_37 = arith.constant 0 : i32
        %get3A_38 = arith.index_cast %get3A : i32 to index
        %get3A_39 = arith.index_cast %get3A_37 : i32 to index
        %get3A_40 = arith.index_cast %mul3A_36 : i32 to index
        %get3A_41 = tpu.vector_load %arg10[%get3A_38, %get3A_39, %get3A_40] {strides = array<i32>} : memref<16x2x640xf32, #tpu.memory_space<vmem>>, vector<16xf32>,
        %mul3A_42 = arith.constant 16 : i32
        %mul3A_43 = arith.muli %scan3A_34, %mul3A_42 : i32
        %get3A_44 = arith.constant 1 : i32
        %get3A_45 = arith.constant 0 : i32
        %get3A_46 = arith.index_cast %get3A_44 : i32 to index
        %get3A_47 = arith.index_cast %get3A_45 : i32 to index
        %get3A_48 = arith.index_cast %mul3A_43 : i32 to index
        %get3A_49 = tpu.vector_load %arg10[%get3A_46, %get3A_47, %get3A_48] {strides = array<i32>} : memref<16x2x640xf32, #tpu.memory_space<vmem>>, vector<16xf32>,
        %add3A = arith.addf %get3A_41, %get3A_49 : vector<16xf32>
        %mul3A_50 = arith.constant 16 : i32
        %mul3A_51 = arith.muli %scan3A_34, %mul3A_50 : i32
        %get3A_52 = arith.constant 2 : i32
        %get3A_53 = arith.constant 0 : i32
        %get3A_54 = arith.index_cast %get3A_52 : i32 to index
        %get3A_55 = arith.index_cast %get3A_53 : i32 to index
        %get3A_56 = arith.index_cast %mul3A_51 : i32 to index
        %get3A_57 = tpu.vector_load %arg10[%get3A_54, %get3A_55, %get3A_56] {strides = array<i32>} : memref<16x2x640xf32, #tpu.memory_space<vmem>>, vector<16xf32>,
        %add3A_58 = arith.addf %add3A, %get3A_57 : vector<16xf32>
        %mul3A_59 = arith.constant 16 : i32
        %mul3A_60 = arith.muli %scan3A_34, %mul3A_59 : i32
        %get3A_61 = arith.constant 3 : i32
        %get3A_62 = arith.constant 0 : i32
        %get3A_63 = arith.index_cast %get3A_61 : i32 to index
        %get3A_64 = arith.index_cast %get3A_62 : i32 to index
        %get3A_65 = arith.index_cast %mul3A_60 : i32 to index
        %get3A_66 = tpu.vector_load %arg10[%get3A_63, %get3A_64, %get3A_65] {strides = array<i32>} : memref<16x2x640xf32, #tpu.memory_space<vmem>>, vector<16xf32>,
        %add3A_67 = arith.addf %add3A_58, %get3A_66 : vector<16xf32>
        %mul3A_68 = arith.constant 16 : i32
        %mul3A_69 = arith.muli %scan3A_34, %mul3A_68 : i32
        %get3A_70 = arith.constant 4 : i32
        %get3A_71 = arith.constant 0 : i32
        %get3A_72 = arith.index_cast %get3A_70 : i32 to index
        %get3A_73 = arith.index_cast %get3A_71 : i32 to index
        %get3A_74 = arith.index_cast %mul3A_69 : i32 to index
        %get3A_75 = tpu.vector_load %arg10[%get3A_72, %get3A_73, %get3A_74] {strides = array<i32>} : memref<16x2x640xf32, #tpu.memory_space<vmem>>, vector<16xf32>,
        %add3A_76 = arith.addf %add3A_67, %get3A_75 : vector<16xf32>
        %mul3A_77 = arith.constant 16 : i32
        %mul3A_78 = arith.muli %scan3A_34, %mul3A_77 : i32
        %get3A_79 = arith.constant 5 : i32
        %get3A_80 = arith.constant 0 : i32
        %get3A_81 = arith.index_cast %get3A_79 : i32 to index
        %get3A_82 = arith.index_cast %get3A_80 : i32 to index
        %get3A_83 = arith.index_cast %mul3A_78 : i32 to index
        %get3A_84 = tpu.vector_load %arg10[%get3A_81, %get3A_82, %get3A_83] {strides = array<i32>} : memref<16x2x640xf32, #tpu.memory_space<vmem>>, vector<16xf32>,
        %add3A_85 = arith.addf %add3A_76, %get3A_84 : vector<16xf32>
        %mul3A_86 = arith.constant 16 : i32
        %mul3A_87 = arith.muli %scan3A_34, %mul3A_86 : i32
        %get3A_88 = arith.constant 6 : i32
        %get3A_89 = arith.constant 0 : i32
        %get3A_90 = arith.index_cast %get3A_88 : i32 to index
        %get3A_91 = arith.index_cast %get3A_89 : i32 to index
        %get3A_92 = arith.index_cast %mul3A_87 : i32 to index
        %get3A_93 = tpu.vector_load %arg10[%get3A_90, %get3A_91, %get3A_92] {strides = array<i32>} : memref<16x2x640xf32, #tpu.memory_space<vmem>>, vector<16xf32>,
        %add3A_94 = arith.addf %add3A_85, %get3A_93 : vector<16xf32>
        %mul3A_95 = arith.constant 16 : i32
        %mul3A_96 = arith.muli %scan3A_34, %mul3A_95 : i32
        %get3A_97 = arith.constant 7 : i32
        %get3A_98 = arith.constant 0 : i32
        %get3A_99 = arith.index_cast %get3A_97 : i32 to index
        %get3A_100 = arith.index_cast %get3A_98 : i32 to index
        %get3A_101 = arith.index_cast %mul3A_96 : i32 to index
        %get3A_102 = tpu.vector_load %arg10[%get3A_99, %get3A_100, %get3A_101] {strides = array<i32>} : memref<16x2x640xf32, #tpu.memory_space<vmem>>, vector<16xf32>,
        %add3A_103 = arith.addf %add3A_94, %get3A_102 : vector<16xf32>
        %mul3A_104 = arith.constant 16 : i32
        %mul3A_105 = arith.muli %scan3A_34, %mul3A_104 : i32
        %get3A_106 = arith.constant 8 : i32
        %get3A_107 = arith.constant 0 : i32
        %get3A_108 = arith.index_cast %get3A_106 : i32 to index
        %get3A_109 = arith.index_cast %get3A_107 : i32 to index
        %get3A_110 = arith.index_cast %mul3A_105 : i32 to index
        %get3A_111 = tpu.vector_load %arg10[%get3A_108, %get3A_109, %get3A_110] {strides = array<i32>} : memref<16x2x640xf32, #tpu.memory_space<vmem>>, vector<16xf32>,
        %add3A_112 = arith.addf %add3A_103, %get3A_111 : vector<16xf32>
        %mul3A_113 = arith.constant 16 : i32
        %mul3A_114 = arith.muli %scan3A_34, %mul3A_113 : i32
        %get3A_115 = arith.constant 9 : i32
        %get3A_116 = arith.constant 0 : i32
        %get3A_117 = arith.index_cast %get3A_115 : i32 to index
        %get3A_118 = arith.index_cast %get3A_116 : i32 to index
        %get3A_119 = arith.index_cast %mul3A_114 : i32 to index
        %get3A_120 = tpu.vector_load %arg10[%get3A_117, %get3A_118, %get3A_119] {strides = array<i32>} : memref<16x2x640xf32, #tpu.memory_space<vmem>>, vector<16xf32>,
        %add3A_121 = arith.addf %add3A_112, %get3A_120 : vector<16xf32>
        %mul3A_122 = arith.constant 16 : i32
        %mul3A_123 = arith.muli %scan3A_34, %mul3A_122 : i32
        %get3A_124 = arith.constant 10 : i32
        %get3A_125 = arith.constant 0 : i32
        %get3A_126 = arith.index_cast %get3A_124 : i32 to index
        %get3A_127 = arith.index_cast %get3A_125 : i32 to index
        %get3A_128 = arith.index_cast %mul3A_123 : i32 to index
        %get3A_129 = tpu.vector_load %arg10[%get3A_126, %get3A_127, %get3A_128] {strides = array<i32>} : memref<16x2x640xf32, #tpu.memory_space<vmem>>, vector<16xf32>,
        %add3A_130 = arith.addf %add3A_121, %get3A_129 : vector<16xf32>
        %mul3A_131 = arith.constant 16 : i32
        %mul3A_132 = arith.muli %scan3A_34, %mul3A_131 : i32
        %get3A_133 = arith.constant 11 : i32
        %get3A_134 = arith.constant 0 : i32
        %get3A_135 = arith.index_cast %get3A_133 : i32 to index
        %get3A_136 = arith.index_cast %get3A_134 : i32 to index
        %get3A_137 = arith.index_cast %mul3A_132 : i32 to index
        %get3A_138 = tpu.vector_load %arg10[%get3A_135, %get3A_136, %get3A_137] {strides = array<i32>} : memref<16x2x640xf32, #tpu.memory_space<vmem>>, vector<16xf32>,
        %add3A_139 = arith.addf %add3A_130, %get3A_138 : vector<16xf32>
        %mul3A_140 = arith.constant 16 : i32
        %mul3A_141 = arith.muli %scan3A_34, %mul3A_140 : i32
        %get3A_142 = arith.constant 12 : i32
        %get3A_143 = arith.constant 0 : i32
        %get3A_144 = arith.index_cast %get3A_142 : i32 to index
        %get3A_145 = arith.index_cast %get3A_143 : i32 to index
        %get3A_146 = arith.index_cast %mul3A_141 : i32 to index
        %get3A_147 = tpu.vector_load %arg10[%get3A_144, %get3A_145, %get3A_146] {strides = array<i32>} : memref<16x2x640xf32, #tpu.memory_space<vmem>>, vector<16xf32>,
        %add3A_148 = arith.addf %add3A_139, %get3A_147 : vector<16xf32>
        %mul3A_149 = arith.constant 16 : i32
        %mul3A_150 = arith.muli %scan3A_34, %mul3A_149 : i32
        %get3A_151 = arith.constant 13 : i32
        %get3A_152 = arith.constant 0 : i32
        %get3A_153 = arith.index_cast %get3A_151 : i32 to index
        %get3A_154 = arith.index_cast %get3A_152 : i32 to index
        %get3A_155 = arith.index_cast %mul3A_150 : i32 to index
        %get3A_156 = tpu.vector_load %arg10[%get3A_153, %get3A_154, %get3A_155] {strides = array<i32>} : memref<16x2x640xf32, #tpu.memory_space<vmem>>, vector<16xf32>,
        %add3A_157 = arith.addf %add3A_148, %get3A_156 : vector<16xf32>
        %mul3A_158 = arith.constant 16 : i32
        %mul3A_159 = arith.muli %scan3A_34, %mul3A_158 : i32
        %get3A_160 = arith.constant 14 : i32
        %get3A_161 = arith.constant 0 : i32
        %get3A_162 = arith.index_cast %get3A_160 : i32 to index
        %get3A_163 = arith.index_cast %get3A_161 : i32 to index
        %get3A_164 = arith.index_cast %mul3A_159 : i32 to index
        %get3A_165 = tpu.vector_load %arg10[%get3A_162, %get3A_163, %get3A_164] {strides = array<i32>} : memref<16x2x640xf32, #tpu.memory_space<vmem>>, vector<16xf32>,
        %add3A_166 = arith.addf %add3A_157, %get3A_165 : vector<16xf32>
        %mul3A_167 = arith.constant 16 : i32
        %mul3A_168 = arith.muli %scan3A_34, %mul3A_167 : i32
        %get3A_169 = arith.constant 15 : i32
        %get3A_170 = arith.constant 0 : i32
        %get3A_171 = arith.index_cast %get3A_169 : i32 to index
        %get3A_172 = arith.index_cast %get3A_170 : i32 to index
        %get3A_173 = arith.index_cast %mul3A_168 : i32 to index
        %get3A_174 = tpu.vector_load %arg10[%get3A_171, %get3A_172, %get3A_173] {strides = array<i32>} : memref<16x2x640xf32, #tpu.memory_space<vmem>>, vector<16xf32>,
        %add3A_175 = arith.addf %add3A_166, %get3A_174 : vector<16xf32>
        %mul3A_176 = arith.constant 16 : i32
        %mul3A_177 = arith.muli %scan3A_34, %mul3A_176 : i32
        %swap3A = arith.constant 0 : i32
        %swap3A_178 = arith.index_cast %swap3A : i32 to index
        %swap3A_179 = arith.index_cast %mul3A_177 : i32 to index
        %swap3A_180 = tpu.vector_load %arg11[%swap3A_178, %swap3A_179] {strides = array<i32>} : memref<2x640xf32, #tpu.memory_space<vmem>>, vector<16xf32>,
        tpu.vector_store %arg11[%swap3A_178, %swap3A_179], %add3A_175 {strides = array<i32>} : memref<2x640xf32, #tpu.memory_space<vmem>>, vector<16xf32>,
        %mul3A_181 = arith.constant 16 : i32
        %mul3A_182 = arith.muli %scan3A_34, %mul3A_181 : i32
        %get3A_183 = arith.constant 0 : i32
        %get3A_184 = arith.constant 1 : i32
        %get3A_185 = arith.index_cast %get3A_183 : i32 to index
        %get3A_186 = arith.index_cast %get3A_184 : i32 to index
        %get3A_187 = arith.index_cast %mul3A_182 : i32 to index
        %get3A_188 = tpu.vector_load %arg10[%get3A_185, %get3A_186, %get3A_187] {strides = array<i32>} : memref<16x2x640xf32, #tpu.memory_space<vmem>>, vector<16xf32>,
        %mul3A_189 = arith.constant 16 : i32
        %mul3A_190 = arith.muli %scan3A_34, %mul3A_189 : i32
        %get3A_191 = arith.constant 1 : i32
        %get3A_192 = arith.constant 1 : i32
        %get3A_193 = arith.index_cast %get3A_191 : i32 to index
        %get3A_194 = arith.index_cast %get3A_192 : i32 to index
        %get3A_195 = arith.index_cast %mul3A_190 : i32 to index
        %get3A_196 = tpu.vector_load %arg10[%get3A_193, %get3A_194, %get3A_195] {strides = array<i32>} : memref<16x2x640xf32, #tpu.memory_space<vmem>>, vector<16xf32>,
        %add3A_197 = arith.addf %get3A_188, %get3A_196 : vector<16xf32>
        %mul3A_198 = arith.constant 16 : i32
        %mul3A_199 = arith.muli %scan3A_34, %mul3A_198 : i32
        %get3A_200 = arith.constant 2 : i32
        %get3A_201 = arith.constant 1 : i32
        %get3A_202 = arith.index_cast %get3A_200 : i32 to index
        %get3A_203 = arith.index_cast %get3A_201 : i32 to index
        %get3A_204 = arith.index_cast %mul3A_199 : i32 to index
        %get3A_205 = tpu.vector_load %arg10[%get3A_202, %get3A_203, %get3A_204] {strides = array<i32>} : memref<16x2x640xf32, #tpu.memory_space<vmem>>, vector<16xf32>,
        %add3A_206 = arith.addf %add3A_197, %get3A_205 : vector<16xf32>
        %mul3A_207 = arith.constant 16 : i32
        %mul3A_208 = arith.muli %scan3A_34, %mul3A_207 : i32
        %get3A_209 = arith.constant 3 : i32
        %get3A_210 = arith.constant 1 : i32
        %get3A_211 = arith.index_cast %get3A_209 : i32 to index
        %get3A_212 = arith.index_cast %get3A_210 : i32 to index
        %get3A_213 = arith.index_cast %mul3A_208 : i32 to index
        %get3A_214 = tpu.vector_load %arg10[%get3A_211, %get3A_212, %get3A_213] {strides = array<i32>} : memref<16x2x640xf32, #tpu.memory_space<vmem>>, vector<16xf32>,
        %add3A_215 = arith.addf %add3A_206, %get3A_214 : vector<16xf32>
        %mul3A_216 = arith.constant 16 : i32
        %mul3A_217 = arith.muli %scan3A_34, %mul3A_216 : i32
        %get3A_218 = arith.constant 4 : i32
        %get3A_219 = arith.constant 1 : i32
        %get3A_220 = arith.index_cast %get3A_218 : i32 to index
        %get3A_221 = arith.index_cast %get3A_219 : i32 to index
        %get3A_222 = arith.index_cast %mul3A_217 : i32 to index
        %get3A_223 = tpu.vector_load %arg10[%get3A_220, %get3A_221, %get3A_222] {strides = array<i32>} : memref<16x2x640xf32, #tpu.memory_space<vmem>>, vector<16xf32>,
        %add3A_224 = arith.addf %add3A_215, %get3A_223 : vector<16xf32>
        %mul3A_225 = arith.constant 16 : i32
        %mul3A_226 = arith.muli %scan3A_34, %mul3A_225 : i32
        %get3A_227 = arith.constant 5 : i32
        %get3A_228 = arith.constant 1 : i32
        %get3A_229 = arith.index_cast %get3A_227 : i32 to index
        %get3A_230 = arith.index_cast %get3A_228 : i32 to index
        %get3A_231 = arith.index_cast %mul3A_226 : i32 to index
        %get3A_232 = tpu.vector_load %arg10[%get3A_229, %get3A_230, %get3A_231] {strides = array<i32>} : memref<16x2x640xf32, #tpu.memory_space<vmem>>, vector<16xf32>,
        %add3A_233 = arith.addf %add3A_224, %get3A_232 : vector<16xf32>
        %mul3A_234 = arith.constant 16 : i32
        %mul3A_235 = arith.muli %scan3A_34, %mul3A_234 : i32
        %get3A_236 = arith.constant 6 : i32
        %get3A_237 = arith.constant 1 : i32
        %get3A_238 = arith.index_cast %get3A_236 : i32 to index
        %get3A_239 = arith.index_cast %get3A_237 : i32 to index
        %get3A_240 = arith.index_cast %mul3A_235 : i32 to index
        %get3A_241 = tpu.vector_load %arg10[%get3A_238, %get3A_239, %get3A_240] {strides = array<i32>} : memref<16x2x640xf32, #tpu.memory_space<vmem>>, vector<16xf32>,
        %add3A_242 = arith.addf %add3A_233, %get3A_241 : vector<16xf32>
        %mul3A_243 = arith.constant 16 : i32
        %mul3A_244 = arith.muli %scan3A_34, %mul3A_243 : i32
        %get3A_245 = arith.constant 7 : i32
        %get3A_246 = arith.constant 1 : i32
        %get3A_247 = arith.index_cast %get3A_245 : i32 to index
        %get3A_248 = arith.index_cast %get3A_246 : i32 to index
        %get3A_249 = arith.index_cast %mul3A_244 : i32 to index
        %get3A_250 = tpu.vector_load %arg10[%get3A_247, %get3A_248, %get3A_249] {strides = array<i32>} : memref<16x2x640xf32, #tpu.memory_space<vmem>>, vector<16xf32>,
        %add3A_251 = arith.addf %add3A_242, %get3A_250 : vector<16xf32>
        %mul3A_252 = arith.constant 16 : i32
        %mul3A_253 = arith.muli %scan3A_34, %mul3A_252 : i32
        %get3A_254 = arith.constant 8 : i32
        %get3A_255 = arith.constant 1 : i32
        %get3A_256 = arith.index_cast %get3A_254 : i32 to index
        %get3A_257 = arith.index_cast %get3A_255 : i32 to index
        %get3A_258 = arith.index_cast %mul3A_253 : i32 to index
        %get3A_259 = tpu.vector_load %arg10[%get3A_256, %get3A_257, %get3A_258] {strides = array<i32>} : memref<16x2x640xf32, #tpu.memory_space<vmem>>, vector<16xf32>,
        %add3A_260 = arith.addf %add3A_251, %get3A_259 : vector<16xf32>
        %mul3A_261 = arith.constant 16 : i32
        %mul3A_262 = arith.muli %scan3A_34, %mul3A_261 : i32
        %get3A_263 = arith.constant 9 : i32
        %get3A_264 = arith.constant 1 : i32
        %get3A_265 = arith.index_cast %get3A_263 : i32 to index
        %get3A_266 = arith.index_cast %get3A_264 : i32 to index
        %get3A_267 = arith.index_cast %mul3A_262 : i32 to index
        %get3A_268 = tpu.vector_load %arg10[%get3A_265, %get3A_266, %get3A_267] {strides = array<i32>} : memref<16x2x640xf32, #tpu.memory_space<vmem>>, vector<16xf32>,
        %add3A_269 = arith.addf %add3A_260, %get3A_268 : vector<16xf32>
        %mul3A_270 = arith.constant 16 : i32
        %mul3A_271 = arith.muli %scan3A_34, %mul3A_270 : i32
        %get3A_272 = arith.constant 10 : i32
        %get3A_273 = arith.constant 1 : i32
        %get3A_274 = arith.index_cast %get3A_272 : i32 to index
        %get3A_275 = arith.index_cast %get3A_273 : i32 to index
        %get3A_276 = arith.index_cast %mul3A_271 : i32 to index
        %get3A_277 = tpu.vector_load %arg10[%get3A_274, %get3A_275, %get3A_276] {strides = array<i32>} : memref<16x2x640xf32, #tpu.memory_space<vmem>>, vector<16xf32>,
        %add3A_278 = arith.addf %add3A_269, %get3A_277 : vector<16xf32>
        %mul3A_279 = arith.constant 16 : i32
        %mul3A_280 = arith.muli %scan3A_34, %mul3A_279 : i32
        %get3A_281 = arith.constant 11 : i32
        %get3A_282 = arith.constant 1 : i32
        %get3A_283 = arith.index_cast %get3A_281 : i32 to index
        %get3A_284 = arith.index_cast %get3A_282 : i32 to index
        %get3A_285 = arith.index_cast %mul3A_280 : i32 to index
        %get3A_286 = tpu.vector_load %arg10[%get3A_283, %get3A_284, %get3A_285] {strides = array<i32>} : memref<16x2x640xf32, #tpu.memory_space<vmem>>, vector<16xf32>,
        %add3A_287 = arith.addf %add3A_278, %get3A_286 : vector<16xf32>
        %mul3A_288 = arith.constant 16 : i32
        %mul3A_289 = arith.muli %scan3A_34, %mul3A_288 : i32
        %get3A_290 = arith.constant 12 : i32
        %get3A_291 = arith.constant 1 : i32
        %get3A_292 = arith.index_cast %get3A_290 : i32 to index
        %get3A_293 = arith.index_cast %get3A_291 : i32 to index
        %get3A_294 = arith.index_cast %mul3A_289 : i32 to index
        %get3A_295 = tpu.vector_load %arg10[%get3A_292, %get3A_293, %get3A_294] {strides = array<i32>} : memref<16x2x640xf32, #tpu.memory_space<vmem>>, vector<16xf32>,
        %add3A_296 = arith.addf %add3A_287, %get3A_295 : vector<16xf32>
        %mul3A_297 = arith.constant 16 : i32
        %mul3A_298 = arith.muli %scan3A_34, %mul3A_297 : i32
        %get3A_299 = arith.constant 13 : i32
        %get3A_300 = arith.constant 1 : i32
        %get3A_301 = arith.index_cast %get3A_299 : i32 to index
        %get3A_302 = arith.index_cast %get3A_300 : i32 to index
        %get3A_303 = arith.index_cast %mul3A_298 : i32 to index
        %get3A_304 = tpu.vector_load %arg10[%get3A_301, %get3A_302, %get3A_303] {strides = array<i32>} : memref<16x2x640xf32, #tpu.memory_space<vmem>>, vector<16xf32>,
        %add3A_305 = arith.addf %add3A_296, %get3A_304 : vector<16xf32>
        %mul3A_306 = arith.constant 16 : i32
        %mul3A_307 = arith.muli %scan3A_34, %mul3A_306 : i32
        %get3A_308 = arith.constant 14 : i32
        %get3A_309 = arith.constant 1 : i32
        %get3A_310 = arith.index_cast %get3A_308 : i32 to index
        %get3A_311 = arith.index_cast %get3A_309 : i32 to index
        %get3A_312 = arith.index_cast %mul3A_307 : i32 to index
        %get3A_313 = tpu.vector_load %arg10[%get3A_310, %get3A_311, %get3A_312] {strides = array<i32>} : memref<16x2x640xf32, #tpu.memory_space<vmem>>, vector<16xf32>,
        %add3A_314 = arith.addf %add3A_305, %get3A_313 : vector<16xf32>
        %mul3A_315 = arith.constant 16 : i32
        %mul3A_316 = arith.muli %scan3A_34, %mul3A_315 : i32
        %get3A_317 = arith.constant 15 : i32
        %get3A_318 = arith.constant 1 : i32
        %get3A_319 = arith.index_cast %get3A_317 : i32 to index
        %get3A_320 = arith.index_cast %get3A_318 : i32 to index
        %get3A_321 = arith.index_cast %mul3A_316 : i32 to index
        %get3A_322 = tpu.vector_load %arg10[%get3A_319, %get3A_320, %get3A_321] {strides = array<i32>} : memref<16x2x640xf32, #tpu.memory_space<vmem>>, vector<16xf32>,
        %add3A_323 = arith.addf %add3A_314, %get3A_322 : vector<16xf32>
        %mul3A_324 = arith.constant 16 : i32
        %mul3A_325 = arith.muli %scan3A_34, %mul3A_324 : i32
        %swap3A_326 = arith.constant 1 : i32
        %swap3A_327 = arith.index_cast %swap3A_326 : i32 to index
        %swap3A_328 = arith.index_cast %mul3A_325 : i32 to index
        %swap3A_329 = tpu.vector_load %arg11[%swap3A_327, %swap3A_328] {strides = array<i32>} : memref<2x640xf32, #tpu.memory_space<vmem>>, vector<16xf32>,
        tpu.vector_store %arg11[%swap3A_327, %swap3A_328], %add3A_323 {strides = array<i32>} : memref<2x640xf32, #tpu.memory_space<vmem>>, vector<16xf32>,
      }
      %scan3A_25 = arith.constant 40 : i32
      %mul3A_26 = arith.constant 640 : i32
      %mul3A_27 = arith.muli %arg1, %mul3A_26 : i32
      %run_scoped3A_28 = arith.constant 0 : i32
      %run_scoped3A_29 = arith.constant 0 : i32
      "tpu.region"() ({
        %run_scoped3A_34 = tpu.sem_alloc : memref<!tpu.dma_semaphore, #tpu.memory_space<semaphore_mem>>
        %dma_start3A = arith.constant 0 : i32
        %dma_start3A_35 = tpu.memref_slice %arg11[%run_scoped3A_28, %dma_start3A] : memref<2x640xf32, #tpu.memory_space<vmem>> -> memref<1x640xf32, #tpu.memory_space<vmem>>
        %dma_start3A_36 = tpu.memref_squeeze %dma_start3A_35 : memref<1x640xf32, #tpu.memory_space<vmem>> -> memref<640xf32, #tpu.memory_space<vmem>>
        %dma_start3A_37 = tpu.memref_slice %arg4[%run_scoped3A_29, %mul3A_27] : memref<2x10240xf32, #tpu.memory_space<hbm>> -> memref<1x640xf32, #tpu.memory_space<hbm>>
        %dma_start3A_38 = tpu.memref_squeeze %dma_start3A_37 : memref<1x640xf32, #tpu.memory_space<hbm>> -> memref<640xf32, #tpu.memory_space<hbm>>
        %dma_start3A_39 = tpu.memref_slice %arg4[%run_scoped3A_29, %mul3A_27] : memref<2x10240xf32, #tpu.memory_space<hbm>> -> memref<1x640xf32, #tpu.memory_space<hbm>>
        %dma_start3A_40 = tpu.memref_squeeze %dma_start3A_39 : memref<1x640xf32, #tpu.memory_space<hbm>> -> memref<640xf32, #tpu.memory_space<hbm>>
        %dma_start3A_41 = arith.constant 0 : i32
        %dma_start3A_42 = tpu.memref_slice %arg11[%run_scoped3A_28, %dma_start3A_41] : memref<2x640xf32, #tpu.memory_space<vmem>> -> memref<1x640xf32, #tpu.memory_space<vmem>>
        %dma_start3A_43 = tpu.memref_squeeze %dma_start3A_42 : memref<1x640xf32, #tpu.memory_space<vmem>> -> memref<640xf32, #tpu.memory_space<vmem>>
        tpu.enqueue_dma source(%dma_start3A_43 : memref<640xf32, #tpu.memory_space<vmem>>) target(%dma_start3A_40 : memref<640xf32, #tpu.memory_space<hbm>>) target_semaphore(%run_scoped3A_34 : memref<!tpu.dma_semaphore, #tpu.memory_space<semaphore_mem>>)
        %dma_wait3A = arith.constant 0 : i32
        %dma_wait3A_44 = tpu.memref_slice %arg11[%run_scoped3A_28, %dma_wait3A] : memref<2x640xf32, #tpu.memory_space<vmem>> -> memref<1x640xf32, #tpu.memory_space<vmem>>
        %dma_wait3A_45 = tpu.memref_squeeze %dma_wait3A_44 : memref<1x640xf32, #tpu.memory_space<vmem>> -> memref<640xf32, #tpu.memory_space<vmem>>
        %dma_wait3A_46 = tpu.memref_slice %arg4[%run_scoped3A_29, %mul3A_27] : memref<2x10240xf32, #tpu.memory_space<hbm>> -> memref<1x640xf32, #tpu.memory_space<hbm>>
        %dma_wait3A_47 = tpu.memref_squeeze %dma_wait3A_46 : memref<1x640xf32, #tpu.memory_space<hbm>> -> memref<640xf32, #tpu.memory_space<hbm>>
        %dma_wait3A_48 = tpu.memref_slice %arg4[%run_scoped3A_29, %mul3A_27] : memref<2x10240xf32, #tpu.memory_space<hbm>> -> memref<1x640xf32, #tpu.memory_space<hbm>>
        %dma_wait3A_49 = tpu.memref_squeeze %dma_wait3A_48 : memref<1x640xf32, #tpu.memory_space<hbm>> -> memref<640xf32, #tpu.memory_space<hbm>>
        %dma_wait3A_50 = arith.constant 0 : i32
        %dma_wait3A_51 = tpu.memref_slice %arg11[%run_scoped3A_28, %dma_wait3A_50] : memref<2x640xf32, #tpu.memory_space<vmem>> -> memref<1x640xf32, #tpu.memory_space<vmem>>
        %dma_wait3A_52 = tpu.memref_squeeze %dma_wait3A_51 : memref<1x640xf32, #tpu.memory_space<vmem>> -> memref<640xf32, #tpu.memory_space<vmem>>
        tpu.wait_dma2 semaphore(%run_scoped3A_34 : memref<!tpu.dma_semaphore, #tpu.memory_space<semaphore_mem>>) src(%dma_wait3A_52 : memref<640xf32, #tpu.memory_space<vmem>>) dst(%dma_wait3A_49 : memref<640xf32, #tpu.memory_space<hbm>>)
        tpu.yield
      }) : () -> ()
      %mul3A_30 = arith.constant 640 : i32
      %mul3A_31 = arith.muli %arg1, %mul3A_30 : i32
      %run_scoped3A_32 = arith.constant 1 : i32
      %run_scoped3A_33 = arith.constant 1 : i32
      "tpu.region"() ({
        %run_scoped3A_34 = tpu.sem_alloc : memref<!tpu.dma_semaphore, #tpu.memory_space<semaphore_mem>>
        %dma_start3A = arith.constant 0 : i32
        %dma_start3A_35 = tpu.memref_slice %arg11[%run_scoped3A_32, %dma_start3A] : memref<2x640xf32, #tpu.memory_space<vmem>> -> memref<1x640xf32, #tpu.memory_space<vmem>>
        %dma_start3A_36 = tpu.memref_squeeze %dma_start3A_35 : memref<1x640xf32, #tpu.memory_space<vmem>> -> memref<640xf32, #tpu.memory_space<vmem>>
        %dma_start3A_37 = tpu.memref_slice %arg4[%run_scoped3A_33, %mul3A_31] : memref<2x10240xf32, #tpu.memory_space<hbm>> -> memref<1x640xf32, #tpu.memory_space<hbm>>
        %dma_start3A_38 = tpu.memref_squeeze %dma_start3A_37 : memref<1x640xf32, #tpu.memory_space<hbm>> -> memref<640xf32, #tpu.memory_space<hbm>>
        %dma_start3A_39 = tpu.memref_slice %arg4[%run_scoped3A_33, %mul3A_31] : memref<2x10240xf32, #tpu.memory_space<hbm>> -> memref<1x640xf32, #tpu.memory_space<hbm>>
        %dma_start3A_40 = tpu.memref_squeeze %dma_start3A_39 : memref<1x640xf32, #tpu.memory_space<hbm>> -> memref<640xf32, #tpu.memory_space<hbm>>
        %dma_start3A_41 = arith.constant 0 : i32
        %dma_start3A_42 = tpu.memref_slice %arg11[%run_scoped3A_32, %dma_start3A_41] : memref<2x640xf32, #tpu.memory_space<vmem>> -> memref<1x640xf32, #tpu.memory_space<vmem>>
        %dma_start3A_43 = tpu.memref_squeeze %dma_start3A_42 : memref<1x640xf32, #tpu.memory_space<vmem>> -> memref<640xf32, #tpu.memory_space<vmem>>
        tpu.enqueue_dma source(%dma_start3A_43 : memref<640xf32, #tpu.memory_space<vmem>>) target(%dma_start3A_40 : memref<640xf32, #tpu.memory_space<hbm>>) target_semaphore(%run_scoped3A_34 : memref<!tpu.dma_semaphore, #tpu.memory_space<semaphore_mem>>)
        %dma_wait3A = arith.constant 0 : i32
        %dma_wait3A_44 = tpu.memref_slice %arg11[%run_scoped3A_32, %dma_wait3A] : memref<2x640xf32, #tpu.memory_space<vmem>> -> memref<1x640xf32, #tpu.memory_space<vmem>>
        %dma_wait3A_45 = tpu.memref_squeeze %dma_wait3A_44 : memref<1x640xf32, #tpu.memory_space<vmem>> -> memref<640xf32, #tpu.memory_space<vmem>>
        %dma_wait3A_46 = tpu.memref_slice %arg4[%run_scoped3A_33, %mul3A_31] : memref<2x10240xf32, #tpu.memory_space<hbm>> -> memref<1x640xf32, #tpu.memory_space<hbm>>
        %dma_wait3A_47 = tpu.memref_squeeze %dma_wait3A_46 : memref<1x640xf32, #tpu.memory_space<hbm>> -> memref<640xf32, #tpu.memory_space<hbm>>
        %dma_wait3A_48 = tpu.memref_slice %arg4[%run_scoped3A_33, %mul3A_31] : memref<2x10240xf32, #tpu.memory_space<hbm>> -> memref<1x640xf32, #tpu.memory_space<hbm>>
        %dma_wait3A_49 = tpu.memref_squeeze %dma_wait3A_48 : memref<1x640xf32, #tpu.memory_space<hbm>> -> memref<640xf32, #tpu.memory_space<hbm>>
        %dma_wait3A_50 = arith.constant 0 : i32
        %dma_wait3A_51 = tpu.memref_slice %arg11[%run_scoped3A_32, %dma_wait3A_50] : memref<2x640xf32, #tpu.memory_space<vmem>> -> memref<1x640xf32, #tpu.memory_space<vmem>>
        %dma_wait3A_52 = tpu.memref_squeeze %dma_wait3A_51 : memref<1x640xf32, #tpu.memory_space<vmem>> -> memref<640xf32, #tpu.memory_space<vmem>>
        tpu.wait_dma2 semaphore(%run_scoped3A_34 : memref<!tpu.dma_semaphore, #tpu.memory_space<semaphore_mem>>) src(%dma_wait3A_52 : memref<640xf32, #tpu.memory_space<vmem>>) dst(%dma_wait3A_49 : memref<640xf32, #tpu.memory_space<hbm>>)
        tpu.yield
      }) : () -> ()
    } else {
    }
    return
  }
}

#map = affine_map<(d0, d1) -> (0, 0)>
#map1 = affine_map<(d0, d1) -> (0)>
#map2 = affine_map<(d0, d1) -> (0, 0, 0)>
module attributes {stable_mosaic.version = 14 : i64} {
  func.func @k(%arg0: i32, %arg1: i32, %arg2: memref<10000x160xf32, #tpu.memory_space<hbm>>, %arg3: memref<320000xi32, #tpu.memory_space<hbm>>, %arg4: memref<320000xi32, #tpu.memory_space<hbm>>, %arg5: memref<625x160xf32, #tpu.memory_space<hbm>>, %arg6: memref<2x10000x160xf32, #tpu.memory_space<hbm>>, %arg7: memref<10000x160xf32, #tpu.memory_space<vmem_shared>>, %arg8: memref<80xi32, #tpu.memory_space<vmem>>, %arg9: memref<80xi32, #tpu.memory_space<vmem>>, %arg10: memref<80xi32, #tpu.memory_space<vmem>>, %arg11: memref<80xi32, #tpu.memory_space<vmem>>, %arg12: memref<80x160xf32, #tpu.memory_space<vmem>>, %arg13: memref<80x160xf32, #tpu.memory_space<vmem>>, %arg14: memref<!tpu.dma_semaphore, #tpu.memory_space<semaphore_mem>>, %arg15: memref<!tpu.dma_semaphore, #tpu.memory_space<semaphore_mem>>, %arg16: memref<!tpu.dma_semaphore, #tpu.memory_space<semaphore_mem>>, %arg17: memref<!tpu.dma_semaphore, #tpu.memory_space<semaphore_mem>>) attributes {dimension_semantics = [#tpu.dimension_semantics<core_parallel>, #tpu.dimension_semantics<subcore_parallel>], iteration_bounds = array<i64: 2, 16>, scalar_prefetch = 0 : i64, scratch_operands = 11 : i64, tpu.core_type = #tpu.core_type<sc_vector_subcore>, window_params = [{transform_indices = #map}, {transform_indices = #map1}, {transform_indices = #map1}, {transform_indices = #map}, {transform_indices = #map2}]} {
    %mul3A = arith.constant 16 : i32
    %mul3A_0 = arith.muli %arg0, %mul3A : i32
    %add3A = arith.addi %mul3A_0, %arg1 : i32
    %mul3A_1 = arith.constant 10000 : i32
    %mul3A_2 = arith.muli %add3A, %mul3A_1 : i32
    %add3A_3 = arith.constant 0 : i32
    %add3A_4 = arith.addi %mul3A_2, %add3A_3 : i32
    "tpu.region"() ({
      %run_scoped3A = tpu.sem_alloc : memref<!tpu.dma_semaphore, #tpu.memory_space<semaphore_mem>>
      %dma_start3A_32 = tpu.memref_slice %arg3[%add3A_4] : memref<320000xi32, #tpu.memory_space<hbm>> -> memref<80xi32, #tpu.memory_space<hbm>>
      %dma_start3A_33 = tpu.memref_slice %arg3[%add3A_4] : memref<320000xi32, #tpu.memory_space<hbm>> -> memref<80xi32, #tpu.memory_space<hbm>>
      tpu.enqueue_dma source(%dma_start3A_33 : memref<80xi32, #tpu.memory_space<hbm>>) target(%arg8 : memref<80xi32, #tpu.memory_space<vmem>>) target_semaphore(%run_scoped3A : memref<!tpu.dma_semaphore, #tpu.memory_space<semaphore_mem>>)
      %dma_wait3A_34 = tpu.memref_slice %arg3[%add3A_4] : memref<320000xi32, #tpu.memory_space<hbm>> -> memref<80xi32, #tpu.memory_space<hbm>>
      %dma_wait3A_35 = tpu.memref_slice %arg3[%add3A_4] : memref<320000xi32, #tpu.memory_space<hbm>> -> memref<80xi32, #tpu.memory_space<hbm>>
      tpu.wait_dma2 semaphore(%run_scoped3A : memref<!tpu.dma_semaphore, #tpu.memory_space<semaphore_mem>>) src(%dma_wait3A_35 : memref<80xi32, #tpu.memory_space<hbm>>) dst(%arg8 : memref<80xi32, #tpu.memory_space<vmem>>)
      tpu.yield
    }) : () -> ()
    %add3A_5 = arith.constant 0 : i32
    %add3A_6 = arith.addi %mul3A_2, %add3A_5 : i32
    "tpu.region"() ({
      %run_scoped3A = tpu.sem_alloc : memref<!tpu.dma_semaphore, #tpu.memory_space<semaphore_mem>>
      %dma_start3A_32 = tpu.memref_slice %arg4[%add3A_6] : memref<320000xi32, #tpu.memory_space<hbm>> -> memref<80xi32, #tpu.memory_space<hbm>>
      %dma_start3A_33 = tpu.memref_slice %arg4[%add3A_6] : memref<320000xi32, #tpu.memory_space<hbm>> -> memref<80xi32, #tpu.memory_space<hbm>>
      tpu.enqueue_dma source(%dma_start3A_33 : memref<80xi32, #tpu.memory_space<hbm>>) target(%arg10 : memref<80xi32, #tpu.memory_space<vmem>>) target_semaphore(%run_scoped3A : memref<!tpu.dma_semaphore, #tpu.memory_space<semaphore_mem>>)
      %dma_wait3A_34 = tpu.memref_slice %arg4[%add3A_6] : memref<320000xi32, #tpu.memory_space<hbm>> -> memref<80xi32, #tpu.memory_space<hbm>>
      %dma_wait3A_35 = tpu.memref_slice %arg4[%add3A_6] : memref<320000xi32, #tpu.memory_space<hbm>> -> memref<80xi32, #tpu.memory_space<hbm>>
      tpu.wait_dma2 semaphore(%run_scoped3A : memref<!tpu.dma_semaphore, #tpu.memory_space<semaphore_mem>>) src(%dma_wait3A_35 : memref<80xi32, #tpu.memory_space<hbm>>) dst(%arg10 : memref<80xi32, #tpu.memory_space<vmem>>)
      tpu.yield
    }) : () -> ()
    %dma_start3A = arith.constant 0 : i32
    %dma_start3A_7 = arith.constant 0 : i32
    %dma_start3A_8 = tpu.memref_slice %arg2[%dma_start3A, %dma_start3A_7] : memref<10000x160xf32, #tpu.memory_space<hbm>> -> memref<10000x160xf32, #tpu.memory_space<hbm>>
    tpu.enqueue_indirect_dma source(%dma_start3A_8 : memref<10000x160xf32, #tpu.memory_space<hbm>>) target(%arg12 : memref<80x160xf32, #tpu.memory_space<vmem>>) offsets(%arg8 : memref<80xi32, #tpu.memory_space<vmem>>) semaphore(%arg14 : memref<!tpu.dma_semaphore, #tpu.memory_space<semaphore_mem>>)
    %mul3A_9 = arith.constant 625 : i32
    %mul3A_10 = arith.muli %arg1, %mul3A_9 : i32
    "tpu.region"() ({
      %run_scoped3A = tpu.sem_alloc : memref<!tpu.dma_semaphore, #tpu.memory_space<semaphore_mem>>
      %dma_start3A_32 = arith.constant 0 : i32
      %dma_start3A_33 = tpu.memref_slice %arg7[%mul3A_10, %dma_start3A_32] : memref<10000x160xf32, #tpu.memory_space<vmem_shared>> -> memref<625x160xf32, #tpu.memory_space<vmem_shared>>
      tpu.enqueue_dma source(%arg5 : memref<625x160xf32, #tpu.memory_space<hbm>>) target(%dma_start3A_33 : memref<625x160xf32, #tpu.memory_space<vmem_shared>>) target_semaphore(%run_scoped3A : memref<!tpu.dma_semaphore, #tpu.memory_space<semaphore_mem>>)
      %dma_wait3A_34 = arith.constant 0 : i32
      %dma_wait3A_35 = tpu.memref_slice %arg7[%mul3A_10, %dma_wait3A_34] : memref<10000x160xf32, #tpu.memory_space<vmem_shared>> -> memref<625x160xf32, #tpu.memory_space<vmem_shared>>
      tpu.wait_dma2 semaphore(%run_scoped3A : memref<!tpu.dma_semaphore, #tpu.memory_space<semaphore_mem>>) src(%arg5 : memref<625x160xf32, #tpu.memory_space<hbm>>) dst(%dma_wait3A_35 : memref<625x160xf32, #tpu.memory_space<vmem_shared>>)
      tpu.yield
    }) : () -> ()
    %barrier3A = arith.constant 0 : index
    tpu.barrier barrier_id(%barrier3A)
    %scan3A = arith.constant 0 : i32
    %scan3A_11 = arith.constant 0 : i32
    %scan3A_12 = arith.constant 62 : i32
    %scan3A_13 = arith.addi %scan3A_11, %scan3A_12 : i32
    %scan3A_14 = arith.constant 1 : i32
    scf.for %scan3A_32 = %scan3A_11 to %scan3A_13 step %scan3A_14  : i32 {
      %gt3A = arith.constant 0 : i32
      %gt3A_33 = arith.cmpi sgt, %scan3A_32, %gt3A : i32
      %convert_element_type3A = arith.extui %gt3A_33 : i1 to i32
      %cond3A = arith.constant 0 : i32
      %cond3A_34 = arith.cmpi ne, %convert_element_type3A, %cond3A : i32
      scf.if %cond3A_34 {
        %dma_wait3A_76 = arith.constant 0 : i32
        %dma_wait3A_77 = arith.constant 0 : i32
        %dma_wait3A_78 = tpu.memref_slice %arg7[%dma_wait3A_76, %dma_wait3A_77] : memref<10000x160xf32, #tpu.memory_space<vmem_shared>> -> memref<10000x160xf32, #tpu.memory_space<vmem_shared>>
        tpu.wait_indirect_dma semaphore(%arg17 : memref<!tpu.dma_semaphore, #tpu.memory_space<semaphore_mem>>) src(%arg13 : memref<80x160xf32, #tpu.memory_space<vmem>>) dst(%dma_wait3A_78 : memref<10000x160xf32, #tpu.memory_space<vmem_shared>>)
      } else {
      }
      %mul3A_35 = arith.constant 2 : i32
      %mul3A_36 = arith.muli %mul3A_35, %scan3A_32 : i32
      %add3A_37 = arith.constant 1 : i32
      %add3A_38 = arith.addi %mul3A_36, %add3A_37 : i32
      %mul3A_39 = arith.constant 80 : i32
      %mul3A_40 = arith.muli %add3A_38, %mul3A_39 : i32
      %add3A_41 = arith.addi %mul3A_2, %mul3A_40 : i32
      "tpu.region"() ({
        %run_scoped3A = tpu.sem_alloc : memref<!tpu.dma_semaphore, #tpu.memory_space<semaphore_mem>>
        %dma_start3A_76 = tpu.memref_slice %arg3[%add3A_41] : memref<320000xi32, #tpu.memory_space<hbm>> -> memref<80xi32, #tpu.memory_space<hbm>>
        %dma_start3A_77 = tpu.memref_slice %arg3[%add3A_41] : memref<320000xi32, #tpu.memory_space<hbm>> -> memref<80xi32, #tpu.memory_space<hbm>>
        tpu.enqueue_dma source(%dma_start3A_77 : memref<80xi32, #tpu.memory_space<hbm>>) target(%arg9 : memref<80xi32, #tpu.memory_space<vmem>>) target_semaphore(%run_scoped3A : memref<!tpu.dma_semaphore, #tpu.memory_space<semaphore_mem>>)
        %dma_wait3A_78 = tpu.memref_slice %arg3[%add3A_41] : memref<320000xi32, #tpu.memory_space<hbm>> -> memref<80xi32, #tpu.memory_space<hbm>>
        %dma_wait3A_79 = tpu.memref_slice %arg3[%add3A_41] : memref<320000xi32, #tpu.memory_space<hbm>> -> memref<80xi32, #tpu.memory_space<hbm>>
        tpu.wait_dma2 semaphore(%run_scoped3A : memref<!tpu.dma_semaphore, #tpu.memory_space<semaphore_mem>>) src(%dma_wait3A_79 : memref<80xi32, #tpu.memory_space<hbm>>) dst(%arg9 : memref<80xi32, #tpu.memory_space<vmem>>)
        tpu.yield
      }) : () -> ()
      %mul3A_42 = arith.constant 80 : i32
      %mul3A_43 = arith.muli %add3A_38, %mul3A_42 : i32
      %add3A_44 = arith.addi %mul3A_2, %mul3A_43 : i32
      "tpu.region"() ({
        %run_scoped3A = tpu.sem_alloc : memref<!tpu.dma_semaphore, #tpu.memory_space<semaphore_mem>>
        %dma_start3A_76 = tpu.memref_slice %arg4[%add3A_44] : memref<320000xi32, #tpu.memory_space<hbm>> -> memref<80xi32, #tpu.memory_space<hbm>>
        %dma_start3A_77 = tpu.memref_slice %arg4[%add3A_44] : memref<320000xi32, #tpu.memory_space<hbm>> -> memref<80xi32, #tpu.memory_space<hbm>>
        tpu.enqueue_dma source(%dma_start3A_77 : memref<80xi32, #tpu.memory_space<hbm>>) target(%arg11 : memref<80xi32, #tpu.memory_space<vmem>>) target_semaphore(%run_scoped3A : memref<!tpu.dma_semaphore, #tpu.memory_space<semaphore_mem>>)
        %dma_wait3A_78 = tpu.memref_slice %arg4[%add3A_44] : memref<320000xi32, #tpu.memory_space<hbm>> -> memref<80xi32, #tpu.memory_space<hbm>>
        %dma_wait3A_79 = tpu.memref_slice %arg4[%add3A_44] : memref<320000xi32, #tpu.memory_space<hbm>> -> memref<80xi32, #tpu.memory_space<hbm>>
        tpu.wait_dma2 semaphore(%run_scoped3A : memref<!tpu.dma_semaphore, #tpu.memory_space<semaphore_mem>>) src(%dma_wait3A_79 : memref<80xi32, #tpu.memory_space<hbm>>) dst(%arg11 : memref<80xi32, #tpu.memory_space<vmem>>)
        tpu.yield
      }) : () -> ()
      %dma_start3A_45 = arith.constant 0 : i32
      %dma_start3A_46 = arith.constant 0 : i32
      %dma_start3A_47 = tpu.memref_slice %arg2[%dma_start3A_45, %dma_start3A_46] : memref<10000x160xf32, #tpu.memory_space<hbm>> -> memref<10000x160xf32, #tpu.memory_space<hbm>>
      tpu.enqueue_indirect_dma source(%dma_start3A_47 : memref<10000x160xf32, #tpu.memory_space<hbm>>) target(%arg13 : memref<80x160xf32, #tpu.memory_space<vmem>>) offsets(%arg9 : memref<80xi32, #tpu.memory_space<vmem>>) semaphore(%arg15 : memref<!tpu.dma_semaphore, #tpu.memory_space<semaphore_mem>>)
      %dma_wait3A_48 = arith.constant 0 : i32
      %dma_wait3A_49 = arith.constant 0 : i32
      %dma_wait3A_50 = tpu.memref_slice %arg2[%dma_wait3A_48, %dma_wait3A_49] : memref<10000x160xf32, #tpu.memory_space<hbm>> -> memref<10000x160xf32, #tpu.memory_space<hbm>>
      tpu.wait_indirect_dma semaphore(%arg14 : memref<!tpu.dma_semaphore, #tpu.memory_space<semaphore_mem>>) src(%dma_wait3A_50 : memref<10000x160xf32, #tpu.memory_space<hbm>>) dst(%arg12 : memref<80x160xf32, #tpu.memory_space<vmem>>)
      %dma_start3A_51 = arith.constant 0 : i32
      %dma_start3A_52 = arith.constant 0 : i32
      %dma_start3A_53 = tpu.memref_slice %arg7[%dma_start3A_51, %dma_start3A_52] : memref<10000x160xf32, #tpu.memory_space<vmem_shared>> -> memref<10000x160xf32, #tpu.memory_space<vmem_shared>>
      tpu.enqueue_indirect_dma source(%arg12 : memref<80x160xf32, #tpu.memory_space<vmem>>) target(%dma_start3A_53 : memref<10000x160xf32, #tpu.memory_space<vmem_shared>>) offsets(%arg10 : memref<80xi32, #tpu.memory_space<vmem>>) semaphore(%arg16 : memref<!tpu.dma_semaphore, #tpu.memory_space<semaphore_mem>>) {add = true}
      %dma_wait3A_54 = arith.constant 0 : i32
      %dma_wait3A_55 = arith.constant 0 : i32
      %dma_wait3A_56 = tpu.memref_slice %arg7[%dma_wait3A_54, %dma_wait3A_55] : memref<10000x160xf32, #tpu.memory_space<vmem_shared>> -> memref<10000x160xf32, #tpu.memory_space<vmem_shared>>
      tpu.wait_indirect_dma semaphore(%arg16 : memref<!tpu.dma_semaphore, #tpu.memory_space<semaphore_mem>>) src(%arg12 : memref<80x160xf32, #tpu.memory_space<vmem>>) dst(%dma_wait3A_56 : memref<10000x160xf32, #tpu.memory_space<vmem_shared>>)
      %mul3A_57 = arith.constant 2 : i32
      %mul3A_58 = arith.muli %mul3A_57, %scan3A_32 : i32
      %add3A_59 = arith.constant 2 : i32
      %add3A_60 = arith.addi %mul3A_58, %add3A_59 : i32
      %mul3A_61 = arith.constant 80 : i32
      %mul3A_62 = arith.muli %add3A_60, %mul3A_61 : i32
      %add3A_63 = arith.addi %mul3A_2, %mul3A_62 : i32
      "tpu.region"() ({
        %run_scoped3A = tpu.sem_alloc : memref<!tpu.dma_semaphore, #tpu.memory_space<semaphore_mem>>
        %dma_start3A_76 = tpu.memref_slice %arg3[%add3A_63] : memref<320000xi32, #tpu.memory_space<hbm>> -> memref<80xi32, #tpu.memory_space<hbm>>
        %dma_start3A_77 = tpu.memref_slice %arg3[%add3A_63] : memref<320000xi32, #tpu.memory_space<hbm>> -> memref<80xi32, #tpu.memory_space<hbm>>
        tpu.enqueue_dma source(%dma_start3A_77 : memref<80xi32, #tpu.memory_space<hbm>>) target(%arg8 : memref<80xi32, #tpu.memory_space<vmem>>) target_semaphore(%run_scoped3A : memref<!tpu.dma_semaphore, #tpu.memory_space<semaphore_mem>>)
        %dma_wait3A_78 = tpu.memref_slice %arg3[%add3A_63] : memref<320000xi32, #tpu.memory_space<hbm>> -> memref<80xi32, #tpu.memory_space<hbm>>
        %dma_wait3A_79 = tpu.memref_slice %arg3[%add3A_63] : memref<320000xi32, #tpu.memory_space<hbm>> -> memref<80xi32, #tpu.memory_space<hbm>>
        tpu.wait_dma2 semaphore(%run_scoped3A : memref<!tpu.dma_semaphore, #tpu.memory_space<semaphore_mem>>) src(%dma_wait3A_79 : memref<80xi32, #tpu.memory_space<hbm>>) dst(%arg8 : memref<80xi32, #tpu.memory_space<vmem>>)
        tpu.yield
      }) : () -> ()
      %mul3A_64 = arith.constant 80 : i32
      %mul3A_65 = arith.muli %add3A_60, %mul3A_64 : i32
      %add3A_66 = arith.addi %mul3A_2, %mul3A_65 : i32
      "tpu.region"() ({
        %run_scoped3A = tpu.sem_alloc : memref<!tpu.dma_semaphore, #tpu.memory_space<semaphore_mem>>
        %dma_start3A_76 = tpu.memref_slice %arg4[%add3A_66] : memref<320000xi32, #tpu.memory_space<hbm>> -> memref<80xi32, #tpu.memory_space<hbm>>
        %dma_start3A_77 = tpu.memref_slice %arg4[%add3A_66] : memref<320000xi32, #tpu.memory_space<hbm>> -> memref<80xi32, #tpu.memory_space<hbm>>
        tpu.enqueue_dma source(%dma_start3A_77 : memref<80xi32, #tpu.memory_space<hbm>>) target(%arg10 : memref<80xi32, #tpu.memory_space<vmem>>) target_semaphore(%run_scoped3A : memref<!tpu.dma_semaphore, #tpu.memory_space<semaphore_mem>>)
        %dma_wait3A_78 = tpu.memref_slice %arg4[%add3A_66] : memref<320000xi32, #tpu.memory_space<hbm>> -> memref<80xi32, #tpu.memory_space<hbm>>
        %dma_wait3A_79 = tpu.memref_slice %arg4[%add3A_66] : memref<320000xi32, #tpu.memory_space<hbm>> -> memref<80xi32, #tpu.memory_space<hbm>>
        tpu.wait_dma2 semaphore(%run_scoped3A : memref<!tpu.dma_semaphore, #tpu.memory_space<semaphore_mem>>) src(%dma_wait3A_79 : memref<80xi32, #tpu.memory_space<hbm>>) dst(%arg10 : memref<80xi32, #tpu.memory_space<vmem>>)
        tpu.yield
      }) : () -> ()
      %dma_start3A_67 = arith.constant 0 : i32
      %dma_start3A_68 = arith.constant 0 : i32
      %dma_start3A_69 = tpu.memref_slice %arg2[%dma_start3A_67, %dma_start3A_68] : memref<10000x160xf32, #tpu.memory_space<hbm>> -> memref<10000x160xf32, #tpu.memory_space<hbm>>
      tpu.enqueue_indirect_dma source(%dma_start3A_69 : memref<10000x160xf32, #tpu.memory_space<hbm>>) target(%arg12 : memref<80x160xf32, #tpu.memory_space<vmem>>) offsets(%arg8 : memref<80xi32, #tpu.memory_space<vmem>>) semaphore(%arg14 : memref<!tpu.dma_semaphore, #tpu.memory_space<semaphore_mem>>)
      %dma_wait3A_70 = arith.constant 0 : i32
      %dma_wait3A_71 = arith.constant 0 : i32
      %dma_wait3A_72 = tpu.memref_slice %arg2[%dma_wait3A_70, %dma_wait3A_71] : memref<10000x160xf32, #tpu.memory_space<hbm>> -> memref<10000x160xf32, #tpu.memory_space<hbm>>
      tpu.wait_indirect_dma semaphore(%arg15 : memref<!tpu.dma_semaphore, #tpu.memory_space<semaphore_mem>>) src(%dma_wait3A_72 : memref<10000x160xf32, #tpu.memory_space<hbm>>) dst(%arg13 : memref<80x160xf32, #tpu.memory_space<vmem>>)
      %dma_start3A_73 = arith.constant 0 : i32
      %dma_start3A_74 = arith.constant 0 : i32
      %dma_start3A_75 = tpu.memref_slice %arg7[%dma_start3A_73, %dma_start3A_74] : memref<10000x160xf32, #tpu.memory_space<vmem_shared>> -> memref<10000x160xf32, #tpu.memory_space<vmem_shared>>
      tpu.enqueue_indirect_dma source(%arg13 : memref<80x160xf32, #tpu.memory_space<vmem>>) target(%dma_start3A_75 : memref<10000x160xf32, #tpu.memory_space<vmem_shared>>) offsets(%arg11 : memref<80xi32, #tpu.memory_space<vmem>>) semaphore(%arg17 : memref<!tpu.dma_semaphore, #tpu.memory_space<semaphore_mem>>) {add = true}
    }
    %scan3A_15 = arith.constant 62 : i32
    %dma_wait3A = arith.constant 0 : i32
    %dma_wait3A_16 = arith.constant 0 : i32
    %dma_wait3A_17 = tpu.memref_slice %arg7[%dma_wait3A, %dma_wait3A_16] : memref<10000x160xf32, #tpu.memory_space<vmem_shared>> -> memref<10000x160xf32, #tpu.memory_space<vmem_shared>>
    tpu.wait_indirect_dma semaphore(%arg17 : memref<!tpu.dma_semaphore, #tpu.memory_space<semaphore_mem>>) src(%arg13 : memref<80x160xf32, #tpu.memory_space<vmem>>) dst(%dma_wait3A_17 : memref<10000x160xf32, #tpu.memory_space<vmem_shared>>)
    %dma_wait3A_18 = arith.constant 0 : i32
    %dma_wait3A_19 = arith.constant 0 : i32
    %dma_wait3A_20 = tpu.memref_slice %arg2[%dma_wait3A_18, %dma_wait3A_19] : memref<10000x160xf32, #tpu.memory_space<hbm>> -> memref<10000x160xf32, #tpu.memory_space<hbm>>
    tpu.wait_indirect_dma semaphore(%arg14 : memref<!tpu.dma_semaphore, #tpu.memory_space<semaphore_mem>>) src(%dma_wait3A_20 : memref<10000x160xf32, #tpu.memory_space<hbm>>) dst(%arg12 : memref<80x160xf32, #tpu.memory_space<vmem>>)
    %dma_start3A_21 = arith.constant 0 : i32
    %dma_start3A_22 = arith.constant 0 : i32
    %dma_start3A_23 = tpu.memref_slice %arg7[%dma_start3A_21, %dma_start3A_22] : memref<10000x160xf32, #tpu.memory_space<vmem_shared>> -> memref<10000x160xf32, #tpu.memory_space<vmem_shared>>
    tpu.enqueue_indirect_dma source(%arg12 : memref<80x160xf32, #tpu.memory_space<vmem>>) target(%dma_start3A_23 : memref<10000x160xf32, #tpu.memory_space<vmem_shared>>) offsets(%arg10 : memref<80xi32, #tpu.memory_space<vmem>>) semaphore(%arg16 : memref<!tpu.dma_semaphore, #tpu.memory_space<semaphore_mem>>) {add = true}
    %dma_wait3A_24 = arith.constant 0 : i32
    %dma_wait3A_25 = arith.constant 0 : i32
    %dma_wait3A_26 = tpu.memref_slice %arg7[%dma_wait3A_24, %dma_wait3A_25] : memref<10000x160xf32, #tpu.memory_space<vmem_shared>> -> memref<10000x160xf32, #tpu.memory_space<vmem_shared>>
    tpu.wait_indirect_dma semaphore(%arg16 : memref<!tpu.dma_semaphore, #tpu.memory_space<semaphore_mem>>) src(%arg12 : memref<80x160xf32, #tpu.memory_space<vmem>>) dst(%dma_wait3A_26 : memref<10000x160xf32, #tpu.memory_space<vmem_shared>>)
    %barrier3A_27 = arith.constant 0 : index
    tpu.barrier barrier_id(%barrier3A_27)
    %mul3A_28 = arith.constant 625 : i32
    %mul3A_29 = arith.muli %arg1, %mul3A_28 : i32
    %mul3A_30 = arith.constant 625 : i32
    %mul3A_31 = arith.muli %arg1, %mul3A_30 : i32
    "tpu.region"() ({
      %run_scoped3A = tpu.sem_alloc : memref<!tpu.dma_semaphore, #tpu.memory_space<semaphore_mem>>
      %dma_start3A_32 = arith.constant 0 : i32
      %dma_start3A_33 = tpu.memref_slice %arg6[%arg0, %mul3A_31, %dma_start3A_32] : memref<2x10000x160xf32, #tpu.memory_space<hbm>> -> memref<1x625x160xf32, #tpu.memory_space<hbm>>
      %dma_start3A_34 = tpu.memref_squeeze %dma_start3A_33 : memref<1x625x160xf32, #tpu.memory_space<hbm>> -> memref<625x160xf32, #tpu.memory_space<hbm>>
      %dma_start3A_35 = arith.constant 0 : i32
      %dma_start3A_36 = tpu.memref_slice %arg7[%mul3A_29, %dma_start3A_35] : memref<10000x160xf32, #tpu.memory_space<vmem_shared>> -> memref<625x160xf32, #tpu.memory_space<vmem_shared>>
      tpu.enqueue_dma source(%dma_start3A_36 : memref<625x160xf32, #tpu.memory_space<vmem_shared>>) target(%dma_start3A_34 : memref<625x160xf32, #tpu.memory_space<hbm>>) target_semaphore(%run_scoped3A : memref<!tpu.dma_semaphore, #tpu.memory_space<semaphore_mem>>)
      %dma_wait3A_37 = arith.constant 0 : i32
      %dma_wait3A_38 = tpu.memref_slice %arg6[%arg0, %mul3A_31, %dma_wait3A_37] : memref<2x10000x160xf32, #tpu.memory_space<hbm>> -> memref<1x625x160xf32, #tpu.memory_space<hbm>>
      %dma_wait3A_39 = tpu.memref_squeeze %dma_wait3A_38 : memref<1x625x160xf32, #tpu.memory_space<hbm>> -> memref<625x160xf32, #tpu.memory_space<hbm>>
      %dma_wait3A_40 = arith.constant 0 : i32
      %dma_wait3A_41 = tpu.memref_slice %arg7[%mul3A_29, %dma_wait3A_40] : memref<10000x160xf32, #tpu.memory_space<vmem_shared>> -> memref<625x160xf32, #tpu.memory_space<vmem_shared>>
      tpu.wait_dma2 semaphore(%run_scoped3A : memref<!tpu.dma_semaphore, #tpu.memory_space<semaphore_mem>>) src(%dma_wait3A_41 : memref<625x160xf32, #tpu.memory_space<vmem_shared>>) dst(%dma_wait3A_39 : memref<625x160xf32, #tpu.memory_space<hbm>>)
      tpu.yield
    }) : () -> ()
    return
  }
}

#map = affine_map<(d0, d1) -> (0, 0)>
#map1 = affine_map<(d0, d1) -> (0)>
#map2 = affine_map<(d0, d1) -> (0, 0, 0)>
module attributes {stable_mosaic.version = 14 : i64} {
  func.func @k(%arg0: i32, %arg1: i32, %arg2: memref<10000x160xf32, #tpu.memory_space<hbm>>, %arg3: memref<320000xi32, #tpu.memory_space<hbm>>, %arg4: memref<320000xi32, #tpu.memory_space<hbm>>, %arg5: memref<625x160xf32, #tpu.memory_space<hbm>>, %arg6: memref<2x10000x160xf32, #tpu.memory_space<hbm>>, %arg7: memref<10000x160xf32, #tpu.memory_space<vmem_shared>>, %arg8: memref<80xi32, #tpu.memory_space<vmem>>, %arg9: memref<80xi32, #tpu.memory_space<vmem>>, %arg10: memref<80xi32, #tpu.memory_space<vmem>>, %arg11: memref<80xi32, #tpu.memory_space<vmem>>, %arg12: memref<80x160xf32, #tpu.memory_space<vmem>>, %arg13: memref<80x160xf32, #tpu.memory_space<vmem>>, %arg14: memref<!tpu.dma_semaphore, #tpu.memory_space<semaphore_mem>>, %arg15: memref<!tpu.dma_semaphore, #tpu.memory_space<semaphore_mem>>, %arg16: memref<!tpu.dma_semaphore, #tpu.memory_space<semaphore_mem>>, %arg17: memref<!tpu.dma_semaphore, #tpu.memory_space<semaphore_mem>>) attributes {dimension_semantics = [#tpu.dimension_semantics<core_parallel>, #tpu.dimension_semantics<subcore_parallel>], iteration_bounds = array<i64: 2, 16>, scalar_prefetch = 0 : i64, scratch_operands = 11 : i64, tpu.core_type = #tpu.core_type<sc_vector_subcore>, window_params = [{transform_indices = #map}, {transform_indices = #map1}, {transform_indices = #map1}, {transform_indices = #map}, {transform_indices = #map2}]} {
    %mul3A = arith.constant 16 : i32
    %mul3A_0 = arith.muli %arg0, %mul3A : i32
    %add3A = arith.addi %mul3A_0, %arg1 : i32
    %mul3A_1 = arith.constant 10000 : i32
    %mul3A_2 = arith.muli %add3A, %mul3A_1 : i32
    %add3A_3 = arith.constant 0 : i32
    %add3A_4 = arith.addi %mul3A_2, %add3A_3 : i32
    "tpu.region"() ({
      %run_scoped3A = tpu.sem_alloc : memref<!tpu.dma_semaphore, #tpu.memory_space<semaphore_mem>>
      %dma_start3A_32 = tpu.memref_slice %arg3[%add3A_4] : memref<320000xi32, #tpu.memory_space<hbm>> -> memref<80xi32, #tpu.memory_space<hbm>>
      %dma_start3A_33 = tpu.memref_slice %arg3[%add3A_4] : memref<320000xi32, #tpu.memory_space<hbm>> -> memref<80xi32, #tpu.memory_space<hbm>>
      tpu.enqueue_dma source(%dma_start3A_33 : memref<80xi32, #tpu.memory_space<hbm>>) target(%arg8 : memref<80xi32, #tpu.memory_space<vmem>>) target_semaphore(%run_scoped3A : memref<!tpu.dma_semaphore, #tpu.memory_space<semaphore_mem>>)
      %dma_wait3A_34 = tpu.memref_slice %arg3[%add3A_4] : memref<320000xi32, #tpu.memory_space<hbm>> -> memref<80xi32, #tpu.memory_space<hbm>>
      %dma_wait3A_35 = tpu.memref_slice %arg3[%add3A_4] : memref<320000xi32, #tpu.memory_space<hbm>> -> memref<80xi32, #tpu.memory_space<hbm>>
      tpu.wait_dma2 semaphore(%run_scoped3A : memref<!tpu.dma_semaphore, #tpu.memory_space<semaphore_mem>>) src(%dma_wait3A_35 : memref<80xi32, #tpu.memory_space<hbm>>) dst(%arg8 : memref<80xi32, #tpu.memory_space<vmem>>)
      tpu.yield
    }) : () -> ()
    %add3A_5 = arith.constant 0 : i32
    %add3A_6 = arith.addi %mul3A_2, %add3A_5 : i32
    "tpu.region"() ({
      %run_scoped3A = tpu.sem_alloc : memref<!tpu.dma_semaphore, #tpu.memory_space<semaphore_mem>>
      %dma_start3A_32 = tpu.memref_slice %arg4[%add3A_6] : memref<320000xi32, #tpu.memory_space<hbm>> -> memref<80xi32, #tpu.memory_space<hbm>>
      %dma_start3A_33 = tpu.memref_slice %arg4[%add3A_6] : memref<320000xi32, #tpu.memory_space<hbm>> -> memref<80xi32, #tpu.memory_space<hbm>>
      tpu.enqueue_dma source(%dma_start3A_33 : memref<80xi32, #tpu.memory_space<hbm>>) target(%arg10 : memref<80xi32, #tpu.memory_space<vmem>>) target_semaphore(%run_scoped3A : memref<!tpu.dma_semaphore, #tpu.memory_space<semaphore_mem>>)
      %dma_wait3A_34 = tpu.memref_slice %arg4[%add3A_6] : memref<320000xi32, #tpu.memory_space<hbm>> -> memref<80xi32, #tpu.memory_space<hbm>>
      %dma_wait3A_35 = tpu.memref_slice %arg4[%add3A_6] : memref<320000xi32, #tpu.memory_space<hbm>> -> memref<80xi32, #tpu.memory_space<hbm>>
      tpu.wait_dma2 semaphore(%run_scoped3A : memref<!tpu.dma_semaphore, #tpu.memory_space<semaphore_mem>>) src(%dma_wait3A_35 : memref<80xi32, #tpu.memory_space<hbm>>) dst(%arg10 : memref<80xi32, #tpu.memory_space<vmem>>)
      tpu.yield
    }) : () -> ()
    %dma_start3A = arith.constant 0 : i32
    %dma_start3A_7 = arith.constant 0 : i32
    %dma_start3A_8 = tpu.memref_slice %arg2[%dma_start3A, %dma_start3A_7] : memref<10000x160xf32, #tpu.memory_space<hbm>> -> memref<10000x160xf32, #tpu.memory_space<hbm>>
    tpu.enqueue_indirect_dma source(%dma_start3A_8 : memref<10000x160xf32, #tpu.memory_space<hbm>>) target(%arg12 : memref<80x160xf32, #tpu.memory_space<vmem>>) offsets(%arg8 : memref<80xi32, #tpu.memory_space<vmem>>) semaphore(%arg14 : memref<!tpu.dma_semaphore, #tpu.memory_space<semaphore_mem>>)
    %mul3A_9 = arith.constant 625 : i32
    %mul3A_10 = arith.muli %arg1, %mul3A_9 : i32
    "tpu.region"() ({
      %run_scoped3A = tpu.sem_alloc : memref<!tpu.dma_semaphore, #tpu.memory_space<semaphore_mem>>
      %dma_start3A_32 = arith.constant 0 : i32
      %dma_start3A_33 = tpu.memref_slice %arg7[%mul3A_10, %dma_start3A_32] : memref<10000x160xf32, #tpu.memory_space<vmem_shared>> -> memref<625x160xf32, #tpu.memory_space<vmem_shared>>
      tpu.enqueue_dma source(%arg5 : memref<625x160xf32, #tpu.memory_space<hbm>>) target(%dma_start3A_33 : memref<625x160xf32, #tpu.memory_space<vmem_shared>>) target_semaphore(%run_scoped3A : memref<!tpu.dma_semaphore, #tpu.memory_space<semaphore_mem>>)
      %dma_wait3A_34 = arith.constant 0 : i32
      %dma_wait3A_35 = tpu.memref_slice %arg7[%mul3A_10, %dma_wait3A_34] : memref<10000x160xf32, #tpu.memory_space<vmem_shared>> -> memref<625x160xf32, #tpu.memory_space<vmem_shared>>
      tpu.wait_dma2 semaphore(%run_scoped3A : memref<!tpu.dma_semaphore, #tpu.memory_space<semaphore_mem>>) src(%arg5 : memref<625x160xf32, #tpu.memory_space<hbm>>) dst(%dma_wait3A_35 : memref<625x160xf32, #tpu.memory_space<vmem_shared>>)
      tpu.yield
    }) : () -> ()
    %barrier3A = arith.constant 0 : index
    tpu.barrier barrier_id(%barrier3A)
    %scan3A = arith.constant 0 : i32
    %scan3A_11 = arith.constant 0 : i32
    %scan3A_12 = arith.constant 62 : i32
    %scan3A_13 = arith.addi %scan3A_11, %scan3A_12 : i32
    %scan3A_14 = arith.constant 1 : i32
    scf.for %scan3A_32 = %scan3A_11 to %scan3A_13 step %scan3A_14  : i32 {
      %gt3A = arith.constant 0 : i32
      %gt3A_33 = arith.cmpi sgt, %scan3A_32, %gt3A : i32
      %convert_element_type3A = arith.extui %gt3A_33 : i1 to i32
      %cond3A = arith.constant 0 : i32
      %cond3A_34 = arith.cmpi ne, %convert_element_type3A, %cond3A : i32
      scf.if %cond3A_34 {
        %dma_wait3A_76 = arith.constant 0 : i32
        %dma_wait3A_77 = arith.constant 0 : i32
        %dma_wait3A_78 = tpu.memref_slice %arg7[%dma_wait3A_76, %dma_wait3A_77] : memref<10000x160xf32, #tpu.memory_space<vmem_shared>> -> memref<10000x160xf32, #tpu.memory_space<vmem_shared>>
        tpu.wait_indirect_dma semaphore(%arg17 : memref<!tpu.dma_semaphore, #tpu.memory_space<semaphore_mem>>) src(%arg13 : memref<80x160xf32, #tpu.memory_space<vmem>>) dst(%dma_wait3A_78 : memref<10000x160xf32, #tpu.memory_space<vmem_shared>>)
      } else {
      }
      %mul3A_35 = arith.constant 2 : i32
      %mul3A_36 = arith.muli %mul3A_35, %scan3A_32 : i32
      %add3A_37 = arith.constant 1 : i32
      %add3A_38 = arith.addi %mul3A_36, %add3A_37 : i32
      %mul3A_39 = arith.constant 80 : i32
      %mul3A_40 = arith.muli %add3A_38, %mul3A_39 : i32
      %add3A_41 = arith.addi %mul3A_2, %mul3A_40 : i32
      "tpu.region"() ({
        %run_scoped3A = tpu.sem_alloc : memref<!tpu.dma_semaphore, #tpu.memory_space<semaphore_mem>>
        %dma_start3A_76 = tpu.memref_slice %arg3[%add3A_41] : memref<320000xi32, #tpu.memory_space<hbm>> -> memref<80xi32, #tpu.memory_space<hbm>>
        %dma_start3A_77 = tpu.memref_slice %arg3[%add3A_41] : memref<320000xi32, #tpu.memory_space<hbm>> -> memref<80xi32, #tpu.memory_space<hbm>>
        tpu.enqueue_dma source(%dma_start3A_77 : memref<80xi32, #tpu.memory_space<hbm>>) target(%arg9 : memref<80xi32, #tpu.memory_space<vmem>>) target_semaphore(%run_scoped3A : memref<!tpu.dma_semaphore, #tpu.memory_space<semaphore_mem>>)
        %dma_wait3A_78 = tpu.memref_slice %arg3[%add3A_41] : memref<320000xi32, #tpu.memory_space<hbm>> -> memref<80xi32, #tpu.memory_space<hbm>>
        %dma_wait3A_79 = tpu.memref_slice %arg3[%add3A_41] : memref<320000xi32, #tpu.memory_space<hbm>> -> memref<80xi32, #tpu.memory_space<hbm>>
        tpu.wait_dma2 semaphore(%run_scoped3A : memref<!tpu.dma_semaphore, #tpu.memory_space<semaphore_mem>>) src(%dma_wait3A_79 : memref<80xi32, #tpu.memory_space<hbm>>) dst(%arg9 : memref<80xi32, #tpu.memory_space<vmem>>)
        tpu.yield
      }) : () -> ()
      %mul3A_42 = arith.constant 80 : i32
      %mul3A_43 = arith.muli %add3A_38, %mul3A_42 : i32
      %add3A_44 = arith.addi %mul3A_2, %mul3A_43 : i32
      "tpu.region"() ({
        %run_scoped3A = tpu.sem_alloc : memref<!tpu.dma_semaphore, #tpu.memory_space<semaphore_mem>>
        %dma_start3A_76 = tpu.memref_slice %arg4[%add3A_44] : memref<320000xi32, #tpu.memory_space<hbm>> -> memref<80xi32, #tpu.memory_space<hbm>>
        %dma_start3A_77 = tpu.memref_slice %arg4[%add3A_44] : memref<320000xi32, #tpu.memory_space<hbm>> -> memref<80xi32, #tpu.memory_space<hbm>>
        tpu.enqueue_dma source(%dma_start3A_77 : memref<80xi32, #tpu.memory_space<hbm>>) target(%arg11 : memref<80xi32, #tpu.memory_space<vmem>>) target_semaphore(%run_scoped3A : memref<!tpu.dma_semaphore, #tpu.memory_space<semaphore_mem>>)
        %dma_wait3A_78 = tpu.memref_slice %arg4[%add3A_44] : memref<320000xi32, #tpu.memory_space<hbm>> -> memref<80xi32, #tpu.memory_space<hbm>>
        %dma_wait3A_79 = tpu.memref_slice %arg4[%add3A_44] : memref<320000xi32, #tpu.memory_space<hbm>> -> memref<80xi32, #tpu.memory_space<hbm>>
        tpu.wait_dma2 semaphore(%run_scoped3A : memref<!tpu.dma_semaphore, #tpu.memory_space<semaphore_mem>>) src(%dma_wait3A_79 : memref<80xi32, #tpu.memory_space<hbm>>) dst(%arg11 : memref<80xi32, #tpu.memory_space<vmem>>)
        tpu.yield
      }) : () -> ()
      %dma_start3A_45 = arith.constant 0 : i32
      %dma_start3A_46 = arith.constant 0 : i32
      %dma_start3A_47 = tpu.memref_slice %arg2[%dma_start3A_45, %dma_start3A_46] : memref<10000x160xf32, #tpu.memory_space<hbm>> -> memref<10000x160xf32, #tpu.memory_space<hbm>>
      tpu.enqueue_indirect_dma source(%dma_start3A_47 : memref<10000x160xf32, #tpu.memory_space<hbm>>) target(%arg13 : memref<80x160xf32, #tpu.memory_space<vmem>>) offsets(%arg9 : memref<80xi32, #tpu.memory_space<vmem>>) semaphore(%arg15 : memref<!tpu.dma_semaphore, #tpu.memory_space<semaphore_mem>>)
      %dma_wait3A_48 = arith.constant 0 : i32
      %dma_wait3A_49 = arith.constant 0 : i32
      %dma_wait3A_50 = tpu.memref_slice %arg2[%dma_wait3A_48, %dma_wait3A_49] : memref<10000x160xf32, #tpu.memory_space<hbm>> -> memref<10000x160xf32, #tpu.memory_space<hbm>>
      tpu.wait_indirect_dma semaphore(%arg14 : memref<!tpu.dma_semaphore, #tpu.memory_space<semaphore_mem>>) src(%dma_wait3A_50 : memref<10000x160xf32, #tpu.memory_space<hbm>>) dst(%arg12 : memref<80x160xf32, #tpu.memory_space<vmem>>)
      %dma_start3A_51 = arith.constant 0 : i32
      %dma_start3A_52 = arith.constant 0 : i32
      %dma_start3A_53 = tpu.memref_slice %arg7[%dma_start3A_51, %dma_start3A_52] : memref<10000x160xf32, #tpu.memory_space<vmem_shared>> -> memref<10000x160xf32, #tpu.memory_space<vmem_shared>>
      tpu.enqueue_indirect_dma source(%arg12 : memref<80x160xf32, #tpu.memory_space<vmem>>) target(%dma_start3A_53 : memref<10000x160xf32, #tpu.memory_space<vmem_shared>>) offsets(%arg10 : memref<80xi32, #tpu.memory_space<vmem>>) semaphore(%arg16 : memref<!tpu.dma_semaphore, #tpu.memory_space<semaphore_mem>>) {add = true}
      %dma_wait3A_54 = arith.constant 0 : i32
      %dma_wait3A_55 = arith.constant 0 : i32
      %dma_wait3A_56 = tpu.memref_slice %arg7[%dma_wait3A_54, %dma_wait3A_55] : memref<10000x160xf32, #tpu.memory_space<vmem_shared>> -> memref<10000x160xf32, #tpu.memory_space<vmem_shared>>
      tpu.wait_indirect_dma semaphore(%arg16 : memref<!tpu.dma_semaphore, #tpu.memory_space<semaphore_mem>>) src(%arg12 : memref<80x160xf32, #tpu.memory_space<vmem>>) dst(%dma_wait3A_56 : memref<10000x160xf32, #tpu.memory_space<vmem_shared>>)
      %mul3A_57 = arith.constant 2 : i32
      %mul3A_58 = arith.muli %mul3A_57, %scan3A_32 : i32
      %add3A_59 = arith.constant 2 : i32
      %add3A_60 = arith.addi %mul3A_58, %add3A_59 : i32
      %mul3A_61 = arith.constant 80 : i32
      %mul3A_62 = arith.muli %add3A_60, %mul3A_61 : i32
      %add3A_63 = arith.addi %mul3A_2, %mul3A_62 : i32
      "tpu.region"() ({
        %run_scoped3A = tpu.sem_alloc : memref<!tpu.dma_semaphore, #tpu.memory_space<semaphore_mem>>
        %dma_start3A_76 = tpu.memref_slice %arg3[%add3A_63] : memref<320000xi32, #tpu.memory_space<hbm>> -> memref<80xi32, #tpu.memory_space<hbm>>
        %dma_start3A_77 = tpu.memref_slice %arg3[%add3A_63] : memref<320000xi32, #tpu.memory_space<hbm>> -> memref<80xi32, #tpu.memory_space<hbm>>
        tpu.enqueue_dma source(%dma_start3A_77 : memref<80xi32, #tpu.memory_space<hbm>>) target(%arg8 : memref<80xi32, #tpu.memory_space<vmem>>) target_semaphore(%run_scoped3A : memref<!tpu.dma_semaphore, #tpu.memory_space<semaphore_mem>>)
        %dma_wait3A_78 = tpu.memref_slice %arg3[%add3A_63] : memref<320000xi32, #tpu.memory_space<hbm>> -> memref<80xi32, #tpu.memory_space<hbm>>
        %dma_wait3A_79 = tpu.memref_slice %arg3[%add3A_63] : memref<320000xi32, #tpu.memory_space<hbm>> -> memref<80xi32, #tpu.memory_space<hbm>>
        tpu.wait_dma2 semaphore(%run_scoped3A : memref<!tpu.dma_semaphore, #tpu.memory_space<semaphore_mem>>) src(%dma_wait3A_79 : memref<80xi32, #tpu.memory_space<hbm>>) dst(%arg8 : memref<80xi32, #tpu.memory_space<vmem>>)
        tpu.yield
      }) : () -> ()
      %mul3A_64 = arith.constant 80 : i32
      %mul3A_65 = arith.muli %add3A_60, %mul3A_64 : i32
      %add3A_66 = arith.addi %mul3A_2, %mul3A_65 : i32
      "tpu.region"() ({
        %run_scoped3A = tpu.sem_alloc : memref<!tpu.dma_semaphore, #tpu.memory_space<semaphore_mem>>
        %dma_start3A_76 = tpu.memref_slice %arg4[%add3A_66] : memref<320000xi32, #tpu.memory_space<hbm>> -> memref<80xi32, #tpu.memory_space<hbm>>
        %dma_start3A_77 = tpu.memref_slice %arg4[%add3A_66] : memref<320000xi32, #tpu.memory_space<hbm>> -> memref<80xi32, #tpu.memory_space<hbm>>
        tpu.enqueue_dma source(%dma_start3A_77 : memref<80xi32, #tpu.memory_space<hbm>>) target(%arg10 : memref<80xi32, #tpu.memory_space<vmem>>) target_semaphore(%run_scoped3A : memref<!tpu.dma_semaphore, #tpu.memory_space<semaphore_mem>>)
        %dma_wait3A_78 = tpu.memref_slice %arg4[%add3A_66] : memref<320000xi32, #tpu.memory_space<hbm>> -> memref<80xi32, #tpu.memory_space<hbm>>
        %dma_wait3A_79 = tpu.memref_slice %arg4[%add3A_66] : memref<320000xi32, #tpu.memory_space<hbm>> -> memref<80xi32, #tpu.memory_space<hbm>>
        tpu.wait_dma2 semaphore(%run_scoped3A : memref<!tpu.dma_semaphore, #tpu.memory_space<semaphore_mem>>) src(%dma_wait3A_79 : memref<80xi32, #tpu.memory_space<hbm>>) dst(%arg10 : memref<80xi32, #tpu.memory_space<vmem>>)
        tpu.yield
      }) : () -> ()
      %dma_start3A_67 = arith.constant 0 : i32
      %dma_start3A_68 = arith.constant 0 : i32
      %dma_start3A_69 = tpu.memref_slice %arg2[%dma_start3A_67, %dma_start3A_68] : memref<10000x160xf32, #tpu.memory_space<hbm>> -> memref<10000x160xf32, #tpu.memory_space<hbm>>
      tpu.enqueue_indirect_dma source(%dma_start3A_69 : memref<10000x160xf32, #tpu.memory_space<hbm>>) target(%arg12 : memref<80x160xf32, #tpu.memory_space<vmem>>) offsets(%arg8 : memref<80xi32, #tpu.memory_space<vmem>>) semaphore(%arg14 : memref<!tpu.dma_semaphore, #tpu.memory_space<semaphore_mem>>)
      %dma_wait3A_70 = arith.constant 0 : i32
      %dma_wait3A_71 = arith.constant 0 : i32
      %dma_wait3A_72 = tpu.memref_slice %arg2[%dma_wait3A_70, %dma_wait3A_71] : memref<10000x160xf32, #tpu.memory_space<hbm>> -> memref<10000x160xf32, #tpu.memory_space<hbm>>
      tpu.wait_indirect_dma semaphore(%arg15 : memref<!tpu.dma_semaphore, #tpu.memory_space<semaphore_mem>>) src(%dma_wait3A_72 : memref<10000x160xf32, #tpu.memory_space<hbm>>) dst(%arg13 : memref<80x160xf32, #tpu.memory_space<vmem>>)
      %dma_start3A_73 = arith.constant 0 : i32
      %dma_start3A_74 = arith.constant 0 : i32
      %dma_start3A_75 = tpu.memref_slice %arg7[%dma_start3A_73, %dma_start3A_74] : memref<10000x160xf32, #tpu.memory_space<vmem_shared>> -> memref<10000x160xf32, #tpu.memory_space<vmem_shared>>
      tpu.enqueue_indirect_dma source(%arg13 : memref<80x160xf32, #tpu.memory_space<vmem>>) target(%dma_start3A_75 : memref<10000x160xf32, #tpu.memory_space<vmem_shared>>) offsets(%arg11 : memref<80xi32, #tpu.memory_space<vmem>>) semaphore(%arg17 : memref<!tpu.dma_semaphore, #tpu.memory_space<semaphore_mem>>) {add = true}
    }
    %scan3A_15 = arith.constant 62 : i32
    %dma_wait3A = arith.constant 0 : i32
    %dma_wait3A_16 = arith.constant 0 : i32
    %dma_wait3A_17 = tpu.memref_slice %arg7[%dma_wait3A, %dma_wait3A_16] : memref<10000x160xf32, #tpu.memory_space<vmem_shared>> -> memref<10000x160xf32, #tpu.memory_space<vmem_shared>>
    tpu.wait_indirect_dma semaphore(%arg17 : memref<!tpu.dma_semaphore, #tpu.memory_space<semaphore_mem>>) src(%arg13 : memref<80x160xf32, #tpu.memory_space<vmem>>) dst(%dma_wait3A_17 : memref<10000x160xf32, #tpu.memory_space<vmem_shared>>)
    %dma_wait3A_18 = arith.constant 0 : i32
    %dma_wait3A_19 = arith.constant 0 : i32
    %dma_wait3A_20 = tpu.memref_slice %arg2[%dma_wait3A_18, %dma_wait3A_19] : memref<10000x160xf32, #tpu.memory_space<hbm>> -> memref<10000x160xf32, #tpu.memory_space<hbm>>
    tpu.wait_indirect_dma semaphore(%arg14 : memref<!tpu.dma_semaphore, #tpu.memory_space<semaphore_mem>>) src(%dma_wait3A_20 : memref<10000x160xf32, #tpu.memory_space<hbm>>) dst(%arg12 : memref<80x160xf32, #tpu.memory_space<vmem>>)
    %dma_start3A_21 = arith.constant 0 : i32
    %dma_start3A_22 = arith.constant 0 : i32
    %dma_start3A_23 = tpu.memref_slice %arg7[%dma_start3A_21, %dma_start3A_22] : memref<10000x160xf32, #tpu.memory_space<vmem_shared>> -> memref<10000x160xf32, #tpu.memory_space<vmem_shared>>
    tpu.enqueue_indirect_dma source(%arg12 : memref<80x160xf32, #tpu.memory_space<vmem>>) target(%dma_start3A_23 : memref<10000x160xf32, #tpu.memory_space<vmem_shared>>) offsets(%arg10 : memref<80xi32, #tpu.memory_space<vmem>>) semaphore(%arg16 : memref<!tpu.dma_semaphore, #tpu.memory_space<semaphore_mem>>) {add = true}
    %dma_wait3A_24 = arith.constant 0 : i32
    %dma_wait3A_25 = arith.constant 0 : i32
    %dma_wait3A_26 = tpu.memref_slice %arg7[%dma_wait3A_24, %dma_wait3A_25] : memref<10000x160xf32, #tpu.memory_space<vmem_shared>> -> memref<10000x160xf32, #tpu.memory_space<vmem_shared>>
    tpu.wait_indirect_dma semaphore(%arg16 : memref<!tpu.dma_semaphore, #tpu.memory_space<semaphore_mem>>) src(%arg12 : memref<80x160xf32, #tpu.memory_space<vmem>>) dst(%dma_wait3A_26 : memref<10000x160xf32, #tpu.memory_space<vmem_shared>>)
    %barrier3A_27 = arith.constant 0 : index
    tpu.barrier barrier_id(%barrier3A_27)
    %mul3A_28 = arith.constant 625 : i32
    %mul3A_29 = arith.muli %arg1, %mul3A_28 : i32
    %mul3A_30 = arith.constant 625 : i32
    %mul3A_31 = arith.muli %arg1, %mul3A_30 : i32
    "tpu.region"() ({
      %run_scoped3A = tpu.sem_alloc : memref<!tpu.dma_semaphore, #tpu.memory_space<semaphore_mem>>
      %dma_start3A_32 = arith.constant 0 : i32
      %dma_start3A_33 = tpu.memref_slice %arg6[%arg0, %mul3A_31, %dma_start3A_32] : memref<2x10000x160xf32, #tpu.memory_space<hbm>> -> memref<1x625x160xf32, #tpu.memory_space<hbm>>
      %dma_start3A_34 = tpu.memref_squeeze %dma_start3A_33 : memref<1x625x160xf32, #tpu.memory_space<hbm>> -> memref<625x160xf32, #tpu.memory_space<hbm>>
      %dma_start3A_35 = arith.constant 0 : i32
      %dma_start3A_36 = tpu.memref_slice %arg7[%mul3A_29, %dma_start3A_35] : memref<10000x160xf32, #tpu.memory_space<vmem_shared>> -> memref<625x160xf32, #tpu.memory_space<vmem_shared>>
      tpu.enqueue_dma source(%dma_start3A_36 : memref<625x160xf32, #tpu.memory_space<vmem_shared>>) target(%dma_start3A_34 : memref<625x160xf32, #tpu.memory_space<hbm>>) target_semaphore(%run_scoped3A : memref<!tpu.dma_semaphore, #tpu.memory_space<semaphore_mem>>)
      %dma_wait3A_37 = arith.constant 0 : i32
      %dma_wait3A_38 = tpu.memref_slice %arg6[%arg0, %mul3A_31, %dma_wait3A_37] : memref<2x10000x160xf32, #tpu.memory_space<hbm>> -> memref<1x625x160xf32, #tpu.memory_space<hbm>>
      %dma_wait3A_39 = tpu.memref_squeeze %dma_wait3A_38 : memref<1x625x160xf32, #tpu.memory_space<hbm>> -> memref<625x160xf32, #tpu.memory_space<hbm>>
      %dma_wait3A_40 = arith.constant 0 : i32
      %dma_wait3A_41 = tpu.memref_slice %arg7[%mul3A_29, %dma_wait3A_40] : memref<10000x160xf32, #tpu.memory_space<vmem_shared>> -> memref<625x160xf32, #tpu.memory_space<vmem_shared>>
      tpu.wait_dma2 semaphore(%run_scoped3A : memref<!tpu.dma_semaphore, #tpu.memory_space<semaphore_mem>>) src(%dma_wait3A_41 : memref<625x160xf32, #tpu.memory_space<vmem_shared>>) dst(%dma_wait3A_39 : memref<625x160xf32, #tpu.memory_space<hbm>>)
      tpu.yield
    }) : () -> ()
    return
  }
}

#map = affine_map<(d0, d1) -> (0, 0)>
#map1 = affine_map<(d0, d1) -> (0)>
#map2 = affine_map<(d0, d1) -> (0, 0, 0)>
module attributes {stable_mosaic.version = 14 : i64} {
  func.func @k(%arg0: i32, %arg1: i32, %arg2: memref<10000x160xf32, #tpu.memory_space<hbm>>, %arg3: memref<320000xi32, #tpu.memory_space<hbm>>, %arg4: memref<320000xi32, #tpu.memory_space<hbm>>, %arg5: memref<625x160xf32, #tpu.memory_space<hbm>>, %arg6: memref<2x10000x160xf32, #tpu.memory_space<hbm>>, %arg7: memref<10000x160xf32, #tpu.memory_space<vmem_shared>>, %arg8: memref<80xi32, #tpu.memory_space<vmem>>, %arg9: memref<80xi32, #tpu.memory_space<vmem>>, %arg10: memref<80xi32, #tpu.memory_space<vmem>>, %arg11: memref<80xi32, #tpu.memory_space<vmem>>, %arg12: memref<80x160xf32, #tpu.memory_space<vmem>>, %arg13: memref<80x160xf32, #tpu.memory_space<vmem>>, %arg14: memref<!tpu.dma_semaphore, #tpu.memory_space<semaphore_mem>>, %arg15: memref<!tpu.dma_semaphore, #tpu.memory_space<semaphore_mem>>, %arg16: memref<!tpu.dma_semaphore, #tpu.memory_space<semaphore_mem>>, %arg17: memref<!tpu.dma_semaphore, #tpu.memory_space<semaphore_mem>>) attributes {dimension_semantics = [#tpu.dimension_semantics<core_parallel>, #tpu.dimension_semantics<subcore_parallel>], iteration_bounds = array<i64: 2, 16>, scalar_prefetch = 0 : i64, scratch_operands = 11 : i64, tpu.core_type = #tpu.core_type<sc_vector_subcore>, window_params = [{transform_indices = #map}, {transform_indices = #map1}, {transform_indices = #map1}, {transform_indices = #map}, {transform_indices = #map2}]} {
    %mul3A = arith.constant 16 : i32
    %mul3A_0 = arith.muli %arg0, %mul3A : i32
    %add3A = arith.addi %mul3A_0, %arg1 : i32
    %mul3A_1 = arith.constant 10000 : i32
    %mul3A_2 = arith.muli %add3A, %mul3A_1 : i32
    %add3A_3 = arith.constant 0 : i32
    %add3A_4 = arith.addi %mul3A_2, %add3A_3 : i32
    "tpu.region"() ({
      %run_scoped3A = tpu.sem_alloc : memref<!tpu.dma_semaphore, #tpu.memory_space<semaphore_mem>>
      %dma_start3A_32 = tpu.memref_slice %arg3[%add3A_4] : memref<320000xi32, #tpu.memory_space<hbm>> -> memref<80xi32, #tpu.memory_space<hbm>>
      %dma_start3A_33 = tpu.memref_slice %arg3[%add3A_4] : memref<320000xi32, #tpu.memory_space<hbm>> -> memref<80xi32, #tpu.memory_space<hbm>>
      tpu.enqueue_dma source(%dma_start3A_33 : memref<80xi32, #tpu.memory_space<hbm>>) target(%arg8 : memref<80xi32, #tpu.memory_space<vmem>>) target_semaphore(%run_scoped3A : memref<!tpu.dma_semaphore, #tpu.memory_space<semaphore_mem>>)
      %dma_wait3A_34 = tpu.memref_slice %arg3[%add3A_4] : memref<320000xi32, #tpu.memory_space<hbm>> -> memref<80xi32, #tpu.memory_space<hbm>>
      %dma_wait3A_35 = tpu.memref_slice %arg3[%add3A_4] : memref<320000xi32, #tpu.memory_space<hbm>> -> memref<80xi32, #tpu.memory_space<hbm>>
      tpu.wait_dma2 semaphore(%run_scoped3A : memref<!tpu.dma_semaphore, #tpu.memory_space<semaphore_mem>>) src(%dma_wait3A_35 : memref<80xi32, #tpu.memory_space<hbm>>) dst(%arg8 : memref<80xi32, #tpu.memory_space<vmem>>)
      tpu.yield
    }) : () -> ()
    %add3A_5 = arith.constant 0 : i32
    %add3A_6 = arith.addi %mul3A_2, %add3A_5 : i32
    "tpu.region"() ({
      %run_scoped3A = tpu.sem_alloc : memref<!tpu.dma_semaphore, #tpu.memory_space<semaphore_mem>>
      %dma_start3A_32 = tpu.memref_slice %arg4[%add3A_6] : memref<320000xi32, #tpu.memory_space<hbm>> -> memref<80xi32, #tpu.memory_space<hbm>>
      %dma_start3A_33 = tpu.memref_slice %arg4[%add3A_6] : memref<320000xi32, #tpu.memory_space<hbm>> -> memref<80xi32, #tpu.memory_space<hbm>>
      tpu.enqueue_dma source(%dma_start3A_33 : memref<80xi32, #tpu.memory_space<hbm>>) target(%arg10 : memref<80xi32, #tpu.memory_space<vmem>>) target_semaphore(%run_scoped3A : memref<!tpu.dma_semaphore, #tpu.memory_space<semaphore_mem>>)
      %dma_wait3A_34 = tpu.memref_slice %arg4[%add3A_6] : memref<320000xi32, #tpu.memory_space<hbm>> -> memref<80xi32, #tpu.memory_space<hbm>>
      %dma_wait3A_35 = tpu.memref_slice %arg4[%add3A_6] : memref<320000xi32, #tpu.memory_space<hbm>> -> memref<80xi32, #tpu.memory_space<hbm>>
      tpu.wait_dma2 semaphore(%run_scoped3A : memref<!tpu.dma_semaphore, #tpu.memory_space<semaphore_mem>>) src(%dma_wait3A_35 : memref<80xi32, #tpu.memory_space<hbm>>) dst(%arg10 : memref<80xi32, #tpu.memory_space<vmem>>)
      tpu.yield
    }) : () -> ()
    %dma_start3A = arith.constant 0 : i32
    %dma_start3A_7 = arith.constant 0 : i32
    %dma_start3A_8 = tpu.memref_slice %arg2[%dma_start3A, %dma_start3A_7] : memref<10000x160xf32, #tpu.memory_space<hbm>> -> memref<10000x160xf32, #tpu.memory_space<hbm>>
    tpu.enqueue_indirect_dma source(%dma_start3A_8 : memref<10000x160xf32, #tpu.memory_space<hbm>>) target(%arg12 : memref<80x160xf32, #tpu.memory_space<vmem>>) offsets(%arg8 : memref<80xi32, #tpu.memory_space<vmem>>) semaphore(%arg14 : memref<!tpu.dma_semaphore, #tpu.memory_space<semaphore_mem>>)
    %mul3A_9 = arith.constant 625 : i32
    %mul3A_10 = arith.muli %arg1, %mul3A_9 : i32
    "tpu.region"() ({
      %run_scoped3A = tpu.sem_alloc : memref<!tpu.dma_semaphore, #tpu.memory_space<semaphore_mem>>
      %dma_start3A_32 = arith.constant 0 : i32
      %dma_start3A_33 = tpu.memref_slice %arg7[%mul3A_10, %dma_start3A_32] : memref<10000x160xf32, #tpu.memory_space<vmem_shared>> -> memref<625x160xf32, #tpu.memory_space<vmem_shared>>
      tpu.enqueue_dma source(%arg5 : memref<625x160xf32, #tpu.memory_space<hbm>>) target(%dma_start3A_33 : memref<625x160xf32, #tpu.memory_space<vmem_shared>>) target_semaphore(%run_scoped3A : memref<!tpu.dma_semaphore, #tpu.memory_space<semaphore_mem>>)
      %dma_wait3A_34 = arith.constant 0 : i32
      %dma_wait3A_35 = tpu.memref_slice %arg7[%mul3A_10, %dma_wait3A_34] : memref<10000x160xf32, #tpu.memory_space<vmem_shared>> -> memref<625x160xf32, #tpu.memory_space<vmem_shared>>
      tpu.wait_dma2 semaphore(%run_scoped3A : memref<!tpu.dma_semaphore, #tpu.memory_space<semaphore_mem>>) src(%arg5 : memref<625x160xf32, #tpu.memory_space<hbm>>) dst(%dma_wait3A_35 : memref<625x160xf32, #tpu.memory_space<vmem_shared>>)
      tpu.yield
    }) : () -> ()
    %barrier3A = arith.constant 0 : index
    tpu.barrier barrier_id(%barrier3A)
    %scan3A = arith.constant 0 : i32
    %scan3A_11 = arith.constant 0 : i32
    %scan3A_12 = arith.constant 62 : i32
    %scan3A_13 = arith.addi %scan3A_11, %scan3A_12 : i32
    %scan3A_14 = arith.constant 1 : i32
    scf.for %scan3A_32 = %scan3A_11 to %scan3A_13 step %scan3A_14  : i32 {
      %gt3A = arith.constant 0 : i32
      %gt3A_33 = arith.cmpi sgt, %scan3A_32, %gt3A : i32
      %convert_element_type3A = arith.extui %gt3A_33 : i1 to i32
      %cond3A = arith.constant 0 : i32
      %cond3A_34 = arith.cmpi ne, %convert_element_type3A, %cond3A : i32
      scf.if %cond3A_34 {
        %dma_wait3A_76 = arith.constant 0 : i32
        %dma_wait3A_77 = arith.constant 0 : i32
        %dma_wait3A_78 = tpu.memref_slice %arg7[%dma_wait3A_76, %dma_wait3A_77] : memref<10000x160xf32, #tpu.memory_space<vmem_shared>> -> memref<10000x160xf32, #tpu.memory_space<vmem_shared>>
        tpu.wait_indirect_dma semaphore(%arg17 : memref<!tpu.dma_semaphore, #tpu.memory_space<semaphore_mem>>) src(%arg13 : memref<80x160xf32, #tpu.memory_space<vmem>>) dst(%dma_wait3A_78 : memref<10000x160xf32, #tpu.memory_space<vmem_shared>>)
      } else {
      }
      %mul3A_35 = arith.constant 2 : i32
      %mul3A_36 = arith.muli %mul3A_35, %scan3A_32 : i32
      %add3A_37 = arith.constant 1 : i32
      %add3A_38 = arith.addi %mul3A_36, %add3A_37 : i32
      %mul3A_39 = arith.constant 80 : i32
      %mul3A_40 = arith.muli %add3A_38, %mul3A_39 : i32
      %add3A_41 = arith.addi %mul3A_2, %mul3A_40 : i32
      "tpu.region"() ({
        %run_scoped3A = tpu.sem_alloc : memref<!tpu.dma_semaphore, #tpu.memory_space<semaphore_mem>>
        %dma_start3A_76 = tpu.memref_slice %arg3[%add3A_41] : memref<320000xi32, #tpu.memory_space<hbm>> -> memref<80xi32, #tpu.memory_space<hbm>>
        %dma_start3A_77 = tpu.memref_slice %arg3[%add3A_41] : memref<320000xi32, #tpu.memory_space<hbm>> -> memref<80xi32, #tpu.memory_space<hbm>>
        tpu.enqueue_dma source(%dma_start3A_77 : memref<80xi32, #tpu.memory_space<hbm>>) target(%arg9 : memref<80xi32, #tpu.memory_space<vmem>>) target_semaphore(%run_scoped3A : memref<!tpu.dma_semaphore, #tpu.memory_space<semaphore_mem>>)
        %dma_wait3A_78 = tpu.memref_slice %arg3[%add3A_41] : memref<320000xi32, #tpu.memory_space<hbm>> -> memref<80xi32, #tpu.memory_space<hbm>>
        %dma_wait3A_79 = tpu.memref_slice %arg3[%add3A_41] : memref<320000xi32, #tpu.memory_space<hbm>> -> memref<80xi32, #tpu.memory_space<hbm>>
        tpu.wait_dma2 semaphore(%run_scoped3A : memref<!tpu.dma_semaphore, #tpu.memory_space<semaphore_mem>>) src(%dma_wait3A_79 : memref<80xi32, #tpu.memory_space<hbm>>) dst(%arg9 : memref<80xi32, #tpu.memory_space<vmem>>)
        tpu.yield
      }) : () -> ()
      %mul3A_42 = arith.constant 80 : i32
      %mul3A_43 = arith.muli %add3A_38, %mul3A_42 : i32
      %add3A_44 = arith.addi %mul3A_2, %mul3A_43 : i32
      "tpu.region"() ({
        %run_scoped3A = tpu.sem_alloc : memref<!tpu.dma_semaphore, #tpu.memory_space<semaphore_mem>>
        %dma_start3A_76 = tpu.memref_slice %arg4[%add3A_44] : memref<320000xi32, #tpu.memory_space<hbm>> -> memref<80xi32, #tpu.memory_space<hbm>>
        %dma_start3A_77 = tpu.memref_slice %arg4[%add3A_44] : memref<320000xi32, #tpu.memory_space<hbm>> -> memref<80xi32, #tpu.memory_space<hbm>>
        tpu.enqueue_dma source(%dma_start3A_77 : memref<80xi32, #tpu.memory_space<hbm>>) target(%arg11 : memref<80xi32, #tpu.memory_space<vmem>>) target_semaphore(%run_scoped3A : memref<!tpu.dma_semaphore, #tpu.memory_space<semaphore_mem>>)
        %dma_wait3A_78 = tpu.memref_slice %arg4[%add3A_44] : memref<320000xi32, #tpu.memory_space<hbm>> -> memref<80xi32, #tpu.memory_space<hbm>>
        %dma_wait3A_79 = tpu.memref_slice %arg4[%add3A_44] : memref<320000xi32, #tpu.memory_space<hbm>> -> memref<80xi32, #tpu.memory_space<hbm>>
        tpu.wait_dma2 semaphore(%run_scoped3A : memref<!tpu.dma_semaphore, #tpu.memory_space<semaphore_mem>>) src(%dma_wait3A_79 : memref<80xi32, #tpu.memory_space<hbm>>) dst(%arg11 : memref<80xi32, #tpu.memory_space<vmem>>)
        tpu.yield
      }) : () -> ()
      %dma_start3A_45 = arith.constant 0 : i32
      %dma_start3A_46 = arith.constant 0 : i32
      %dma_start3A_47 = tpu.memref_slice %arg2[%dma_start3A_45, %dma_start3A_46] : memref<10000x160xf32, #tpu.memory_space<hbm>> -> memref<10000x160xf32, #tpu.memory_space<hbm>>
      tpu.enqueue_indirect_dma source(%dma_start3A_47 : memref<10000x160xf32, #tpu.memory_space<hbm>>) target(%arg13 : memref<80x160xf32, #tpu.memory_space<vmem>>) offsets(%arg9 : memref<80xi32, #tpu.memory_space<vmem>>) semaphore(%arg15 : memref<!tpu.dma_semaphore, #tpu.memory_space<semaphore_mem>>)
      %dma_wait3A_48 = arith.constant 0 : i32
      %dma_wait3A_49 = arith.constant 0 : i32
      %dma_wait3A_50 = tpu.memref_slice %arg2[%dma_wait3A_48, %dma_wait3A_49] : memref<10000x160xf32, #tpu.memory_space<hbm>> -> memref<10000x160xf32, #tpu.memory_space<hbm>>
      tpu.wait_indirect_dma semaphore(%arg14 : memref<!tpu.dma_semaphore, #tpu.memory_space<semaphore_mem>>) src(%dma_wait3A_50 : memref<10000x160xf32, #tpu.memory_space<hbm>>) dst(%arg12 : memref<80x160xf32, #tpu.memory_space<vmem>>)
      %dma_start3A_51 = arith.constant 0 : i32
      %dma_start3A_52 = arith.constant 0 : i32
      %dma_start3A_53 = tpu.memref_slice %arg7[%dma_start3A_51, %dma_start3A_52] : memref<10000x160xf32, #tpu.memory_space<vmem_shared>> -> memref<10000x160xf32, #tpu.memory_space<vmem_shared>>
      tpu.enqueue_indirect_dma source(%arg12 : memref<80x160xf32, #tpu.memory_space<vmem>>) target(%dma_start3A_53 : memref<10000x160xf32, #tpu.memory_space<vmem_shared>>) offsets(%arg10 : memref<80xi32, #tpu.memory_space<vmem>>) semaphore(%arg16 : memref<!tpu.dma_semaphore, #tpu.memory_space<semaphore_mem>>) {add = true}
      %dma_wait3A_54 = arith.constant 0 : i32
      %dma_wait3A_55 = arith.constant 0 : i32
      %dma_wait3A_56 = tpu.memref_slice %arg7[%dma_wait3A_54, %dma_wait3A_55] : memref<10000x160xf32, #tpu.memory_space<vmem_shared>> -> memref<10000x160xf32, #tpu.memory_space<vmem_shared>>
      tpu.wait_indirect_dma semaphore(%arg16 : memref<!tpu.dma_semaphore, #tpu.memory_space<semaphore_mem>>) src(%arg12 : memref<80x160xf32, #tpu.memory_space<vmem>>) dst(%dma_wait3A_56 : memref<10000x160xf32, #tpu.memory_space<vmem_shared>>)
      %mul3A_57 = arith.constant 2 : i32
      %mul3A_58 = arith.muli %mul3A_57, %scan3A_32 : i32
      %add3A_59 = arith.constant 2 : i32
      %add3A_60 = arith.addi %mul3A_58, %add3A_59 : i32
      %mul3A_61 = arith.constant 80 : i32
      %mul3A_62 = arith.muli %add3A_60, %mul3A_61 : i32
      %add3A_63 = arith.addi %mul3A_2, %mul3A_62 : i32
      "tpu.region"() ({
        %run_scoped3A = tpu.sem_alloc : memref<!tpu.dma_semaphore, #tpu.memory_space<semaphore_mem>>
        %dma_start3A_76 = tpu.memref_slice %arg3[%add3A_63] : memref<320000xi32, #tpu.memory_space<hbm>> -> memref<80xi32, #tpu.memory_space<hbm>>
        %dma_start3A_77 = tpu.memref_slice %arg3[%add3A_63] : memref<320000xi32, #tpu.memory_space<hbm>> -> memref<80xi32, #tpu.memory_space<hbm>>
        tpu.enqueue_dma source(%dma_start3A_77 : memref<80xi32, #tpu.memory_space<hbm>>) target(%arg8 : memref<80xi32, #tpu.memory_space<vmem>>) target_semaphore(%run_scoped3A : memref<!tpu.dma_semaphore, #tpu.memory_space<semaphore_mem>>)
        %dma_wait3A_78 = tpu.memref_slice %arg3[%add3A_63] : memref<320000xi32, #tpu.memory_space<hbm>> -> memref<80xi32, #tpu.memory_space<hbm>>
        %dma_wait3A_79 = tpu.memref_slice %arg3[%add3A_63] : memref<320000xi32, #tpu.memory_space<hbm>> -> memref<80xi32, #tpu.memory_space<hbm>>
        tpu.wait_dma2 semaphore(%run_scoped3A : memref<!tpu.dma_semaphore, #tpu.memory_space<semaphore_mem>>) src(%dma_wait3A_79 : memref<80xi32, #tpu.memory_space<hbm>>) dst(%arg8 : memref<80xi32, #tpu.memory_space<vmem>>)
        tpu.yield
      }) : () -> ()
      %mul3A_64 = arith.constant 80 : i32
      %mul3A_65 = arith.muli %add3A_60, %mul3A_64 : i32
      %add3A_66 = arith.addi %mul3A_2, %mul3A_65 : i32
      "tpu.region"() ({
        %run_scoped3A = tpu.sem_alloc : memref<!tpu.dma_semaphore, #tpu.memory_space<semaphore_mem>>
        %dma_start3A_76 = tpu.memref_slice %arg4[%add3A_66] : memref<320000xi32, #tpu.memory_space<hbm>> -> memref<80xi32, #tpu.memory_space<hbm>>
        %dma_start3A_77 = tpu.memref_slice %arg4[%add3A_66] : memref<320000xi32, #tpu.memory_space<hbm>> -> memref<80xi32, #tpu.memory_space<hbm>>
        tpu.enqueue_dma source(%dma_start3A_77 : memref<80xi32, #tpu.memory_space<hbm>>) target(%arg10 : memref<80xi32, #tpu.memory_space<vmem>>) target_semaphore(%run_scoped3A : memref<!tpu.dma_semaphore, #tpu.memory_space<semaphore_mem>>)
        %dma_wait3A_78 = tpu.memref_slice %arg4[%add3A_66] : memref<320000xi32, #tpu.memory_space<hbm>> -> memref<80xi32, #tpu.memory_space<hbm>>
        %dma_wait3A_79 = tpu.memref_slice %arg4[%add3A_66] : memref<320000xi32, #tpu.memory_space<hbm>> -> memref<80xi32, #tpu.memory_space<hbm>>
        tpu.wait_dma2 semaphore(%run_scoped3A : memref<!tpu.dma_semaphore, #tpu.memory_space<semaphore_mem>>) src(%dma_wait3A_79 : memref<80xi32, #tpu.memory_space<hbm>>) dst(%arg10 : memref<80xi32, #tpu.memory_space<vmem>>)
        tpu.yield
      }) : () -> ()
      %dma_start3A_67 = arith.constant 0 : i32
      %dma_start3A_68 = arith.constant 0 : i32
      %dma_start3A_69 = tpu.memref_slice %arg2[%dma_start3A_67, %dma_start3A_68] : memref<10000x160xf32, #tpu.memory_space<hbm>> -> memref<10000x160xf32, #tpu.memory_space<hbm>>
      tpu.enqueue_indirect_dma source(%dma_start3A_69 : memref<10000x160xf32, #tpu.memory_space<hbm>>) target(%arg12 : memref<80x160xf32, #tpu.memory_space<vmem>>) offsets(%arg8 : memref<80xi32, #tpu.memory_space<vmem>>) semaphore(%arg14 : memref<!tpu.dma_semaphore, #tpu.memory_space<semaphore_mem>>)
      %dma_wait3A_70 = arith.constant 0 : i32
      %dma_wait3A_71 = arith.constant 0 : i32
      %dma_wait3A_72 = tpu.memref_slice %arg2[%dma_wait3A_70, %dma_wait3A_71] : memref<10000x160xf32, #tpu.memory_space<hbm>> -> memref<10000x160xf32, #tpu.memory_space<hbm>>
      tpu.wait_indirect_dma semaphore(%arg15 : memref<!tpu.dma_semaphore, #tpu.memory_space<semaphore_mem>>) src(%dma_wait3A_72 : memref<10000x160xf32, #tpu.memory_space<hbm>>) dst(%arg13 : memref<80x160xf32, #tpu.memory_space<vmem>>)
      %dma_start3A_73 = arith.constant 0 : i32
      %dma_start3A_74 = arith.constant 0 : i32
      %dma_start3A_75 = tpu.memref_slice %arg7[%dma_start3A_73, %dma_start3A_74] : memref<10000x160xf32, #tpu.memory_space<vmem_shared>> -> memref<10000x160xf32, #tpu.memory_space<vmem_shared>>
      tpu.enqueue_indirect_dma source(%arg13 : memref<80x160xf32, #tpu.memory_space<vmem>>) target(%dma_start3A_75 : memref<10000x160xf32, #tpu.memory_space<vmem_shared>>) offsets(%arg11 : memref<80xi32, #tpu.memory_space<vmem>>) semaphore(%arg17 : memref<!tpu.dma_semaphore, #tpu.memory_space<semaphore_mem>>) {add = true}
    }
    %scan3A_15 = arith.constant 62 : i32
    %dma_wait3A = arith.constant 0 : i32
    %dma_wait3A_16 = arith.constant 0 : i32
    %dma_wait3A_17 = tpu.memref_slice %arg7[%dma_wait3A, %dma_wait3A_16] : memref<10000x160xf32, #tpu.memory_space<vmem_shared>> -> memref<10000x160xf32, #tpu.memory_space<vmem_shared>>
    tpu.wait_indirect_dma semaphore(%arg17 : memref<!tpu.dma_semaphore, #tpu.memory_space<semaphore_mem>>) src(%arg13 : memref<80x160xf32, #tpu.memory_space<vmem>>) dst(%dma_wait3A_17 : memref<10000x160xf32, #tpu.memory_space<vmem_shared>>)
    %dma_wait3A_18 = arith.constant 0 : i32
    %dma_wait3A_19 = arith.constant 0 : i32
    %dma_wait3A_20 = tpu.memref_slice %arg2[%dma_wait3A_18, %dma_wait3A_19] : memref<10000x160xf32, #tpu.memory_space<hbm>> -> memref<10000x160xf32, #tpu.memory_space<hbm>>
    tpu.wait_indirect_dma semaphore(%arg14 : memref<!tpu.dma_semaphore, #tpu.memory_space<semaphore_mem>>) src(%dma_wait3A_20 : memref<10000x160xf32, #tpu.memory_space<hbm>>) dst(%arg12 : memref<80x160xf32, #tpu.memory_space<vmem>>)
    %dma_start3A_21 = arith.constant 0 : i32
    %dma_start3A_22 = arith.constant 0 : i32
    %dma_start3A_23 = tpu.memref_slice %arg7[%dma_start3A_21, %dma_start3A_22] : memref<10000x160xf32, #tpu.memory_space<vmem_shared>> -> memref<10000x160xf32, #tpu.memory_space<vmem_shared>>
    tpu.enqueue_indirect_dma source(%arg12 : memref<80x160xf32, #tpu.memory_space<vmem>>) target(%dma_start3A_23 : memref<10000x160xf32, #tpu.memory_space<vmem_shared>>) offsets(%arg10 : memref<80xi32, #tpu.memory_space<vmem>>) semaphore(%arg16 : memref<!tpu.dma_semaphore, #tpu.memory_space<semaphore_mem>>) {add = true}
    %dma_wait3A_24 = arith.constant 0 : i32
    %dma_wait3A_25 = arith.constant 0 : i32
    %dma_wait3A_26 = tpu.memref_slice %arg7[%dma_wait3A_24, %dma_wait3A_25] : memref<10000x160xf32, #tpu.memory_space<vmem_shared>> -> memref<10000x160xf32, #tpu.memory_space<vmem_shared>>
    tpu.wait_indirect_dma semaphore(%arg16 : memref<!tpu.dma_semaphore, #tpu.memory_space<semaphore_mem>>) src(%arg12 : memref<80x160xf32, #tpu.memory_space<vmem>>) dst(%dma_wait3A_26 : memref<10000x160xf32, #tpu.memory_space<vmem_shared>>)
    %barrier3A_27 = arith.constant 0 : index
    tpu.barrier barrier_id(%barrier3A_27)
    %mul3A_28 = arith.constant 625 : i32
    %mul3A_29 = arith.muli %arg1, %mul3A_28 : i32
    %mul3A_30 = arith.constant 625 : i32
    %mul3A_31 = arith.muli %arg1, %mul3A_30 : i32
    "tpu.region"() ({
      %run_scoped3A = tpu.sem_alloc : memref<!tpu.dma_semaphore, #tpu.memory_space<semaphore_mem>>
      %dma_start3A_32 = arith.constant 0 : i32
      %dma_start3A_33 = tpu.memref_slice %arg6[%arg0, %mul3A_31, %dma_start3A_32] : memref<2x10000x160xf32, #tpu.memory_space<hbm>> -> memref<1x625x160xf32, #tpu.memory_space<hbm>>
      %dma_start3A_34 = tpu.memref_squeeze %dma_start3A_33 : memref<1x625x160xf32, #tpu.memory_space<hbm>> -> memref<625x160xf32, #tpu.memory_space<hbm>>
      %dma_start3A_35 = arith.constant 0 : i32
      %dma_start3A_36 = tpu.memref_slice %arg7[%mul3A_29, %dma_start3A_35] : memref<10000x160xf32, #tpu.memory_space<vmem_shared>> -> memref<625x160xf32, #tpu.memory_space<vmem_shared>>
      tpu.enqueue_dma source(%dma_start3A_36 : memref<625x160xf32, #tpu.memory_space<vmem_shared>>) target(%dma_start3A_34 : memref<625x160xf32, #tpu.memory_space<hbm>>) target_semaphore(%run_scoped3A : memref<!tpu.dma_semaphore, #tpu.memory_space<semaphore_mem>>)
      %dma_wait3A_37 = arith.constant 0 : i32
      %dma_wait3A_38 = tpu.memref_slice %arg6[%arg0, %mul3A_31, %dma_wait3A_37] : memref<2x10000x160xf32, #tpu.memory_space<hbm>> -> memref<1x625x160xf32, #tpu.memory_space<hbm>>
      %dma_wait3A_39 = tpu.memref_squeeze %dma_wait3A_38 : memref<1x625x160xf32, #tpu.memory_space<hbm>> -> memref<625x160xf32, #tpu.memory_space<hbm>>
      %dma_wait3A_40 = arith.constant 0 : i32
      %dma_wait3A_41 = tpu.memref_slice %arg7[%mul3A_29, %dma_wait3A_40] : memref<10000x160xf32, #tpu.memory_space<vmem_shared>> -> memref<625x160xf32, #tpu.memory_space<vmem_shared>>
      tpu.wait_dma2 semaphore(%run_scoped3A : memref<!tpu.dma_semaphore, #tpu.memory_space<semaphore_mem>>) src(%dma_wait3A_41 : memref<625x160xf32, #tpu.memory_space<vmem_shared>>) dst(%dma_wait3A_39 : memref<625x160xf32, #tpu.memory_space<hbm>>)
      tpu.yield
    }) : () -> ()
    return
  }
}

#map = affine_map<(d0, d1) -> (0, 0)>
#map1 = affine_map<(d0, d1) -> (0)>
#map2 = affine_map<(d0, d1) -> (0, 0, 0)>
module attributes {stable_mosaic.version = 14 : i64} {
  func.func @k(%arg0: i32, %arg1: i32, %arg2: memref<10000x160xf32, #tpu.memory_space<hbm>>, %arg3: memref<320000xi32, #tpu.memory_space<hbm>>, %arg4: memref<320000xi32, #tpu.memory_space<hbm>>, %arg5: memref<625x160xf32, #tpu.memory_space<hbm>>, %arg6: memref<2x10000x160xf32, #tpu.memory_space<hbm>>, %arg7: memref<10000x160xf32, #tpu.memory_space<vmem_shared>>, %arg8: memref<80xi32, #tpu.memory_space<vmem>>, %arg9: memref<80xi32, #tpu.memory_space<vmem>>, %arg10: memref<80xi32, #tpu.memory_space<vmem>>, %arg11: memref<80xi32, #tpu.memory_space<vmem>>, %arg12: memref<80x160xf32, #tpu.memory_space<vmem>>, %arg13: memref<80x160xf32, #tpu.memory_space<vmem>>, %arg14: memref<!tpu.dma_semaphore, #tpu.memory_space<semaphore_mem>>, %arg15: memref<!tpu.dma_semaphore, #tpu.memory_space<semaphore_mem>>, %arg16: memref<!tpu.dma_semaphore, #tpu.memory_space<semaphore_mem>>, %arg17: memref<!tpu.dma_semaphore, #tpu.memory_space<semaphore_mem>>) attributes {dimension_semantics = [#tpu.dimension_semantics<core_parallel>, #tpu.dimension_semantics<subcore_parallel>], iteration_bounds = array<i64: 2, 16>, scalar_prefetch = 0 : i64, scratch_operands = 11 : i64, tpu.core_type = #tpu.core_type<sc_vector_subcore>, window_params = [{transform_indices = #map}, {transform_indices = #map1}, {transform_indices = #map1}, {transform_indices = #map}, {transform_indices = #map2}]} {
    %mul3A = arith.constant 16 : i32
    %mul3A_0 = arith.muli %arg0, %mul3A : i32
    %add3A = arith.addi %mul3A_0, %arg1 : i32
    %mul3A_1 = arith.constant 10000 : i32
    %mul3A_2 = arith.muli %add3A, %mul3A_1 : i32
    %add3A_3 = arith.constant 0 : i32
    %add3A_4 = arith.addi %mul3A_2, %add3A_3 : i32
    "tpu.region"() ({
      %run_scoped3A = tpu.sem_alloc : memref<!tpu.dma_semaphore, #tpu.memory_space<semaphore_mem>>
      %dma_start3A_32 = tpu.memref_slice %arg3[%add3A_4] : memref<320000xi32, #tpu.memory_space<hbm>> -> memref<80xi32, #tpu.memory_space<hbm>>
      %dma_start3A_33 = tpu.memref_slice %arg3[%add3A_4] : memref<320000xi32, #tpu.memory_space<hbm>> -> memref<80xi32, #tpu.memory_space<hbm>>
      tpu.enqueue_dma source(%dma_start3A_33 : memref<80xi32, #tpu.memory_space<hbm>>) target(%arg8 : memref<80xi32, #tpu.memory_space<vmem>>) target_semaphore(%run_scoped3A : memref<!tpu.dma_semaphore, #tpu.memory_space<semaphore_mem>>)
      %dma_wait3A_34 = tpu.memref_slice %arg3[%add3A_4] : memref<320000xi32, #tpu.memory_space<hbm>> -> memref<80xi32, #tpu.memory_space<hbm>>
      %dma_wait3A_35 = tpu.memref_slice %arg3[%add3A_4] : memref<320000xi32, #tpu.memory_space<hbm>> -> memref<80xi32, #tpu.memory_space<hbm>>
      tpu.wait_dma2 semaphore(%run_scoped3A : memref<!tpu.dma_semaphore, #tpu.memory_space<semaphore_mem>>) src(%dma_wait3A_35 : memref<80xi32, #tpu.memory_space<hbm>>) dst(%arg8 : memref<80xi32, #tpu.memory_space<vmem>>)
      tpu.yield
    }) : () -> ()
    %add3A_5 = arith.constant 0 : i32
    %add3A_6 = arith.addi %mul3A_2, %add3A_5 : i32
    "tpu.region"() ({
      %run_scoped3A = tpu.sem_alloc : memref<!tpu.dma_semaphore, #tpu.memory_space<semaphore_mem>>
      %dma_start3A_32 = tpu.memref_slice %arg4[%add3A_6] : memref<320000xi32, #tpu.memory_space<hbm>> -> memref<80xi32, #tpu.memory_space<hbm>>
      %dma_start3A_33 = tpu.memref_slice %arg4[%add3A_6] : memref<320000xi32, #tpu.memory_space<hbm>> -> memref<80xi32, #tpu.memory_space<hbm>>
      tpu.enqueue_dma source(%dma_start3A_33 : memref<80xi32, #tpu.memory_space<hbm>>) target(%arg10 : memref<80xi32, #tpu.memory_space<vmem>>) target_semaphore(%run_scoped3A : memref<!tpu.dma_semaphore, #tpu.memory_space<semaphore_mem>>)
      %dma_wait3A_34 = tpu.memref_slice %arg4[%add3A_6] : memref<320000xi32, #tpu.memory_space<hbm>> -> memref<80xi32, #tpu.memory_space<hbm>>
      %dma_wait3A_35 = tpu.memref_slice %arg4[%add3A_6] : memref<320000xi32, #tpu.memory_space<hbm>> -> memref<80xi32, #tpu.memory_space<hbm>>
      tpu.wait_dma2 semaphore(%run_scoped3A : memref<!tpu.dma_semaphore, #tpu.memory_space<semaphore_mem>>) src(%dma_wait3A_35 : memref<80xi32, #tpu.memory_space<hbm>>) dst(%arg10 : memref<80xi32, #tpu.memory_space<vmem>>)
      tpu.yield
    }) : () -> ()
    %dma_start3A = arith.constant 0 : i32
    %dma_start3A_7 = arith.constant 0 : i32
    %dma_start3A_8 = tpu.memref_slice %arg2[%dma_start3A, %dma_start3A_7] : memref<10000x160xf32, #tpu.memory_space<hbm>> -> memref<10000x160xf32, #tpu.memory_space<hbm>>
    tpu.enqueue_indirect_dma source(%dma_start3A_8 : memref<10000x160xf32, #tpu.memory_space<hbm>>) target(%arg12 : memref<80x160xf32, #tpu.memory_space<vmem>>) offsets(%arg8 : memref<80xi32, #tpu.memory_space<vmem>>) semaphore(%arg14 : memref<!tpu.dma_semaphore, #tpu.memory_space<semaphore_mem>>)
    %mul3A_9 = arith.constant 625 : i32
    %mul3A_10 = arith.muli %arg1, %mul3A_9 : i32
    "tpu.region"() ({
      %run_scoped3A = tpu.sem_alloc : memref<!tpu.dma_semaphore, #tpu.memory_space<semaphore_mem>>
      %dma_start3A_32 = arith.constant 0 : i32
      %dma_start3A_33 = tpu.memref_slice %arg7[%mul3A_10, %dma_start3A_32] : memref<10000x160xf32, #tpu.memory_space<vmem_shared>> -> memref<625x160xf32, #tpu.memory_space<vmem_shared>>
      tpu.enqueue_dma source(%arg5 : memref<625x160xf32, #tpu.memory_space<hbm>>) target(%dma_start3A_33 : memref<625x160xf32, #tpu.memory_space<vmem_shared>>) target_semaphore(%run_scoped3A : memref<!tpu.dma_semaphore, #tpu.memory_space<semaphore_mem>>)
      %dma_wait3A_34 = arith.constant 0 : i32
      %dma_wait3A_35 = tpu.memref_slice %arg7[%mul3A_10, %dma_wait3A_34] : memref<10000x160xf32, #tpu.memory_space<vmem_shared>> -> memref<625x160xf32, #tpu.memory_space<vmem_shared>>
      tpu.wait_dma2 semaphore(%run_scoped3A : memref<!tpu.dma_semaphore, #tpu.memory_space<semaphore_mem>>) src(%arg5 : memref<625x160xf32, #tpu.memory_space<hbm>>) dst(%dma_wait3A_35 : memref<625x160xf32, #tpu.memory_space<vmem_shared>>)
      tpu.yield
    }) : () -> ()
    %barrier3A = arith.constant 0 : index
    tpu.barrier barrier_id(%barrier3A)
    %scan3A = arith.constant 0 : i32
    %scan3A_11 = arith.constant 0 : i32
    %scan3A_12 = arith.constant 62 : i32
    %scan3A_13 = arith.addi %scan3A_11, %scan3A_12 : i32
    %scan3A_14 = arith.constant 1 : i32
    scf.for %scan3A_32 = %scan3A_11 to %scan3A_13 step %scan3A_14  : i32 {
      %gt3A = arith.constant 0 : i32
      %gt3A_33 = arith.cmpi sgt, %scan3A_32, %gt3A : i32
      %convert_element_type3A = arith.extui %gt3A_33 : i1 to i32
      %cond3A = arith.constant 0 : i32
      %cond3A_34 = arith.cmpi ne, %convert_element_type3A, %cond3A : i32
      scf.if %cond3A_34 {
        %dma_wait3A_76 = arith.constant 0 : i32
        %dma_wait3A_77 = arith.constant 0 : i32
        %dma_wait3A_78 = tpu.memref_slice %arg7[%dma_wait3A_76, %dma_wait3A_77] : memref<10000x160xf32, #tpu.memory_space<vmem_shared>> -> memref<10000x160xf32, #tpu.memory_space<vmem_shared>>
        tpu.wait_indirect_dma semaphore(%arg17 : memref<!tpu.dma_semaphore, #tpu.memory_space<semaphore_mem>>) src(%arg13 : memref<80x160xf32, #tpu.memory_space<vmem>>) dst(%dma_wait3A_78 : memref<10000x160xf32, #tpu.memory_space<vmem_shared>>)
      } else {
      }
      %mul3A_35 = arith.constant 2 : i32
      %mul3A_36 = arith.muli %mul3A_35, %scan3A_32 : i32
      %add3A_37 = arith.constant 1 : i32
      %add3A_38 = arith.addi %mul3A_36, %add3A_37 : i32
      %mul3A_39 = arith.constant 80 : i32
      %mul3A_40 = arith.muli %add3A_38, %mul3A_39 : i32
      %add3A_41 = arith.addi %mul3A_2, %mul3A_40 : i32
      "tpu.region"() ({
        %run_scoped3A = tpu.sem_alloc : memref<!tpu.dma_semaphore, #tpu.memory_space<semaphore_mem>>
        %dma_start3A_76 = tpu.memref_slice %arg3[%add3A_41] : memref<320000xi32, #tpu.memory_space<hbm>> -> memref<80xi32, #tpu.memory_space<hbm>>
        %dma_start3A_77 = tpu.memref_slice %arg3[%add3A_41] : memref<320000xi32, #tpu.memory_space<hbm>> -> memref<80xi32, #tpu.memory_space<hbm>>
        tpu.enqueue_dma source(%dma_start3A_77 : memref<80xi32, #tpu.memory_space<hbm>>) target(%arg9 : memref<80xi32, #tpu.memory_space<vmem>>) target_semaphore(%run_scoped3A : memref<!tpu.dma_semaphore, #tpu.memory_space<semaphore_mem>>)
        %dma_wait3A_78 = tpu.memref_slice %arg3[%add3A_41] : memref<320000xi32, #tpu.memory_space<hbm>> -> memref<80xi32, #tpu.memory_space<hbm>>
        %dma_wait3A_79 = tpu.memref_slice %arg3[%add3A_41] : memref<320000xi32, #tpu.memory_space<hbm>> -> memref<80xi32, #tpu.memory_space<hbm>>
        tpu.wait_dma2 semaphore(%run_scoped3A : memref<!tpu.dma_semaphore, #tpu.memory_space<semaphore_mem>>) src(%dma_wait3A_79 : memref<80xi32, #tpu.memory_space<hbm>>) dst(%arg9 : memref<80xi32, #tpu.memory_space<vmem>>)
        tpu.yield
      }) : () -> ()
      %mul3A_42 = arith.constant 80 : i32
      %mul3A_43 = arith.muli %add3A_38, %mul3A_42 : i32
      %add3A_44 = arith.addi %mul3A_2, %mul3A_43 : i32
      "tpu.region"() ({
        %run_scoped3A = tpu.sem_alloc : memref<!tpu.dma_semaphore, #tpu.memory_space<semaphore_mem>>
        %dma_start3A_76 = tpu.memref_slice %arg4[%add3A_44] : memref<320000xi32, #tpu.memory_space<hbm>> -> memref<80xi32, #tpu.memory_space<hbm>>
        %dma_start3A_77 = tpu.memref_slice %arg4[%add3A_44] : memref<320000xi32, #tpu.memory_space<hbm>> -> memref<80xi32, #tpu.memory_space<hbm>>
        tpu.enqueue_dma source(%dma_start3A_77 : memref<80xi32, #tpu.memory_space<hbm>>) target(%arg11 : memref<80xi32, #tpu.memory_space<vmem>>) target_semaphore(%run_scoped3A : memref<!tpu.dma_semaphore, #tpu.memory_space<semaphore_mem>>)
        %dma_wait3A_78 = tpu.memref_slice %arg4[%add3A_44] : memref<320000xi32, #tpu.memory_space<hbm>> -> memref<80xi32, #tpu.memory_space<hbm>>
        %dma_wait3A_79 = tpu.memref_slice %arg4[%add3A_44] : memref<320000xi32, #tpu.memory_space<hbm>> -> memref<80xi32, #tpu.memory_space<hbm>>
        tpu.wait_dma2 semaphore(%run_scoped3A : memref<!tpu.dma_semaphore, #tpu.memory_space<semaphore_mem>>) src(%dma_wait3A_79 : memref<80xi32, #tpu.memory_space<hbm>>) dst(%arg11 : memref<80xi32, #tpu.memory_space<vmem>>)
        tpu.yield
      }) : () -> ()
      %dma_start3A_45 = arith.constant 0 : i32
      %dma_start3A_46 = arith.constant 0 : i32
      %dma_start3A_47 = tpu.memref_slice %arg2[%dma_start3A_45, %dma_start3A_46] : memref<10000x160xf32, #tpu.memory_space<hbm>> -> memref<10000x160xf32, #tpu.memory_space<hbm>>
      tpu.enqueue_indirect_dma source(%dma_start3A_47 : memref<10000x160xf32, #tpu.memory_space<hbm>>) target(%arg13 : memref<80x160xf32, #tpu.memory_space<vmem>>) offsets(%arg9 : memref<80xi32, #tpu.memory_space<vmem>>) semaphore(%arg15 : memref<!tpu.dma_semaphore, #tpu.memory_space<semaphore_mem>>)
      %dma_wait3A_48 = arith.constant 0 : i32
      %dma_wait3A_49 = arith.constant 0 : i32
      %dma_wait3A_50 = tpu.memref_slice %arg2[%dma_wait3A_48, %dma_wait3A_49] : memref<10000x160xf32, #tpu.memory_space<hbm>> -> memref<10000x160xf32, #tpu.memory_space<hbm>>
      tpu.wait_indirect_dma semaphore(%arg14 : memref<!tpu.dma_semaphore, #tpu.memory_space<semaphore_mem>>) src(%dma_wait3A_50 : memref<10000x160xf32, #tpu.memory_space<hbm>>) dst(%arg12 : memref<80x160xf32, #tpu.memory_space<vmem>>)
      %dma_start3A_51 = arith.constant 0 : i32
      %dma_start3A_52 = arith.constant 0 : i32
      %dma_start3A_53 = tpu.memref_slice %arg7[%dma_start3A_51, %dma_start3A_52] : memref<10000x160xf32, #tpu.memory_space<vmem_shared>> -> memref<10000x160xf32, #tpu.memory_space<vmem_shared>>
      tpu.enqueue_indirect_dma source(%arg12 : memref<80x160xf32, #tpu.memory_space<vmem>>) target(%dma_start3A_53 : memref<10000x160xf32, #tpu.memory_space<vmem_shared>>) offsets(%arg10 : memref<80xi32, #tpu.memory_space<vmem>>) semaphore(%arg16 : memref<!tpu.dma_semaphore, #tpu.memory_space<semaphore_mem>>) {add = true}
      %dma_wait3A_54 = arith.constant 0 : i32
      %dma_wait3A_55 = arith.constant 0 : i32
      %dma_wait3A_56 = tpu.memref_slice %arg7[%dma_wait3A_54, %dma_wait3A_55] : memref<10000x160xf32, #tpu.memory_space<vmem_shared>> -> memref<10000x160xf32, #tpu.memory_space<vmem_shared>>
      tpu.wait_indirect_dma semaphore(%arg16 : memref<!tpu.dma_semaphore, #tpu.memory_space<semaphore_mem>>) src(%arg12 : memref<80x160xf32, #tpu.memory_space<vmem>>) dst(%dma_wait3A_56 : memref<10000x160xf32, #tpu.memory_space<vmem_shared>>)
      %mul3A_57 = arith.constant 2 : i32
      %mul3A_58 = arith.muli %mul3A_57, %scan3A_32 : i32
      %add3A_59 = arith.constant 2 : i32
      %add3A_60 = arith.addi %mul3A_58, %add3A_59 : i32
      %mul3A_61 = arith.constant 80 : i32
      %mul3A_62 = arith.muli %add3A_60, %mul3A_61 : i32
      %add3A_63 = arith.addi %mul3A_2, %mul3A_62 : i32
      "tpu.region"() ({
        %run_scoped3A = tpu.sem_alloc : memref<!tpu.dma_semaphore, #tpu.memory_space<semaphore_mem>>
        %dma_start3A_76 = tpu.memref_slice %arg3[%add3A_63] : memref<320000xi32, #tpu.memory_space<hbm>> -> memref<80xi32, #tpu.memory_space<hbm>>
        %dma_start3A_77 = tpu.memref_slice %arg3[%add3A_63] : memref<320000xi32, #tpu.memory_space<hbm>> -> memref<80xi32, #tpu.memory_space<hbm>>
        tpu.enqueue_dma source(%dma_start3A_77 : memref<80xi32, #tpu.memory_space<hbm>>) target(%arg8 : memref<80xi32, #tpu.memory_space<vmem>>) target_semaphore(%run_scoped3A : memref<!tpu.dma_semaphore, #tpu.memory_space<semaphore_mem>>)
        %dma_wait3A_78 = tpu.memref_slice %arg3[%add3A_63] : memref<320000xi32, #tpu.memory_space<hbm>> -> memref<80xi32, #tpu.memory_space<hbm>>
        %dma_wait3A_79 = tpu.memref_slice %arg3[%add3A_63] : memref<320000xi32, #tpu.memory_space<hbm>> -> memref<80xi32, #tpu.memory_space<hbm>>
        tpu.wait_dma2 semaphore(%run_scoped3A : memref<!tpu.dma_semaphore, #tpu.memory_space<semaphore_mem>>) src(%dma_wait3A_79 : memref<80xi32, #tpu.memory_space<hbm>>) dst(%arg8 : memref<80xi32, #tpu.memory_space<vmem>>)
        tpu.yield
      }) : () -> ()
      %mul3A_64 = arith.constant 80 : i32
      %mul3A_65 = arith.muli %add3A_60, %mul3A_64 : i32
      %add3A_66 = arith.addi %mul3A_2, %mul3A_65 : i32
      "tpu.region"() ({
        %run_scoped3A = tpu.sem_alloc : memref<!tpu.dma_semaphore, #tpu.memory_space<semaphore_mem>>
        %dma_start3A_76 = tpu.memref_slice %arg4[%add3A_66] : memref<320000xi32, #tpu.memory_space<hbm>> -> memref<80xi32, #tpu.memory_space<hbm>>
        %dma_start3A_77 = tpu.memref_slice %arg4[%add3A_66] : memref<320000xi32, #tpu.memory_space<hbm>> -> memref<80xi32, #tpu.memory_space<hbm>>
        tpu.enqueue_dma source(%dma_start3A_77 : memref<80xi32, #tpu.memory_space<hbm>>) target(%arg10 : memref<80xi32, #tpu.memory_space<vmem>>) target_semaphore(%run_scoped3A : memref<!tpu.dma_semaphore, #tpu.memory_space<semaphore_mem>>)
        %dma_wait3A_78 = tpu.memref_slice %arg4[%add3A_66] : memref<320000xi32, #tpu.memory_space<hbm>> -> memref<80xi32, #tpu.memory_space<hbm>>
        %dma_wait3A_79 = tpu.memref_slice %arg4[%add3A_66] : memref<320000xi32, #tpu.memory_space<hbm>> -> memref<80xi32, #tpu.memory_space<hbm>>
        tpu.wait_dma2 semaphore(%run_scoped3A : memref<!tpu.dma_semaphore, #tpu.memory_space<semaphore_mem>>) src(%dma_wait3A_79 : memref<80xi32, #tpu.memory_space<hbm>>) dst(%arg10 : memref<80xi32, #tpu.memory_space<vmem>>)
        tpu.yield
      }) : () -> ()
      %dma_start3A_67 = arith.constant 0 : i32
      %dma_start3A_68 = arith.constant 0 : i32
      %dma_start3A_69 = tpu.memref_slice %arg2[%dma_start3A_67, %dma_start3A_68] : memref<10000x160xf32, #tpu.memory_space<hbm>> -> memref<10000x160xf32, #tpu.memory_space<hbm>>
      tpu.enqueue_indirect_dma source(%dma_start3A_69 : memref<10000x160xf32, #tpu.memory_space<hbm>>) target(%arg12 : memref<80x160xf32, #tpu.memory_space<vmem>>) offsets(%arg8 : memref<80xi32, #tpu.memory_space<vmem>>) semaphore(%arg14 : memref<!tpu.dma_semaphore, #tpu.memory_space<semaphore_mem>>)
      %dma_wait3A_70 = arith.constant 0 : i32
      %dma_wait3A_71 = arith.constant 0 : i32
      %dma_wait3A_72 = tpu.memref_slice %arg2[%dma_wait3A_70, %dma_wait3A_71] : memref<10000x160xf32, #tpu.memory_space<hbm>> -> memref<10000x160xf32, #tpu.memory_space<hbm>>
      tpu.wait_indirect_dma semaphore(%arg15 : memref<!tpu.dma_semaphore, #tpu.memory_space<semaphore_mem>>) src(%dma_wait3A_72 : memref<10000x160xf32, #tpu.memory_space<hbm>>) dst(%arg13 : memref<80x160xf32, #tpu.memory_space<vmem>>)
      %dma_start3A_73 = arith.constant 0 : i32
      %dma_start3A_74 = arith.constant 0 : i32
      %dma_start3A_75 = tpu.memref_slice %arg7[%dma_start3A_73, %dma_start3A_74] : memref<10000x160xf32, #tpu.memory_space<vmem_shared>> -> memref<10000x160xf32, #tpu.memory_space<vmem_shared>>
      tpu.enqueue_indirect_dma source(%arg13 : memref<80x160xf32, #tpu.memory_space<vmem>>) target(%dma_start3A_75 : memref<10000x160xf32, #tpu.memory_space<vmem_shared>>) offsets(%arg11 : memref<80xi32, #tpu.memory_space<vmem>>) semaphore(%arg17 : memref<!tpu.dma_semaphore, #tpu.memory_space<semaphore_mem>>) {add = true}
    }
    %scan3A_15 = arith.constant 62 : i32
    %dma_wait3A = arith.constant 0 : i32
    %dma_wait3A_16 = arith.constant 0 : i32
    %dma_wait3A_17 = tpu.memref_slice %arg7[%dma_wait3A, %dma_wait3A_16] : memref<10000x160xf32, #tpu.memory_space<vmem_shared>> -> memref<10000x160xf32, #tpu.memory_space<vmem_shared>>
    tpu.wait_indirect_dma semaphore(%arg17 : memref<!tpu.dma_semaphore, #tpu.memory_space<semaphore_mem>>) src(%arg13 : memref<80x160xf32, #tpu.memory_space<vmem>>) dst(%dma_wait3A_17 : memref<10000x160xf32, #tpu.memory_space<vmem_shared>>)
    %dma_wait3A_18 = arith.constant 0 : i32
    %dma_wait3A_19 = arith.constant 0 : i32
    %dma_wait3A_20 = tpu.memref_slice %arg2[%dma_wait3A_18, %dma_wait3A_19] : memref<10000x160xf32, #tpu.memory_space<hbm>> -> memref<10000x160xf32, #tpu.memory_space<hbm>>
    tpu.wait_indirect_dma semaphore(%arg14 : memref<!tpu.dma_semaphore, #tpu.memory_space<semaphore_mem>>) src(%dma_wait3A_20 : memref<10000x160xf32, #tpu.memory_space<hbm>>) dst(%arg12 : memref<80x160xf32, #tpu.memory_space<vmem>>)
    %dma_start3A_21 = arith.constant 0 : i32
    %dma_start3A_22 = arith.constant 0 : i32
    %dma_start3A_23 = tpu.memref_slice %arg7[%dma_start3A_21, %dma_start3A_22] : memref<10000x160xf32, #tpu.memory_space<vmem_shared>> -> memref<10000x160xf32, #tpu.memory_space<vmem_shared>>
    tpu.enqueue_indirect_dma source(%arg12 : memref<80x160xf32, #tpu.memory_space<vmem>>) target(%dma_start3A_23 : memref<10000x160xf32, #tpu.memory_space<vmem_shared>>) offsets(%arg10 : memref<80xi32, #tpu.memory_space<vmem>>) semaphore(%arg16 : memref<!tpu.dma_semaphore, #tpu.memory_space<semaphore_mem>>) {add = true}
    %dma_wait3A_24 = arith.constant 0 : i32
    %dma_wait3A_25 = arith.constant 0 : i32
    %dma_wait3A_26 = tpu.memref_slice %arg7[%dma_wait3A_24, %dma_wait3A_25] : memref<10000x160xf32, #tpu.memory_space<vmem_shared>> -> memref<10000x160xf32, #tpu.memory_space<vmem_shared>>
    tpu.wait_indirect_dma semaphore(%arg16 : memref<!tpu.dma_semaphore, #tpu.memory_space<semaphore_mem>>) src(%arg12 : memref<80x160xf32, #tpu.memory_space<vmem>>) dst(%dma_wait3A_26 : memref<10000x160xf32, #tpu.memory_space<vmem_shared>>)
    %barrier3A_27 = arith.constant 0 : index
    tpu.barrier barrier_id(%barrier3A_27)
    %mul3A_28 = arith.constant 625 : i32
    %mul3A_29 = arith.muli %arg1, %mul3A_28 : i32
    %mul3A_30 = arith.constant 625 : i32
    %mul3A_31 = arith.muli %arg1, %mul3A_30 : i32
    "tpu.region"() ({
      %run_scoped3A = tpu.sem_alloc : memref<!tpu.dma_semaphore, #tpu.memory_space<semaphore_mem>>
      %dma_start3A_32 = arith.constant 0 : i32
      %dma_start3A_33 = tpu.memref_slice %arg6[%arg0, %mul3A_31, %dma_start3A_32] : memref<2x10000x160xf32, #tpu.memory_space<hbm>> -> memref<1x625x160xf32, #tpu.memory_space<hbm>>
      %dma_start3A_34 = tpu.memref_squeeze %dma_start3A_33 : memref<1x625x160xf32, #tpu.memory_space<hbm>> -> memref<625x160xf32, #tpu.memory_space<hbm>>
      %dma_start3A_35 = arith.constant 0 : i32
      %dma_start3A_36 = tpu.memref_slice %arg7[%mul3A_29, %dma_start3A_35] : memref<10000x160xf32, #tpu.memory_space<vmem_shared>> -> memref<625x160xf32, #tpu.memory_space<vmem_shared>>
      tpu.enqueue_dma source(%dma_start3A_36 : memref<625x160xf32, #tpu.memory_space<vmem_shared>>) target(%dma_start3A_34 : memref<625x160xf32, #tpu.memory_space<hbm>>) target_semaphore(%run_scoped3A : memref<!tpu.dma_semaphore, #tpu.memory_space<semaphore_mem>>)
      %dma_wait3A_37 = arith.constant 0 : i32
      %dma_wait3A_38 = tpu.memref_slice %arg6[%arg0, %mul3A_31, %dma_wait3A_37] : memref<2x10000x160xf32, #tpu.memory_space<hbm>> -> memref<1x625x160xf32, #tpu.memory_space<hbm>>
      %dma_wait3A_39 = tpu.memref_squeeze %dma_wait3A_38 : memref<1x625x160xf32, #tpu.memory_space<hbm>> -> memref<625x160xf32, #tpu.memory_space<hbm>>
      %dma_wait3A_40 = arith.constant 0 : i32
      %dma_wait3A_41 = tpu.memref_slice %arg7[%mul3A_29, %dma_wait3A_40] : memref<10000x160xf32, #tpu.memory_space<vmem_shared>> -> memref<625x160xf32, #tpu.memory_space<vmem_shared>>
      tpu.wait_dma2 semaphore(%run_scoped3A : memref<!tpu.dma_semaphore, #tpu.memory_space<semaphore_mem>>) src(%dma_wait3A_41 : memref<625x160xf32, #tpu.memory_space<vmem_shared>>) dst(%dma_wait3A_39 : memref<625x160xf32, #tpu.memory_space<hbm>>)
      tpu.yield
    }) : () -> ()
    return
  }
}

module attributes {stable_mosaic.version = 14 : i64} {
  func.func @body(%arg0: i32, %arg1: memref<2x1024xf32, #tpu.memory_space<vmem>>, %arg2: memref<1024x2xf32, #tpu.memory_space<vmem>>) attributes {dimension_semantics = [#tpu.dimension_semantics<arbitrary>], iteration_bounds = array<i64: 10>, scalar_prefetch = 0 : i64, scratch_operands = 0 : i64, tpu.core_type = #tpu.core_type<tc>, window_params = [{transform_indices = @transform_0, window_bounds = array<i64: 2, 1024>}, {transform_indices = @transform_1, window_bounds = array<i64: 1024, 2>}]} {
    %get3A = arith.constant 0 : index
    %get3A_0 = arith.constant 0 : index
    %get3A_1 = vector.load %arg1[%get3A, %get3A_0] : memref<2x1024xf32, #tpu.memory_space<vmem>>, vector<2x1024xf32>
    %jit3A = arith.constant 1.000000e+00 : f32
    %max3A = vector.broadcast %jit3A : f32 to vector<2x1024xf32>
    %max3A_2 = arith.maximumf %max3A, %get3A_1 : vector<2x1024xf32>
    %rsqrt3A = math.rsqrt %max3A_2 : vector<2x1024xf32>
    %iota3A = tpu.iota {dimensions = array<i32: 0>} : vector<256x256xi32>
    %iota3A_3 = tpu.iota {dimensions = array<i32: 1>} : vector<256x256xi32>
    %eq3A = arith.cmpi eq, %iota3A, %iota3A_3 : vector<256x256xi32>
    %convert_element_type3A = arith.extui %eq3A : vector<256x256xi1> to vector<256x256xi32>
    %convert_element_type3A_4 = arith.sitofp %convert_element_type3A : vector<256x256xi32> to vector<256x256xf32>
    %slice3A = vector.extract_strided_slice %rsqrt3A {offsets = [0, 0], sizes = [2, 256], strides = [1, 1]} : vector<2x1024xf32> to vector<2x256xf32>
    %dot_general3A = arith.constant dense<0.000000e+00> : vector<256x2xf32>
    %dot_general3A_5 = tpu.matmul %convert_element_type3A_4, %slice3A, %dot_general3A {dimension_numbers = #tpu.dot_dimension_numbers<[1], [1], [0], [0], [0, 0, 1, 0], [], []>, transpose_lhs_hint = false} : vector<256x256xf32>, vector<2x256xf32>, vector<256x2xf32> -> vector<256x2xf32>
    %swap3A = arith.constant 0 : index
    %swap3A_6 = arith.constant 0 : index
    %swap3A_7 = vector.load %arg2[%swap3A, %swap3A_6] : memref<1024x2xf32, #tpu.memory_space<vmem>>, vector<256x2xf32>
    tpu.vector_store %arg2[%swap3A, %swap3A_6], %dot_general3A_5 {strides = array<i32>} : memref<1024x2xf32, #tpu.memory_space<vmem>>, vector<256x2xf32>,
    %slice3A_8 = vector.extract_strided_slice %rsqrt3A {offsets = [0, 256], sizes = [2, 256], strides = [1, 1]} : vector<2x1024xf32> to vector<2x256xf32>
    %dot_general3A_9 = arith.constant dense<0.000000e+00> : vector<256x2xf32>
    %dot_general3A_10 = tpu.matmul %convert_element_type3A_4, %slice3A_8, %dot_general3A_9 {dimension_numbers = #tpu.dot_dimension_numbers<[1], [1], [0], [0], [0, 0, 1, 0], [], []>, transpose_lhs_hint = false} : vector<256x256xf32>, vector<2x256xf32>, vector<256x2xf32> -> vector<256x2xf32>
    %swap3A_11 = arith.constant 256 : index
    %swap3A_12 = arith.constant 0 : index
    %swap3A_13 = vector.load %arg2[%swap3A_11, %swap3A_12] : memref<1024x2xf32, #tpu.memory_space<vmem>>, vector<256x2xf32>
    tpu.vector_store %arg2[%swap3A_11, %swap3A_12], %dot_general3A_10 {strides = array<i32>} : memref<1024x2xf32, #tpu.memory_space<vmem>>, vector<256x2xf32>,
    %slice3A_14 = vector.extract_strided_slice %rsqrt3A {offsets = [0, 512], sizes = [2, 256], strides = [1, 1]} : vector<2x1024xf32> to vector<2x256xf32>
    %dot_general3A_15 = arith.constant dense<0.000000e+00> : vector<256x2xf32>
    %dot_general3A_16 = tpu.matmul %convert_element_type3A_4, %slice3A_14, %dot_general3A_15 {dimension_numbers = #tpu.dot_dimension_numbers<[1], [1], [0], [0], [0, 0, 1, 0], [], []>, transpose_lhs_hint = false} : vector<256x256xf32>, vector<2x256xf32>, vector<256x2xf32> -> vector<256x2xf32>
    %swap3A_17 = arith.constant 512 : index
    %swap3A_18 = arith.constant 0 : index
    %swap3A_19 = vector.load %arg2[%swap3A_17, %swap3A_18] : memref<1024x2xf32, #tpu.memory_space<vmem>>, vector<256x2xf32>
    tpu.vector_store %arg2[%swap3A_17, %swap3A_18], %dot_general3A_16 {strides = array<i32>} : memref<1024x2xf32, #tpu.memory_space<vmem>>, vector<256x2xf32>,
    %slice3A_20 = vector.extract_strided_slice %rsqrt3A {offsets = [0, 768], sizes = [2, 256], strides = [1, 1]} : vector<2x1024xf32> to vector<2x256xf32>
    %dot_general3A_21 = arith.constant dense<0.000000e+00> : vector<256x2xf32>
    %dot_general3A_22 = tpu.matmul %convert_element_type3A_4, %slice3A_20, %dot_general3A_21 {dimension_numbers = #tpu.dot_dimension_numbers<[1], [1], [0], [0], [0, 0, 1, 0], [], []>, transpose_lhs_hint = false} : vector<256x256xf32>, vector<2x256xf32>, vector<256x2xf32> -> vector<256x2xf32>
    %swap3A_23 = arith.constant 768 : index
    %swap3A_24 = arith.constant 0 : index
    %swap3A_25 = vector.load %arg2[%swap3A_23, %swap3A_24] : memref<1024x2xf32, #tpu.memory_space<vmem>>, vector<256x2xf32>
    tpu.vector_store %arg2[%swap3A_23, %swap3A_24], %dot_general3A_22 {strides = array<i32>} : memref<1024x2xf32, #tpu.memory_space<vmem>>, vector<256x2xf32>,
    return
  }
  func.func @transform_0(%arg0: i32) -> (i32, i32) {
    %c0_i32 = arith.constant 0 : i32
    %c0_i32_0 = arith.constant 0 : i32
    return %c0_i32, %arg0 : i32, i32
  }
  func.func @transform_1(%arg0: i32) -> (i32, i32) {
    %c0_i32 = arith.constant 0 : i32
    %c0_i32_0 = arith.constant 0 : i32
    return %arg0, %c0_i32 : i32, i32
  }
}

module attributes {stable_mosaic.version = 14 : i64} {
  func.func @body(%arg0: memref<146x10000xf32, #tpu.memory_space<vmem>>, %arg1: memref<146x160xf32, #tpu.memory_space<vmem>>, %arg2: memref<1x160xf32, #tpu.memory_space<vmem>>, %arg3: memref<10240x2xf32, #tpu.memory_space<vmem>>, %arg4: memref<10000x160xf32, #tpu.memory_space<vmem>>, %arg5: memref<10000x160xf32, #tpu.memory_space<vmem>>) attributes {dimension_semantics = [], scalar_prefetch = 0 : i64, scratch_operands = 0 : i64, tpu.core_type = #tpu.core_type<tc>} {
    %get3A = arith.constant 0 : index
    %get3A_0 = arith.constant 0 : index
    %get3A_1 = vector.load %arg0[%get3A, %get3A_0] : memref<146x10000xf32, #tpu.memory_space<vmem>>, vector<146x10000xf32>
    %get3A_2 = arith.constant 0 : index
    %get3A_3 = arith.constant 0 : index
    %get3A_4 = vector.load %arg1[%get3A_2, %get3A_3] : memref<146x160xf32, #tpu.memory_space<vmem>>, vector<146x160xf32>
    %dot_general3A = arith.constant dense<0.000000e+00> : vector<10000x160xf32>
    %dot_general3A_5 = tpu.matmul %get3A_1, %get3A_4, %dot_general3A {dimension_numbers = #tpu.dot_dimension_numbers<[0], [0], [1], [1], [0, 1, 1, 1], [], []>, transpose_lhs_hint = false} : vector<146x10000xf32>, vector<146x160xf32>, vector<10000x160xf32> -> vector<10000x160xf32>
    %get3A_6 = arith.constant 0 : index
    %get3A_7 = arith.constant 0 : index
    %get3A_8 = vector.load %arg2[%get3A_6, %get3A_7] : memref<1x160xf32, #tpu.memory_space<vmem>>, vector<1x160xf32>
    %add3A = vector.broadcast %get3A_8 : vector<1x160xf32> to vector<10000x160xf32>
    %add3A_9 = arith.addf %dot_general3A_5, %add3A : vector<10000x160xf32>
    %swap3A = arith.constant 0 : index
    %swap3A_10 = arith.constant 0 : index
    %swap3A_11 = vector.load %arg4[%swap3A, %swap3A_10] : memref<10000x160xf32, #tpu.memory_space<vmem>>, vector<10000x160xf32>
    tpu.vector_store %arg4[%swap3A, %swap3A_10], %add3A_9 {strides = array<i32>} : memref<10000x160xf32, #tpu.memory_space<vmem>>, vector<10000x160xf32>,
    %get3A_12 = arith.constant 0 : index
    %get3A_13 = arith.constant 0 : index
    %get3A_14 = vector.load %arg3[%get3A_12, %get3A_13] : memref<10240x2xf32, #tpu.memory_space<vmem>>, vector<10000x1xf32>
    %mul3A = vector.broadcast %get3A_14 : vector<10000x1xf32> to vector<10000x160xf32>
    %mul3A_15 = arith.mulf %add3A_9, %mul3A : vector<10000x160xf32>
    %swap3A_16 = arith.constant 0 : index
    %swap3A_17 = arith.constant 0 : index
    %swap3A_18 = vector.load %arg5[%swap3A_16, %swap3A_17] : memref<10000x160xf32, #tpu.memory_space<vmem>>, vector<10000x160xf32>
    tpu.vector_store %arg5[%swap3A_16, %swap3A_17], %mul3A_15 {strides = array<i32>} : memref<10000x160xf32, #tpu.memory_space<vmem>>, vector<10000x160xf32>,
    return
  }
}

module attributes {stable_mosaic.version = 14 : i64} {
  func.func @body(%arg0: i32, %arg1: i32, %arg2: memref<2x1000x160xf32, #tpu.memory_space<vmem>>, %arg3: memref<1000x2xf32, #tpu.memory_space<vmem>>, %arg4: memref<1000x1xf32, #tpu.memory_space<vmem>>, %arg5: memref<1000x160xf32, #tpu.memory_space<vmem>>, %arg6: memref<160x160xf32, #tpu.memory_space<vmem>>, %arg7: memref<1x160xf32, #tpu.memory_space<vmem>>, %arg8: memref<1x160xf32, #tpu.memory_space<vmem>>, %arg9: memref<1x160xf32, #tpu.memory_space<vmem>>, %arg10: memref<1000x160xf32, #tpu.memory_space<vmem>>, %arg11: memref<1000x160xf32, #tpu.memory_space<vmem>>, %arg12: memref<10000x160xf32, #tpu.memory_space<vmem>>, %arg13: memref<8x160xf32, #tpu.memory_space<vmem>>) attributes {dimension_semantics = [#tpu.dimension_semantics<arbitrary>, #tpu.dimension_semantics<arbitrary>], iteration_bounds = array<i64: 2, 10>, scalar_prefetch = 0 : i64, scratch_operands = 2 : i64, tpu.core_type = #tpu.core_type<tc>, window_params = [{transform_indices = @transform_0, window_bounds = array<i64: 2, 1000, 160>}, {transform_indices = @transform_1, window_bounds = array<i64: 1000, 2>}, {transform_indices = @transform_2, window_bounds = array<i64: 1000, 1>}, {transform_indices = @transform_3, window_bounds = array<i64: 1000, 160>}, {pipeline_mode = #tpu.pipeline_mode<synchronous>, transform_indices = @transform_4, window_bounds = array<i64: 160, 160>}, {pipeline_mode = #tpu.pipeline_mode<synchronous>, transform_indices = @transform_5, window_bounds = array<i64: 1, 160>}, {pipeline_mode = #tpu.pipeline_mode<synchronous>, transform_indices = @transform_6, window_bounds = array<i64: 1, 160>}, {pipeline_mode = #tpu.pipeline_mode<synchronous>, transform_indices = @transform_7, window_bounds = array<i64: 1, 160>}, {transform_indices = @transform_8, window_bounds = array<i64: 1000, 160>}, {transform_indices = @transform_9, window_bounds = array<i64: 1000, 160>}]} {
    %eq3A = arith.constant 0 : i32
    %eq3A_0 = arith.cmpi eq, %arg0, %eq3A : i32
    %convert_element_type3A = arith.extui %eq3A_0 : i1 to i32
    %cond3A = arith.constant 0 : i32
    %cond3A_1 = arith.cmpi ne, %convert_element_type3A, %cond3A : i32
    scf.if %cond3A_1 {
      %eq3A_7 = arith.constant 0 : i32
      %eq3A_8 = arith.cmpi eq, %arg1, %eq3A_7 : i32
      %convert_element_type3A_9 = arith.extui %eq3A_8 : i1 to i32
      %cond3A_10 = arith.constant 0 : i32
      %cond3A_11 = arith.cmpi ne, %convert_element_type3A_9, %cond3A_10 : i32
      scf.if %cond3A_11 {
        %broadcast_in_dim3A_62 = arith.constant 0.000000e+00 : f32
        %broadcast_in_dim3A_63 = vector.broadcast %broadcast_in_dim3A_62 : f32 to vector<8x160xf32>
        %swap3A_64 = arith.constant 0 : index
        %swap3A_65 = arith.constant 0 : index
        %swap3A_66 = vector.load %arg13[%swap3A_64, %swap3A_65] : memref<8x160xf32, #tpu.memory_space<vmem>>, vector<8x160xf32>
        tpu.vector_store %arg13[%swap3A_64, %swap3A_65], %broadcast_in_dim3A_63 {strides = array<i32>} : memref<8x160xf32, #tpu.memory_space<vmem>>, vector<8x160xf32>,
      } else {
      }
      %get3A = arith.constant 0 : index
      %get3A_12 = arith.constant 0 : index
      %get3A_13 = arith.constant 0 : index
      %get3A_14 = vector.load %arg2[%get3A, %get3A_12, %get3A_13] : memref<2x1000x160xf32, #tpu.memory_space<vmem>>, vector<1x1000x160xf32>
      %get3A_15 = vector.shape_cast %get3A_14 : vector<1x1000x160xf32> to vector<1000x160xf32>
      %get3A_16 = arith.constant 1 : index
      %get3A_17 = arith.constant 0 : index
      %get3A_18 = arith.constant 0 : index
      %get3A_19 = vector.load %arg2[%get3A_16, %get3A_17, %get3A_18] : memref<2x1000x160xf32, #tpu.memory_space<vmem>>, vector<1x1000x160xf32>
      %get3A_20 = vector.shape_cast %get3A_19 : vector<1x1000x160xf32> to vector<1000x160xf32>
      %add3A = arith.addf %get3A_15, %get3A_20 : vector<1000x160xf32>
      %get3A_21 = arith.constant 0 : index
      %get3A_22 = arith.constant 1 : index
      %get3A_23 = vector.load %arg3[%get3A_21, %get3A_22] : memref<1000x2xf32, #tpu.memory_space<vmem>>, vector<1000x1xf32>
      %mul3A = vector.broadcast %get3A_23 : vector<1000x1xf32> to vector<1000x160xf32>
      %mul3A_24 = arith.mulf %add3A, %mul3A : vector<1000x160xf32>
      %get3A_25 = arith.constant 0 : index
      %get3A_26 = arith.constant 0 : index
      %get3A_27 = vector.load %arg6[%get3A_25, %get3A_26] : memref<160x160xf32, #tpu.memory_space<vmem>>, vector<160x160xf32>
      %dot_general3A = arith.constant dense<0.000000e+00> : vector<1000x160xf32>
      %dot_general3A_28 = tpu.matmul %mul3A_24, %get3A_27, %dot_general3A {dimension_numbers = #tpu.dot_dimension_numbers<[1], [0], [0], [1], [0, 0, 1, 1], [], []>, transpose_lhs_hint = false} : vector<1000x160xf32>, vector<160x160xf32>, vector<1000x160xf32> -> vector<1000x160xf32>
      %get3A_29 = arith.constant 0 : index
      %get3A_30 = arith.constant 0 : index
      %get3A_31 = vector.load %arg7[%get3A_29, %get3A_30] : memref<1x160xf32, #tpu.memory_space<vmem>>, vector<1x160xf32>
      %add3A_32 = vector.broadcast %get3A_31 : vector<1x160xf32> to vector<1000x160xf32>
      %add3A_33 = arith.addf %dot_general3A_28, %add3A_32 : vector<1000x160xf32>
      %get3A_34 = arith.constant 0 : index
      %get3A_35 = arith.constant 0 : index
      %get3A_36 = vector.load %arg4[%get3A_34, %get3A_35] : memref<1000x1xf32, #tpu.memory_space<vmem>>, vector<1000x1xf32>
      %mul3A_37 = vector.broadcast %get3A_36 : vector<1000x1xf32> to vector<1000x160xf32>
      %mul3A_38 = arith.mulf %add3A_33, %mul3A_37 : vector<1000x160xf32>
      %mul3A_39 = arith.constant 1000 : i32
      %mul3A_40 = arith.muli %arg1, %mul3A_39 : i32
      %swap3A = arith.index_cast %mul3A_40 : i32 to index
      %swap3A_41 = arith.constant 0 : index
      %swap3A_42 = vector.load %arg12[%swap3A, %swap3A_41] : memref<10000x160xf32, #tpu.memory_space<vmem>>, vector<1000x160xf32>
      tpu.vector_store %arg12[%swap3A, %swap3A_41], %mul3A_38 {strides = array<i32>} : memref<10000x160xf32, #tpu.memory_space<vmem>>, vector<1000x160xf32>,
      %get3A_43 = arith.constant 0 : index
      %get3A_44 = arith.constant 0 : index
      %get3A_45 = vector.load %arg13[%get3A_43, %get3A_44] : memref<8x160xf32, #tpu.memory_space<vmem>>, vector<1x160xf32>
      %reduce_sum3A = arith.constant dense<0.000000e+00> : vector<160xf32>
      %reduce_sum3A_46 = vector.multi_reduction <add>, %mul3A_38, %reduce_sum3A [0] : vector<1000x160xf32> to vector<160xf32>
      %broadcast_in_dim3A = vector.shape_cast %reduce_sum3A_46 : vector<160xf32> to vector<1x160xf32>
      %add3A_47 = arith.addf %get3A_45, %broadcast_in_dim3A : vector<1x160xf32>
      %swap3A_48 = arith.constant 0 : index
      %swap3A_49 = arith.constant 0 : index
      %swap3A_50 = vector.load %arg13[%swap3A_48, %swap3A_49] : memref<8x160xf32, #tpu.memory_space<vmem>>, vector<1x160xf32>
      tpu.vector_store %arg13[%swap3A_48, %swap3A_49], %add3A_47 {strides = array<i32>} : memref<8x160xf32, #tpu.memory_space<vmem>>, vector<1x160xf32>,
      %get3A_51 = arith.constant 1 : index
      %get3A_52 = arith.constant 0 : index
      %get3A_53 = vector.load %arg13[%get3A_51, %get3A_52] : memref<8x160xf32, #tpu.memory_space<vmem>>, vector<1x160xf32>
      %mul3A_54 = arith.mulf %mul3A_38, %mul3A_38 : vector<1000x160xf32>
      %reduce_sum3A_55 = arith.constant dense<0.000000e+00> : vector<160xf32>
      %reduce_sum3A_56 = vector.multi_reduction <add>, %mul3A_54, %reduce_sum3A_55 [0] : vector<1000x160xf32> to vector<160xf32>
      %broadcast_in_dim3A_57 = vector.shape_cast %reduce_sum3A_56 : vector<160xf32> to vector<1x160xf32>
      %add3A_58 = arith.addf %get3A_53, %broadcast_in_dim3A_57 : vector<1x160xf32>
      %swap3A_59 = arith.constant 1 : index
      %swap3A_60 = arith.constant 0 : index
      %swap3A_61 = vector.load %arg13[%swap3A_59, %swap3A_60] : memref<8x160xf32, #tpu.memory_space<vmem>>, vector<1x160xf32>
      tpu.vector_store %arg13[%swap3A_59, %swap3A_60], %add3A_58 {strides = array<i32>} : memref<8x160xf32, #tpu.memory_space<vmem>>, vector<1x160xf32>,
    } else {
    }
    %eq3A_2 = arith.constant 1 : i32
    %eq3A_3 = arith.cmpi eq, %arg0, %eq3A_2 : i32
    %convert_element_type3A_4 = arith.extui %eq3A_3 : i1 to i32
    %cond3A_5 = arith.constant 0 : i32
    %cond3A_6 = arith.cmpi ne, %convert_element_type3A_4, %cond3A_5 : i32
    scf.if %cond3A_6 {
      %get3A = arith.constant 0 : index
      %get3A_7 = arith.constant 0 : index
      %get3A_8 = vector.load %arg13[%get3A, %get3A_7] : memref<8x160xf32, #tpu.memory_space<vmem>>, vector<1x160xf32>
      %mul3A = arith.constant 9.99999974E-5 : f32
      %mul3A_9 = vector.broadcast %mul3A : f32 to vector<1x160xf32>
      %mul3A_10 = arith.mulf %get3A_8, %mul3A_9 : vector<1x160xf32>
      %get3A_11 = arith.constant 1 : index
      %get3A_12 = arith.constant 0 : index
      %get3A_13 = vector.load %arg13[%get3A_11, %get3A_12] : memref<8x160xf32, #tpu.memory_space<vmem>>, vector<1x160xf32>
      %mul3A_14 = arith.constant 9.99999974E-5 : f32
      %mul3A_15 = vector.broadcast %mul3A_14 : f32 to vector<1x160xf32>
      %mul3A_16 = arith.mulf %get3A_13, %mul3A_15 : vector<1x160xf32>
      %mul3A_17 = arith.mulf %mul3A_10, %mul3A_10 : vector<1x160xf32>
      %sub3A = arith.subf %mul3A_16, %mul3A_17 : vector<1x160xf32>
      %mul3A_18 = arith.constant 1000 : i32
      %mul3A_19 = arith.muli %arg1, %mul3A_18 : i32
      %get3A_20 = arith.index_cast %mul3A_19 : i32 to index
      %get3A_21 = arith.constant 0 : index
      %get3A_22 = vector.load %arg12[%get3A_20, %get3A_21] : memref<10000x160xf32, #tpu.memory_space<vmem>>, vector<1000x160xf32>
      %sub3A_23 = vector.broadcast %mul3A_10 : vector<1x160xf32> to vector<1000x160xf32>
      %sub3A_24 = arith.subf %get3A_22, %sub3A_23 : vector<1000x160xf32>
      %add3A = arith.constant 9.99999974E-6 : f32
      %add3A_25 = vector.broadcast %add3A : f32 to vector<1x160xf32>
      %add3A_26 = arith.addf %sub3A, %add3A_25 : vector<1x160xf32>
      %rsqrt3A = math.rsqrt %add3A_26 : vector<1x160xf32>
      %mul3A_27 = vector.broadcast %rsqrt3A : vector<1x160xf32> to vector<1000x160xf32>
      %mul3A_28 = arith.mulf %sub3A_24, %mul3A_27 : vector<1000x160xf32>
      %get3A_29 = arith.constant 0 : index
      %get3A_30 = arith.constant 0 : index
      %get3A_31 = vector.load %arg8[%get3A_29, %get3A_30] : memref<1x160xf32, #tpu.memory_space<vmem>>, vector<1x160xf32>
      %mul3A_32 = vector.broadcast %get3A_31 : vector<1x160xf32> to vector<1000x160xf32>
      %mul3A_33 = arith.mulf %mul3A_28, %mul3A_32 : vector<1000x160xf32>
      %get3A_34 = arith.constant 0 : index
      %get3A_35 = arith.constant 0 : index
      %get3A_36 = vector.load %arg9[%get3A_34, %get3A_35] : memref<1x160xf32, #tpu.memory_space<vmem>>, vector<1x160xf32>
      %add3A_37 = vector.broadcast %get3A_36 : vector<1x160xf32> to vector<1000x160xf32>
      %add3A_38 = arith.addf %mul3A_33, %add3A_37 : vector<1000x160xf32>
      %get3A_39 = arith.constant 0 : index
      %get3A_40 = arith.constant 0 : index
      %get3A_41 = vector.load %arg5[%get3A_39, %get3A_40] : memref<1000x160xf32, #tpu.memory_space<vmem>>, vector<1000x160xf32>
      %max3A = arith.constant 0.000000e+00 : f32
      %max3A_42 = vector.broadcast %max3A : f32 to vector<1000x160xf32>
      %max3A_43 = arith.maximumf %add3A_38, %max3A_42 : vector<1000x160xf32>
      %add3A_44 = arith.addf %get3A_41, %max3A_43 : vector<1000x160xf32>
      %swap3A = arith.constant 0 : index
      %swap3A_45 = arith.constant 0 : index
      %swap3A_46 = vector.load %arg10[%swap3A, %swap3A_45] : memref<1000x160xf32, #tpu.memory_space<vmem>>, vector<1000x160xf32>
      tpu.vector_store %arg10[%swap3A, %swap3A_45], %add3A_44 {strides = array<i32>} : memref<1000x160xf32, #tpu.memory_space<vmem>>, vector<1000x160xf32>,
      %get3A_47 = arith.constant 0 : index
      %get3A_48 = arith.constant 0 : index
      %get3A_49 = vector.load %arg3[%get3A_47, %get3A_48] : memref<1000x2xf32, #tpu.memory_space<vmem>>, vector<1000x1xf32>
      %mul3A_50 = vector.broadcast %get3A_49 : vector<1000x1xf32> to vector<1000x160xf32>
      %mul3A_51 = arith.mulf %add3A_44, %mul3A_50 : vector<1000x160xf32>
      %swap3A_52 = arith.constant 0 : index
      %swap3A_53 = arith.constant 0 : index
      %swap3A_54 = vector.load %arg11[%swap3A_52, %swap3A_53] : memref<1000x160xf32, #tpu.memory_space<vmem>>, vector<1000x160xf32>
      tpu.vector_store %arg11[%swap3A_52, %swap3A_53], %mul3A_51 {strides = array<i32>} : memref<1000x160xf32, #tpu.memory_space<vmem>>, vector<1000x160xf32>,
    } else {
    }
    return
  }
  func.func @transform_0(%arg0: i32, %arg1: i32) -> (i32, i32, i32) {
    %sub3A = arith.constant 1 : i32
    %sub3A_0 = arith.subi %sub3A, %arg0 : i32
    %mul3A = arith.muli %arg1, %sub3A_0 : i32
    %c0_i32 = arith.constant 0 : i32
    %c0_i32_1 = arith.constant 0 : i32
    %c0_i32_2 = arith.constant 0 : i32
    return %c0_i32, %mul3A, %c0_i32_1 : i32, i32, i32
  }
  func.func @transform_1(%arg0: i32, %arg1: i32) -> (i32, i32) {
    %c0_i32 = arith.constant 0 : i32
    %c0_i32_0 = arith.constant 0 : i32
    return %arg1, %c0_i32 : i32, i32
  }
  func.func @transform_2(%arg0: i32, %arg1: i32) -> (i32, i32) {
    %sub3A = arith.constant 1 : i32
    %sub3A_0 = arith.subi %sub3A, %arg0 : i32
    %mul3A = arith.muli %arg1, %sub3A_0 : i32
    %c0_i32 = arith.constant 0 : i32
    %c0_i32_1 = arith.constant 0 : i32
    return %mul3A, %c0_i32 : i32, i32
  }
  func.func @transform_3(%arg0: i32, %arg1: i32) -> (i32, i32) {
    %mul3A = arith.muli %arg1, %arg0 : i32
    %c0_i32 = arith.constant 0 : i32
    %c0_i32_0 = arith.constant 0 : i32
    return %mul3A, %c0_i32 : i32, i32
  }
  func.func @transform_4(%arg0: i32, %arg1: i32) -> (i32, i32) {
    %c0_i32 = arith.constant 0 : i32
    %c0_i32_0 = arith.constant 0 : i32
    %c0_i32_1 = arith.constant 0 : i32
    return %c0_i32, %c0_i32_0 : i32, i32
  }
  func.func @transform_5(%arg0: i32, %arg1: i32) -> (i32, i32) {
    %c0_i32 = arith.constant 0 : i32
    %c0_i32_0 = arith.constant 0 : i32
    %c0_i32_1 = arith.constant 0 : i32
    return %c0_i32, %c0_i32_0 : i32, i32
  }
  func.func @transform_6(%arg0: i32, %arg1: i32) -> (i32, i32) {
    %c0_i32 = arith.constant 0 : i32
    %c0_i32_0 = arith.constant 0 : i32
    %c0_i32_1 = arith.constant 0 : i32
    return %c0_i32, %c0_i32_0 : i32, i32
  }
  func.func @transform_7(%arg0: i32, %arg1: i32) -> (i32, i32) {
    %c0_i32 = arith.constant 0 : i32
    %c0_i32_0 = arith.constant 0 : i32
    %c0_i32_1 = arith.constant 0 : i32
    return %c0_i32, %c0_i32_0 : i32, i32
  }
  func.func @transform_8(%arg0: i32, %arg1: i32) -> (i32, i32) {
    %mul3A = arith.muli %arg1, %arg0 : i32
    %c0_i32 = arith.constant 0 : i32
    %c0_i32_0 = arith.constant 0 : i32
    return %mul3A, %c0_i32 : i32, i32
  }
  func.func @transform_9(%arg0: i32, %arg1: i32) -> (i32, i32) {
    %mul3A = arith.muli %arg1, %arg0 : i32
    %c0_i32 = arith.constant 0 : i32
    %c0_i32_0 = arith.constant 0 : i32
    return %mul3A, %c0_i32 : i32, i32
  }
}

module attributes {stable_mosaic.version = 14 : i64} {
  func.func @body(%arg0: i32, %arg1: memref<1000x160xf32, #tpu.memory_space<vmem>>, %arg2: memref<1000x1xi32, #tpu.memory_space<vmem>>, %arg3: memref<160x80xf32, #tpu.memory_space<vmem>>, %arg4: memref<1x80xf32, #tpu.memory_space<vmem>>, %arg5: memref<80x48xf32, #tpu.memory_space<vmem>>, %arg6: memref<1x48xf32, #tpu.memory_space<vmem>>, %arg7: memref<48x128xf32, #tpu.memory_space<vmem>>, %arg8: memref<1x128xf32, #tpu.memory_space<vmem>>, %arg9: memref<128x128xf32, #tpu.memory_space<vmem>>, %arg10: memref<128x160xf32, #tpu.memory_space<vmem>>, %arg11: memref<128x8xf32, #tpu.memory_space<vmem>>) attributes {dimension_semantics = [#tpu.dimension_semantics<arbitrary>], iteration_bounds = array<i64: 10>, scalar_prefetch = 0 : i64, scratch_operands = 2 : i64, tpu.core_type = #tpu.core_type<tc>, window_params = [{transform_indices = @transform_0, window_bounds = array<i64: 1000, 160>}, {transform_indices = @transform_1, window_bounds = array<i64: 1000, 1>}, {pipeline_mode = #tpu.pipeline_mode<synchronous>, transform_indices = @transform_2, window_bounds = array<i64: 160, 80>}, {pipeline_mode = #tpu.pipeline_mode<synchronous>, transform_indices = @transform_3, window_bounds = array<i64: 1, 80>}, {pipeline_mode = #tpu.pipeline_mode<synchronous>, transform_indices = @transform_4, window_bounds = array<i64: 80, 48>}, {pipeline_mode = #tpu.pipeline_mode<synchronous>, transform_indices = @transform_5, window_bounds = array<i64: 1, 48>}, {pipeline_mode = #tpu.pipeline_mode<synchronous>, transform_indices = @transform_6, window_bounds = array<i64: 48, 128>}, {pipeline_mode = #tpu.pipeline_mode<synchronous>, transform_indices = @transform_7, window_bounds = array<i64: 1, 128>}, {pipeline_mode = #tpu.pipeline_mode<synchronous>, transform_indices = @transform_8, window_bounds = array<i64: 128, 128>}]} {
    %eq3A = arith.constant 0 : i32
    %eq3A_0 = arith.cmpi eq, %arg0, %eq3A : i32
    %convert_element_type3A = arith.extui %eq3A_0 : i1 to i32
    %cond3A = arith.constant 0 : i32
    %cond3A_1 = arith.cmpi ne, %convert_element_type3A, %cond3A : i32
    scf.if %cond3A_1 {
      %broadcast_in_dim3A_32 = arith.constant 0.000000e+00 : f32
      %broadcast_in_dim3A_33 = vector.broadcast %broadcast_in_dim3A_32 : f32 to vector<128x160xf32>
      %swap3A_34 = arith.constant 0 : index
      %swap3A_35 = arith.constant 0 : index
      %swap3A_36 = vector.load %arg10[%swap3A_34, %swap3A_35] : memref<128x160xf32, #tpu.memory_space<vmem>>, vector<128x160xf32>
      tpu.vector_store %arg10[%swap3A_34, %swap3A_35], %broadcast_in_dim3A_33 {strides = array<i32>} : memref<128x160xf32, #tpu.memory_space<vmem>>, vector<128x160xf32>,
      %broadcast_in_dim3A_37 = arith.constant 0.000000e+00 : f32
      %broadcast_in_dim3A_38 = vector.broadcast %broadcast_in_dim3A_37 : f32 to vector<128x8xf32>
      %swap3A_39 = arith.constant 0 : index
      %swap3A_40 = arith.constant 0 : index
      %swap3A_41 = vector.load %arg11[%swap3A_39, %swap3A_40] : memref<128x8xf32, #tpu.memory_space<vmem>>, vector<128x8xf32>
      tpu.vector_store %arg11[%swap3A_39, %swap3A_40], %broadcast_in_dim3A_38 {strides = array<i32>} : memref<128x8xf32, #tpu.memory_space<vmem>>, vector<128x8xf32>,
    } else {
    }
    %iota3A = tpu.iota {dimensions = array<i32: 1>} : vector<1000x128xi32>
    %get3A = arith.constant 0 : index
    %get3A_2 = arith.constant 0 : index
    %get3A_3 = vector.load %arg2[%get3A, %get3A_2] : memref<1000x1xi32, #tpu.memory_space<vmem>>, vector<1000x1xi32>
    %eq3A_4 = vector.broadcast %get3A_3 : vector<1000x1xi32> to vector<1000x128xi32>
    %eq3A_5 = arith.cmpi eq, %eq3A_4, %iota3A : vector<1000x128xi32>
    %convert_element_type3A_6 = arith.extui %eq3A_5 : vector<1000x128xi1> to vector<1000x128xi32>
    %convert_element_type3A_7 = arith.sitofp %convert_element_type3A_6 : vector<1000x128xi32> to vector<1000x128xf32>
    %get3A_8 = arith.constant 0 : index
    %get3A_9 = arith.constant 0 : index
    %get3A_10 = vector.load %arg10[%get3A_8, %get3A_9] : memref<128x160xf32, #tpu.memory_space<vmem>>, vector<128x160xf32>
    %get3A_11 = arith.constant 0 : index
    %get3A_12 = arith.constant 0 : index
    %get3A_13 = vector.load %arg1[%get3A_11, %get3A_12] : memref<1000x160xf32, #tpu.memory_space<vmem>>, vector<1000x160xf32>
    %dot_general3A = arith.constant dense<0.000000e+00> : vector<128x160xf32>
    %dot_general3A_14 = tpu.matmul %convert_element_type3A_7, %get3A_13, %dot_general3A {dimension_numbers = #tpu.dot_dimension_numbers<[0], [0], [1], [1], [0, 1, 1, 1], [], []>, transpose_lhs_hint = false} : vector<1000x128xf32>, vector<1000x160xf32>, vector<128x160xf32> -> vector<128x160xf32>
    %add3A = arith.addf %get3A_10, %dot_general3A_14 : vector<128x160xf32>
    %swap3A = arith.constant 0 : index
    %swap3A_15 = arith.constant 0 : index
    %swap3A_16 = vector.load %arg10[%swap3A, %swap3A_15] : memref<128x160xf32, #tpu.memory_space<vmem>>, vector<128x160xf32>
    tpu.vector_store %arg10[%swap3A, %swap3A_15], %add3A {strides = array<i32>} : memref<128x160xf32, #tpu.memory_space<vmem>>, vector<128x160xf32>,
    %get3A_17 = arith.constant 0 : index
    %get3A_18 = arith.constant 0 : index
    %get3A_19 = vector.load %arg11[%get3A_17, %get3A_18] : memref<128x8xf32, #tpu.memory_space<vmem>>, vector<128x8xf32>
    %broadcast_in_dim3A = arith.constant 1.000000e+00 : f32
    %broadcast_in_dim3A_20 = vector.broadcast %broadcast_in_dim3A : f32 to vector<1000x8xf32>
    %dot_general3A_21 = arith.constant dense<0.000000e+00> : vector<128x8xf32>
    %dot_general3A_22 = tpu.matmul %convert_element_type3A_7, %broadcast_in_dim3A_20, %dot_general3A_21 {dimension_numbers = #tpu.dot_dimension_numbers<[0], [0], [1], [1], [0, 1, 1, 1], [], []>, transpose_lhs_hint = false} : vector<1000x128xf32>, vector<1000x8xf32>, vector<128x8xf32> -> vector<128x8xf32>
    %add3A_23 = arith.addf %get3A_19, %dot_general3A_22 : vector<128x8xf32>
    %swap3A_24 = arith.constant 0 : index
    %swap3A_25 = arith.constant 0 : index
    %swap3A_26 = vector.load %arg11[%swap3A_24, %swap3A_25] : memref<128x8xf32, #tpu.memory_space<vmem>>, vector<128x8xf32>
    tpu.vector_store %arg11[%swap3A_24, %swap3A_25], %add3A_23 {strides = array<i32>} : memref<128x8xf32, #tpu.memory_space<vmem>>, vector<128x8xf32>,
    %eq3A_27 = arith.constant 9 : i32
    %eq3A_28 = arith.cmpi eq, %arg0, %eq3A_27 : i32
    %convert_element_type3A_29 = arith.extui %eq3A_28 : i1 to i32
    %cond3A_30 = arith.constant 0 : i32
    %cond3A_31 = arith.cmpi ne, %convert_element_type3A_29, %cond3A_30 : i32
    scf.if %cond3A_31 {
      %get3A_32 = arith.constant 0 : index
      %get3A_33 = arith.constant 0 : index
      %get3A_34 = vector.load %arg10[%get3A_32, %get3A_33] : memref<128x160xf32, #tpu.memory_space<vmem>>, vector<128x160xf32>
      %get3A_35 = arith.constant 0 : index
      %get3A_36 = arith.constant 0 : index
      %get3A_37 = vector.load %arg11[%get3A_35, %get3A_36] : memref<128x8xf32, #tpu.memory_space<vmem>>, vector<128x1xf32>
      %jit3A = arith.constant 1.000000e+00 : f32
      %max3A = vector.broadcast %jit3A : f32 to vector<128x1xf32>
      %max3A_38 = arith.maximumf %max3A, %get3A_37 : vector<128x1xf32>
      %div3A = vector.broadcast %max3A_38 : vector<128x1xf32> to vector<128x160xf32>
      %div3A_39 = arith.divf %get3A_34, %div3A : vector<128x160xf32>
      %get3A_40 = arith.constant 0 : index
      %get3A_41 = arith.constant 0 : index
      %get3A_42 = vector.load %arg3[%get3A_40, %get3A_41] : memref<160x80xf32, #tpu.memory_space<vmem>>, vector<160x80xf32>
      %dot_general3A_43 = arith.constant dense<0.000000e+00> : vector<128x80xf32>
      %dot_general3A_44 = tpu.matmul %div3A_39, %get3A_42, %dot_general3A_43 {dimension_numbers = #tpu.dot_dimension_numbers<[1], [0], [0], [1], [0, 0, 1, 1], [], []>, transpose_lhs_hint = false} : vector<128x160xf32>, vector<160x80xf32>, vector<128x80xf32> -> vector<128x80xf32>
      %get3A_45 = arith.constant 0 : index
      %get3A_46 = arith.constant 0 : index
      %get3A_47 = vector.load %arg4[%get3A_45, %get3A_46] : memref<1x80xf32, #tpu.memory_space<vmem>>, vector<1x80xf32>
      %add3A_48 = vector.broadcast %get3A_47 : vector<1x80xf32> to vector<128x80xf32>
      %add3A_49 = arith.addf %dot_general3A_44, %add3A_48 : vector<128x80xf32>
      %max3A_50 = arith.constant 0.000000e+00 : f32
      %max3A_51 = vector.broadcast %max3A_50 : f32 to vector<128x80xf32>
      %max3A_52 = arith.maximumf %add3A_49, %max3A_51 : vector<128x80xf32>
      %get3A_53 = arith.constant 0 : index
      %get3A_54 = arith.constant 0 : index
      %get3A_55 = vector.load %arg5[%get3A_53, %get3A_54] : memref<80x48xf32, #tpu.memory_space<vmem>>, vector<80x48xf32>
      %dot_general3A_56 = arith.constant dense<0.000000e+00> : vector<128x48xf32>
      %dot_general3A_57 = tpu.matmul %max3A_52, %get3A_55, %dot_general3A_56 {dimension_numbers = #tpu.dot_dimension_numbers<[1], [0], [0], [1], [0, 0, 1, 1], [], []>, transpose_lhs_hint = false} : vector<128x80xf32>, vector<80x48xf32>, vector<128x48xf32> -> vector<128x48xf32>
      %get3A_58 = arith.constant 0 : index
      %get3A_59 = arith.constant 0 : index
      %get3A_60 = vector.load %arg6[%get3A_58, %get3A_59] : memref<1x48xf32, #tpu.memory_space<vmem>>, vector<1x48xf32>
      %add3A_61 = vector.broadcast %get3A_60 : vector<1x48xf32> to vector<128x48xf32>
      %add3A_62 = arith.addf %dot_general3A_57, %add3A_61 : vector<128x48xf32>
      %max3A_63 = arith.constant 0.000000e+00 : f32
      %max3A_64 = vector.broadcast %max3A_63 : f32 to vector<128x48xf32>
      %max3A_65 = arith.maximumf %add3A_62, %max3A_64 : vector<128x48xf32>
      %get3A_66 = arith.constant 0 : index
      %get3A_67 = arith.constant 0 : index
      %get3A_68 = vector.load %arg7[%get3A_66, %get3A_67] : memref<48x128xf32, #tpu.memory_space<vmem>>, vector<48x128xf32>
      %dot_general3A_69 = arith.constant dense<0.000000e+00> : vector<128x128xf32>
      %dot_general3A_70 = tpu.matmul %max3A_65, %get3A_68, %dot_general3A_69 {dimension_numbers = #tpu.dot_dimension_numbers<[1], [0], [0], [1], [0, 0, 1, 1], [], []>, transpose_lhs_hint = false} : vector<128x48xf32>, vector<48x128xf32>, vector<128x128xf32> -> vector<128x128xf32>
      %get3A_71 = arith.constant 0 : index
      %get3A_72 = arith.constant 0 : index
      %get3A_73 = vector.load %arg8[%get3A_71, %get3A_72] : memref<1x128xf32, #tpu.memory_space<vmem>>, vector<1x128xf32>
      %add3A_74 = vector.broadcast %get3A_73 : vector<1x128xf32> to vector<128x128xf32>
      %add3A_75 = arith.addf %dot_general3A_70, %add3A_74 : vector<128x128xf32>
      %swap3A_76 = arith.constant 0 : index
      %swap3A_77 = arith.constant 0 : index
      %swap3A_78 = vector.load %arg9[%swap3A_76, %swap3A_77] : memref<128x128xf32, #tpu.memory_space<vmem>>, vector<128x128xf32>
      tpu.vector_store %arg9[%swap3A_76, %swap3A_77], %add3A_75 {strides = array<i32>} : memref<128x128xf32, #tpu.memory_space<vmem>>, vector<128x128xf32>,
    } else {
    }
    return
  }
  func.func @transform_0(%arg0: i32) -> (i32, i32) {
    %c0_i32 = arith.constant 0 : i32
    %c0_i32_0 = arith.constant 0 : i32
    return %arg0, %c0_i32 : i32, i32
  }
  func.func @transform_1(%arg0: i32) -> (i32, i32) {
    %c0_i32 = arith.constant 0 : i32
    %c0_i32_0 = arith.constant 0 : i32
    return %arg0, %c0_i32 : i32, i32
  }
  func.func @transform_2(%arg0: i32) -> (i32, i32) {
    %c0_i32 = arith.constant 0 : i32
    %c0_i32_0 = arith.constant 0 : i32
    %c0_i32_1 = arith.constant 0 : i32
    return %c0_i32, %c0_i32_0 : i32, i32
  }
  func.func @transform_3(%arg0: i32) -> (i32, i32) {
    %c0_i32 = arith.constant 0 : i32
    %c0_i32_0 = arith.constant 0 : i32
    %c0_i32_1 = arith.constant 0 : i32
    return %c0_i32, %c0_i32_0 : i32, i32
  }
  func.func @transform_4(%arg0: i32) -> (i32, i32) {
    %c0_i32 = arith.constant 0 : i32
    %c0_i32_0 = arith.constant 0 : i32
    %c0_i32_1 = arith.constant 0 : i32
    return %c0_i32, %c0_i32_0 : i32, i32
  }
  func.func @transform_5(%arg0: i32) -> (i32, i32) {
    %c0_i32 = arith.constant 0 : i32
    %c0_i32_0 = arith.constant 0 : i32
    %c0_i32_1 = arith.constant 0 : i32
    return %c0_i32, %c0_i32_0 : i32, i32
  }
  func.func @transform_6(%arg0: i32) -> (i32, i32) {
    %c0_i32 = arith.constant 0 : i32
    %c0_i32_0 = arith.constant 0 : i32
    %c0_i32_1 = arith.constant 0 : i32
    return %c0_i32, %c0_i32_0 : i32, i32
  }
  func.func @transform_7(%arg0: i32) -> (i32, i32) {
    %c0_i32 = arith.constant 0 : i32
    %c0_i32_0 = arith.constant 0 : i32
    %c0_i32_1 = arith.constant 0 : i32
    return %c0_i32, %c0_i32_0 : i32, i32
  }
  func.func @transform_8(%arg0: i32) -> (i32, i32) {
    %c0_i32 = arith.constant 0 : i32
    %c0_i32_0 = arith.constant 0 : i32
    %c0_i32_1 = arith.constant 0 : i32
    return %c0_i32, %c0_i32_0 : i32, i32
  }
}

</mosaic_0001>

<sc_bundles>
// kernel: kernel.14.cloned.1.call-start
scs
__scs_entry_jumppad:
0x0: {  	(pc) =	sbr.rel $0x88, $3  }
0x1: {  	(tag) =	ssettag $0x0;
	lr =	simm.s32 $0x1  }
0x2: {  	[smem:$0x3F85] =	sst lr;
	_ =	strace $0xD0000000  }
0x3: {  	_ = 	snop  }
0x4: {  	_ = 	snop  }
0x5: {  	_ = 	snop  }
0x6: {  	_ = 	snop  }
0x7: {  	_ = 	snop  }
__scs_overlays_trampoline_lowered:
0x8: {  	[smem:$0x3F94] =	sst s0  }
0x9: {  	[smem:$0x3F95] =	sst s1  }
0xa: {  	[smem:$0x3F96] =	sst s2  }
0xb: {  	[smem:$0x3F97] =	sst s3  }
0xc: {  	[smem:$0x3F98] =	sst s4  }
0xd: {  	[smem:$0x3F99] =	sst s5  }
0xe: {  	[smem:$0x3F9A] =	sst s6  }
0xf: {  	[smem:$0x3F9B] =	sst s7  }
0x10: {  	[smem:$0x3F9C] =	sst s8  }
0x11: {  	[smem:$0x3F9D] =	sst s9;
	s0 =	simm.s32 @!p0 $0x0  }
0x12: {  	s1 =	sld [smem:$0x3F83];
	s0 =	simm.s32 @p0 $0x1  }
0x13: {  	[smem:$0x3F9E] =	sst s0;
	s0 =	simm.s32 @!p1 $0x0  }
0x14: {  	s2 =	sld [smem:$0x3F82];
	s0 =	simm.s32 @p1 $0x1  }
0x15: {  	[smem:$0x3F9F] =	sst s0;
	s0 =	simm.s32 @!p2 $0x0  }
0x16: {  	s3 =	sld [smem:$0x3FDB];
	s0 =	simm.s32 @p2 $0x1  }
0x17: {  	s4 =	simm.s32 $0x1BF5;
	[smem:$0x3FA1] =	sst s0  }
0x18: {  	s0 =	sld [smem:$0x3F84];
	_ =	swait.ge [sflag:s4], $0x0  }
0x19: {  	s7 =	sld [smem:$0x3F85]  }
0x1a: {  	s8 =	sadd.s32 $0xFFFFE003, lr  }
0x1b: {  	s9 =	sadd.s32 $0xFFFFFEF7, lr;
	s5 =	simm.s32 $0xFFFFFFFF;
	p2 =	slt.u32 s8, $0xFFFFF086  }
0x1c: {  	p1 =	slt.u32 s9, $0xF7A;
	s5 =	simm.s32 @!p2 $0x0  }
0x1d: {  	s5 =	simm.s32 @p1 $0x1;
	p0 =	seq.s32 s7, s2  }
0x1e: {  	s7 =	smul.u32 @!p0 $0xF7A, s2;
	p2 =	seq.s32 @!p0 s5, $0x0  }
0x1f: {  	s9 =	smul.u32 $0xF7A, s1;
	s8 =	simm.s32 @!p0 $0x1BF5;
	p2 =	por !p2, p0  }
0x20: {  	[sflag:s8] =	ssyncset.s32 @!p0 $0xFFFFF086;
	s6 =	sadd.s32 @!p0 s3, s7;
	s7 =	simm.s32 @!p0 $0x108  }
0x21: {  	s3 =	sadd.s32 s3, s9;
	s6 =	sadd.s32 @!p0 $0x88, s6;
	s7 =	simm.s32 @p2 $0x1082  }
0x22: {  	[simem:s7], [sflag:s8] =	dma.local @!p0 [hbm:s6], $0xF7A  }
0x23: {  	s9 =	sor.u32 $0xD0000000, s2;
	s6 =	simm.s32 $0x108;
	_ =	swait.ge @!p0 [sflag:s8], $0x0  }
0x24: {  	s3 =	sadd.s32 $0x88, s3;
	s6 =	simm.s32 @!p1 $0x1082;
	[sflag:s4] =	ssyncset.s32 $0xFFFFF086  }
0x25: {  	[simem:s6], [sflag:s4] =	dma.local [hbm:s3], $0xF7A  }
0x26: {  	[smem:$0x3F85] =	sst s1;
	(tag) =	ssettag s2;
	_ =	strace s9  }
0x27: {  	s1 =	sld [smem:$0x3F95]  }
0x28: {  	s2 =	sld [smem:$0x3F96]  }
0x29: {  	s4 =	sld [smem:$0x3F98]  }
0x2a: {  	p0 =	seq.s32 s5, $0x0;
	s5 =	sld [smem:$0x3F99]  }
0x2b: {  	s6 =	sld [smem:$0x3F9A]  }
0x2c: {  	s7 =	sld [smem:$0x3F9B]  }
0x2d: {  	s3 =	simm.s32 $0x108;
	s8 =	sld [smem:$0x3F9C]  }
0x2e: {  	s3 =	simm.s32 @!p0 $0x1082;
	s9 =	sld [smem:$0x3F9D]  }
0x2f: {  	lr =	sadd.s32 s0, s3;
	s0 =	sld [smem:$0x3F94]  }
0x30: {  	s3 =	sld [smem:$0x3F97]  }
0x31: {  	[smem:$0x3FA0] =	sst s10  }
0x32: {  	s10 =	sld [smem:$0x3F9E];
	_ =	sdelay $0x3  }
0x33: {  	p0 =	seq.s32 s10, $0x1;
	s10 =	sld [smem:$0x3FA0];
	_ =	sdelay $0x3  }
0x34: {  	[smem:$0x3FA0] =	sst s10  }
0x35: {  	s10 =	sld [smem:$0x3F9F];
	_ =	sdelay $0x3  }
0x36: {  	p1 =	seq.s32 s10, $0x1;
	s10 =	sld [smem:$0x3FA0];
	_ =	sdelay $0x3  }
0x37: {  	[smem:$0x3FA0] =	sst s10  }
0x38: {  	s10 =	sld [smem:$0x3FA1]  }
0x39: {  	_ = 	snop;
	(pc) =	sbr.ind lr, $3  }
0x3a: {  	_ = 	snop  }
0x3b: {  	_ = 	snop  }
0x3c: {  	p2 =	seq.s32 s10, $0x1;
	s10 =	sld [smem:$0x3FA0]  }
0x3d: {  	_ =	shalt  }
0x3e: {  	_ =	shalt  }
0x3f: {  	_ =	shalt  }
0x40: {  	_ =	shalt  }
0x41: {  	_ =	shalt  }
0x42: {  	_ =	shalt  }
0x43: {  	_ =	shalt  }
0x44: {  	_ =	shalt  }
0x45: {  	_ =	shalt  }
0x46: {  	_ =	shalt  }
0x47: {  	_ =	shalt  }
0x48: {  	_ =	shalt  }
0x49: {  	_ =	shalt  }
0x4a: {  	_ =	shalt  }
0x4b: {  	_ =	shalt  }
0x4c: {  	_ =	shalt  }
0x4d: {  	_ =	shalt  }
0x4e: {  	_ =	shalt  }
0x4f: {  	_ =	shalt  }
0x50: {  	_ =	shalt  }
0x51: {  	_ =	shalt  }
0x52: {  	_ =	shalt  }
0x53: {  	_ =	shalt  }
0x54: {  	_ =	shalt  }
0x55: {  	_ =	shalt  }
0x56: {  	_ =	shalt  }
0x57: {  	_ =	shalt  }
0x58: {  	_ =	shalt  }
0x59: {  	_ =	shalt  }
0x5a: {  	_ =	shalt  }
0x5b: {  	_ =	shalt  }
0x5c: {  	_ =	shalt  }
0x5d: {  	_ =	shalt  }
0x5e: {  	_ =	shalt  }
0x5f: {  	_ =	shalt  }
0x60: {  	_ =	shalt  }
0x61: {  	_ =	shalt  }
0x62: {  	_ =	shalt  }
0x63: {  	_ =	shalt  }
0x64: {  	_ =	shalt  }
0x65: {  	_ =	shalt  }
0x66: {  	_ =	shalt  }
0x67: {  	_ =	shalt  }
0x68: {  	_ =	shalt  }
0x69: {  	_ =	shalt  }
0x6a: {  	_ =	shalt  }
0x6b: {  	_ =	shalt  }
0x6c: {  	_ =	shalt  }
0x6d: {  	_ =	shalt  }
0x6e: {  	_ =	shalt  }
0x6f: {  	_ =	shalt  }
0x70: {  	_ =	shalt  }
0x71: {  	_ =	shalt  }
0x72: {  	_ =	shalt  }
0x73: {  	_ =	shalt  }
0x74: {  	_ =	shalt  }
0x75: {  	_ =	shalt  }
0x76: {  	_ =	shalt  }
0x77: {  	_ =	shalt  }
0x78: {  	_ =	shalt  }
0x79: {  	_ =	shalt  }
0x7a: {  	_ =	shalt  }
0x7b: {  	_ =	shalt  }
0x7c: {  	_ =	shalt  }
0x7d: {  	_ =	shalt  }
0x7e: {  	_ =	shalt  }
0x7f: {  	_ =	shalt  }
0x80: {  	_ =	shalt  }
0x81: {  	_ =	shalt  }
0x82: {  	_ =	shalt  }
0x83: {  	_ =	shalt  }
0x84: {  	_ =	shalt  }
0x85: {  	_ =	shalt  }
0x86: {  	_ =	shalt  }
0x87: {  	_ =	shalt  }
.Lfunc_end0:
.L_simem_size_0:
called_computation_lowered:
.L_overlay_start_0:
0x88: {  	s2 =	sld [smem:$0x3FD9]  }
0x89: {  	s3 =	sld [smem:$0x3FFE];
	_ =	sdelay $0x1  }
0x8a: {  	s1 =	srdreg.scid  }
0x8b: {  	s0 =	sand.u32 $0x1, s1  }
0x8c: {  	s16 =	sshll.u32 s0, $0xA;
	s2 =	sadd.s32 s3, s2  }
0x8d: {  	s2 =	sadd.s32 s2, s16  }
0x8e: {  	[smem:$0x3FAC] =	sst s2  }
0x8f: {  	_ = 	snop  }
0x90: {  	(tm) =	ssettm $0x1  }
0x91: {  	s17 =	sld [smem:$0x3FFB];
	_ =	sdelay $0x3  }
0x92: {  	_ =	strace s17  }
0x93: {  	s2 =	sld [smem:$0x3FFC];
	_ =	sdelay $0x3  }
0x94: {  	_ =	strace s2  }
0x95: {  	s2 =	sld [smem:$0x3FFD];
	_ =	sdelay $0x3  }
0x96: {  	_ =	strace s2  }
0x97: {  	_ =	strace $0x8FFFFFFF  }
0x98: {  	s18 =	sld [smem:$0x3FDB];
	_ =	sdelay $0x1  }
0x99: {  	s19 =	simm.s32 $_scs_section_size  }
0x9a: {  	s4 =	simm.s32 $_size__tile_overlayer_lowered;
	s5 =	simm.s32 $_tile_overlayer_lowered  }
0x9b: {  	s22 =	simm.s32 $0x1BFF;
	s21 =	sshll.u32 s5, $0x1;
	s2 =	sadd.s32 s19, s18  }
0x9c: {  	s6 =	simm.s32 $0x0;
	s20 =	sshll.u32 s4, $0x1;
	s4 =	sadd.s32 s21, s2  }
0x9d: {  	[timem:s6], [sflag:s22] =	dma.local [hbm:s4], s20  }
0x9e: {  	_ =	swait.ge [sflag:s22], s20  }
0x9f: {  	s3 =	ssub.s32 $0x0, s20;
	[sflag:s22] =	ssyncset.done $0x0  }
0xa0: {  	[sflag:s22] =	ssyncadd.s32 s3;
	_ =	sdelay $0x1  }
0xa1: {  	s23 =	simm.s32 $0x1B8B  }
0xa2: {  	_ =	swait.ge [sflag:s23], $0x1  }
0xa3: {  	[sflag:s23] =	ssyncset.done $0x0  }
0xa4: {  	s25 =	simm.s32 $0x1B8E;
	s24 =	sld [smem:$0x3FFE];
	[sflag:s23] =	ssyncadd.s32 $0xFFFFFFFF  }
0xa5: {  	s26 =	simm.s32 $execute0_lowered;
	[smem:$0x3FD2] =	sst s25  }
0xa6: {  	s4 =	sshll.u32 s26, $0x1;
	_ =	strace $0x80000046;
	[dreg:$0x1] =	wrdreg $0xFFFFFFFF  }
0xa7: {  	s28 =	simm.s32 $_size_execute0_lowered;
	s2 =	sadd.s32 s2, s4;
	[dreg:$0x0] =	wrdreg $0x0  }
0xa8: {  	s4 =	sshll.u32 s28, $0x1;
	[dreg:$0x2] =	wrdreg s2  }
0xa9: {  	[dreg:$0x3] =	wrdreg s4  }
0xaa: {  	[dreg:$0x4] =	wrdreg $0xC0  }
0xab: {  	_ =	task [dreg:s6], $0x5FFFF  }
0xac: {  	[dreg:$0x1] =	wrdreg $0xFFFFFFFF  }
0xad: {  	[dreg:$0x0] =	wrdreg $0x60  }
0xae: {  	[dreg:$0x2] =	wrdreg s24  }
0xaf: {  	[dreg:$0x3] =	wrdreg $0x0  }
0xb0: {  	[dreg:$0x4] =	wrdreg $0x9  }
0xb1: {  	_ =	task.clear_ibuf [dreg:s6], $0x5FFFF;
	_ =	strace $0x90000046  }
0xb2: {  	s29 =	simm.s32 $0x9;
	_ =	strace $0x80000048  }
0xb3: {  	_ =	swait.ge [sflag:s29], $0x1  }
0xb4: {  	[sflag:s29] =	ssyncadd.s32 $0xFFFFFFFF  }
0xb5: {  	_ =	strace $0x90000048  }
0xb6: {  	_ =	sfence  }
0xb7: {  	s30 =	sld [smem:$0x0];
	_ =	sdelay $0x2  }
0xb8: {  	s31 =	sshll.u32 s1, $0xD;
	s1 =	sshrl.u32 s1, $0x2  }
0xb9: {  	s3 =	sand.u32 $0x4000, s31;
	s1 =	sadd.s32 s1, s30  }
0xba: {  	s0 =	sor.u32 s3, s0;
	s1 =	sshll.u32 s1, $0x11  }
0xbb: {  	s0 =	sor.u32 s1, s0  }
0xbc: {  	s0 =	sadd.s32 $0x8F2B, s0  }
0xbd: {  	[sflag:s0] =	ssyncadd.remote.s32 $0x1  }
0xbe: {  	_ =	sfence.sel $0xFFFF  }
0xbf: {  	[dreg:$0x0] =	wrdreg $0xFFFFFFFF;
	(pc) =	sbr.abs _section_cstart, $3  }
0xc0: {  	[dreg:$0x1] =	wrdreg $0xFFFFFFFF  }
0xc1: {  	_ =	task.clear_ibuf [dreg:s6], $0x2FFFF;
	_ =	strace $0x9FFFFFFF  }
0xc2: {  	(tm) =	ssettm $0x7FFFFFFF  }
0xc3: {  	_ =	shalt  }
tec
execute0_lowered:
.L_overlay_start_1:
0x0: {  	(tag) =	ssettag $0x1  }
0x1: {  	s1 =	srdreg.scid  }
0x2: {  	s1 =	sand.u32 $0x1, s1  }
0x3: {  	p0 =	seq.s32 s1, $0x1  }
.Ltmp0:
0x4: {  	_ = 	snop;
	(pc) =	sbr.rel @p0 .LBB2_8-.Ltmp0, $4  }
0x5: {  	s3 =	rddreg [dreg:$0x0]  }
0x6: {  	s2 =	rddreg [dreg:$0x1];
	s4 =	simm.s32 $0x0  }
0x7: {  	[smem:$0x7FF] =	sst s4  }
0x8: {  	s0 =	rddreg [dreg:$0x2];
	_ =	strace $0x80000047;
	s1 =	stileid.u32  }
0x9: {  	s8 =	smul.u32 $0x9C4, s1  }
0xa: {  	s4 =	smul.u32 $0x14000, s1  }
0xb: {  	s9 =	smul.u32 $0x280, s1  }
0xc: {  	s10 =	sadd.s32 $0xFC00, s3;
	s4 =	sshrl.u32 s4, $0x2  }
0xd: {  	s5 =	sadd.s32 s8, s3;
	s7 =	sshrl.u32 s9, $0x3;
	s8 =	sadd.s32 s10, s8  }
0xe: {  	s10 =	simm.s32 $0x0;
	s6 =	sadd.s32 s4, s2;
	s11 =	sadd.s32 s7, s3  }
0xf: {  	s7 =	sadd.s32 $0x5E00, s5;
	s4 =	sadd.s32 s9, s2;
	s9 =	simm.s32 $0x40  }
0x10: {  	v0 =	vimm.f32 $0.0e+00;
	s5 =	sadd.s32 $0x2800, s6;
	s3 =	sadd.s32 $0x19A00, s11;
	s2 =	sadd.s32 $0x19F00, s11  }
.LBB2_2:
0x11: {  	p0 =	sne.s32 s9, $0x9FC0;
	[tilespmem:s10+$0x5000] =	vst v0;
	s11 =	smov.u32 s9;
	s9 =	sadd.s32 $0x40, s9  }
.Ltmp1:
0x12: {  	[tilespmem:s10+$0x7800] =	vst v0;
	(pc) =	sbr.rel @p0 .LBB2_2-.Ltmp1, $2  }
0x13: {  	_ =	sdelay $0x2  }
0x14: {  	s10 =	sshra.s32 s11, $0x2  }
0x15: {  	[tilespmem:s10+$0x5000] =	vst v0  }
0x16: {  	[tilespmem:s10+$0x7800] =	vst v0;
	s9 =	simm.s32 $0x0;
	s29 =	simm.s32 $0xA000;
	s30 =	simm.s32 $0x1  }
0x17: {  	[tilespmem:s29], [sflag:$0x1] =	stream.linear.gather [hbm4b:s8+s9], $0x4E20, $0x38;
	[tilespmem:$0x19140] =	vst v63  }
0x18: {  	_ =	swait.ge [sflag:s30], $0x4E20  }
0x19: {  	[sflag:s30] =	ssyncset.done $0x0  }
0x1a: {  	s31 =	simm.s32 $0xEE20;
	[sflag:s30] =	ssyncadd.s32 $0xFFFFB1E0  }
0x1b: {  	[tilespmem:s31], [sflag:$0x1] =	stream.linear.gather [hbm4b:s7+s9], $0x4E20, $0x38;
	[tilespmem:$0x19140] =	vst v63  }
0x1c: {  	_ =	swait.ge [sflag:s30], $0x4E20  }
0x1d: {  	[sflag:s30] =	ssyncset.done $0x0  }
0x1e: {  	s10 =	simm.s32 $0x0;
	[sflag:s30] =	ssyncadd.s32 $0xFFFFB1E0  }
0x1f: {  	v0 =	vimm.f32 $1.000000000e+00;
	s8 =	simm.s32 $0x7800;
	s7 =	simm.s32 $0x5000;
	s9 =	simm.s32 $0x40;
	v1 =	vld [tilespmem:s10+$0xA000]  }
.LBB2_4:
0x20: {  	p0 =	sne.s32 s9, $0x13840;
	v2 =	vld [tilespmem:s10+$0xEE20];
	_ =	sdelay $0x4  }
.Ltmp2:
0x21: {  	(pc) =	sbr.rel @p0 .LBB2_4-.Ltmp2, $4  }
0x22: {  	_ = 	snop  }
0x23: {  	[tilespmem:v1+s7+$0x0] =	vst.idx.add.f32.msk $0xffff, v0  }
0x24: {  	s10 =	sshra.s32 s9, $0x2;
	[tilespmem:v2+s8+$0x0] =	vst.idx.add.f32.msk $0xffff, v0  }
0x25: {  	s9 =	sadd.s32 $0x40, s9;
	v1 =	vld [tilespmem:s10+$0xA000]  }
0x26: {  	_ = 	snop  }
0x27: {  	v2 =	vld [tilespmem:s10+$0xEE20];
	_ =	sdelay $0x6  }
0x28: {  	[tilespmem:v1+s7+$0x0] =	vst.idx.add.f32.msk $0xffff, v0  }
0x29: {  	s25 =	simm.s32 $0x5000;
	s26 =	simm.s32 $0x1;
	[tilespmem:v2+s8+$0x0] =	vst.idx.add.f32.msk $0xffff, v0  }
0x2a: {  	[spmem:s6] =	stream.linear.scatter [tilespmem:s25], [sflag:$0x1], $0x2800, $0x38;
	[tilespmem:$0x19140] =	vst v63  }
0x2b: {  	_ =	swait.ge [sflag:s26], $0x2800  }
0x2c: {  	[sflag:s26] =	ssyncset.done $0x0  }
0x2d: {  	s28 =	simm.s32 $0x7800;
	[sflag:s26] =	ssyncadd.s32 $0xFFFFD800  }
0x2e: {  	[spmem:s5] =	stream.linear.scatter [tilespmem:s28], [sflag:$0x1], $0x2800, $0x38;
	[tilespmem:$0x19140] =	vst v63  }
0x2f: {  	_ =	swait.ge [sflag:s26], $0x2800  }
0x30: {  	[sflag:s26] =	ssyncset.done $0x0  }
0x31: {  	s29 =	simm.s32 $0x280;
	[sflag:s26] =	ssyncadd.s32 $0xFFFFD800  }
0x32: {  	s30 =	simm.s32 $0x2800;
	s31 =	simm.s32 $0x13C40;
	[bflag:$0x0] =	sbarrier.arrive $0xFFFF  }
0x33: {  	[tilespmem:s31], [sflag:$0x1] =	stream.strided.gather [spmem:s4], $0x5000, s30, s29, $0x38;
	[tilespmem:$0x19140] =	vst v63  }
0x34: {  	_ =	swait.ge [sflag:s26], $0x5000  }
0x35: {  	[sflag:s26] =	ssyncset.done $0x0  }
0x36: {  	s4 =	simm.s32 $0x0;
	[sflag:s26] =	ssyncadd.s32 $0xFFFFB000  }
0x37: {  	v0 =	vld [tilespmem:s4+$0x13EC0]  }
0x38: {  	v1 =	vld [tilespmem:s4+$0x143C0]  }
0x39: {  	v2 =	vld [tilespmem:s4+$0x13C40]  }
0x3a: {  	v3 =	vld [tilespmem:s4+$0x148C0]  }
0x3b: {  	v4 =	vld [tilespmem:s4+$0x14140]  }
0x3c: {  	v5 =	vld [tilespmem:s4+$0x14DC0]  }
0x3d: {  	v6 =	vld [tilespmem:s4+$0x14640];
	v0 =	vadd.f32 v1, v0  }
0x3e: {  	v1 =	vld [tilespmem:s4+$0x152C0]  }
0x3f: {  	v7 =	vld [tilespmem:s4+$0x14B40];
	v0 =	vadd.f32 v3, v0  }
0x40: {  	v2 =	vadd.f32 v4, v2;
	v3 =	vld [tilespmem:s4+$0x157C0]  }
0x41: {  	v4 =	vld [tilespmem:s4+$0x15040];
	v0 =	vadd.f32 v5, v0  }
0x42: {  	v2 =	vadd.f32 v6, v2;
	v5 =	vld [tilespmem:s4+$0x15CC0]  }
0x43: {  	v6 =	vld [tilespmem:s4+$0x15540];
	v0 =	vadd.f32 v1, v0  }
0x44: {  	v2 =	vadd.f32 v7, v2;
	v1 =	vld [tilespmem:s4+$0x161C0]  }
0x45: {  	v7 =	vld [tilespmem:s4+$0x15A40];
	v0 =	vadd.f32 v3, v0  }
0x46: {  	v2 =	vadd.f32 v4, v2;
	v3 =	vld [tilespmem:s4+$0x166C0]  }
0x47: {  	v4 =	vld [tilespmem:s4+$0x15F40];
	v0 =	vadd.f32 v5, v0  }
0x48: {  	v2 =	vadd.f32 v6, v2;
	v5 =	vld [tilespmem:s4+$0x16BC0]  }
0x49: {  	v6 =	vld [tilespmem:s4+$0x16440];
	v0 =	vadd.f32 v1, v0  }
0x4a: {  	v2 =	vadd.f32 v7, v2;
	v1 =	vld [tilespmem:s4+$0x170C0]  }
0x4b: {  	v7 =	vld [tilespmem:s4+$0x16940];
	v0 =	vadd.f32 v3, v0  }
0x4c: {  	v2 =	vadd.f32 v4, v2;
	v3 =	vld [tilespmem:s4+$0x175C0]  }
0x4d: {  	v4 =	vld [tilespmem:s4+$0x16E40];
	v0 =	vadd.f32 v5, v0  }
0x4e: {  	v2 =	vadd.f32 v6, v2;
	v5 =	vld [tilespmem:s4+$0x17AC0]  }
0x4f: {  	v6 =	vld [tilespmem:s4+$0x17340];
	v0 =	vadd.f32 v1, v0  }
0x50: {  	v2 =	vadd.f32 v7, v2;
	v1 =	vld [tilespmem:s4+$0x17FC0]  }
0x51: {  	v7 =	vld [tilespmem:s4+$0x17840];
	v0 =	vadd.f32 v3, v0  }
0x52: {  	v8 =	vld [tilespmem:s4+$0x184C0];
	v3 =	vadd.f32 v4, v2  }
0x53: {  	v2 =	vld [tilespmem:s4+$0x17D40];
	v0 =	vadd.f32 v5, v0  }
0x54: {  	v4 =	vld [tilespmem:s4+$0x189C0];
	v5 =	vadd.f32 v6, v3  }
0x55: {  	v3 =	vld [tilespmem:s4+$0x18240];
	v6 =	vadd.f32 v1, v0  }
0x56: {  	s5 =	simm.s32 $0x10;
	v1 =	vld [tilespmem:s4+$0x18740];
	v5 =	vadd.f32 v7, v5  }
0x57: {  	s6 =	simm.s32 $0x80;
	v0 =	vld [tilespmem:s5+$0x13EC0];
	v6 =	vadd.f32 v8, v6  }
.LBB2_6:
0x58: {  	p0 =	sne.s32 s6, $0x9C0;
	v7 =	vld [tilespmem:s5+$0x143C0];
	v2 =	vadd.f32 v2, v5  }
0x59: {  	v5 =	vld [tilespmem:s5+$0x13C40];
	v4 =	vadd.f32 v4, v6  }
0x5a: {  	v6 =	vld [tilespmem:s5+$0x148C0];
	v2 =	vadd.f32 v3, v2  }
0x5b: {  	v3 =	vld [tilespmem:s5+$0x14140];
	[tilespmem:s4+$0x18EC0] =	vst v4  }
0x5c: {  	v4 =	vld [tilespmem:s5+$0x14DC0];
	v1 =	vadd.f32 v1, v2  }
0x5d: {  	v2 =	vld [tilespmem:s5+$0x14640];
	v0 =	vadd.f32 v7, v0  }
0x5e: {  	v7 =	vld [tilespmem:s5+$0x152C0];
	[tilespmem:s4+$0x18C40] =	vst v1;
	s4 =	smov.u32 s5  }
0x5f: {  	v1 =	vld [tilespmem:s4+$0x14B40];
	v0 =	vadd.f32 v6, v0  }
0x60: {  	v3 =	vadd.f32 v3, v5;
	v5 =	vld [tilespmem:s4+$0x157C0]  }
0x61: {  	v6 =	vld [tilespmem:s4+$0x15040];
	v0 =	vadd.f32 v4, v0  }
0x62: {  	v2 =	vadd.f32 v2, v3;
	v3 =	vld [tilespmem:s4+$0x15CC0]  }
0x63: {  	v4 =	vld [tilespmem:s4+$0x15540];
	v0 =	vadd.f32 v7, v0  }
0x64: {  	v1 =	vadd.f32 v1, v2;
	v2 =	vld [tilespmem:s4+$0x161C0]  }
0x65: {  	v7 =	vld [tilespmem:s4+$0x15A40];
	v0 =	vadd.f32 v5, v0  }
0x66: {  	v1 =	vadd.f32 v6, v1;
	v5 =	vld [tilespmem:s4+$0x166C0]  }
0x67: {  	v6 =	vld [tilespmem:s4+$0x15F40];
	v0 =	vadd.f32 v3, v0  }
0x68: {  	v1 =	vadd.f32 v4, v1;
	v3 =	vld [tilespmem:s4+$0x16BC0]  }
0x69: {  	v4 =	vld [tilespmem:s4+$0x16440];
	v0 =	vadd.f32 v2, v0  }
0x6a: {  	v1 =	vadd.f32 v7, v1;
	v2 =	vld [tilespmem:s4+$0x170C0]  }
0x6b: {  	v7 =	vld [tilespmem:s4+$0x16940];
	v0 =	vadd.f32 v5, v0  }
0x6c: {  	v1 =	vadd.f32 v6, v1;
	v5 =	vld [tilespmem:s4+$0x175C0]  }
0x6d: {  	v6 =	vld [tilespmem:s4+$0x16E40];
	v0 =	vadd.f32 v3, v0  }
0x6e: {  	v1 =	vadd.f32 v4, v1;
	v3 =	vld [tilespmem:s4+$0x17AC0]  }
0x6f: {  	v4 =	vld [tilespmem:s4+$0x17340];
	v0 =	vadd.f32 v2, v0  }
0x70: {  	v1 =	vadd.f32 v7, v1;
	v7 =	vld [tilespmem:s4+$0x17FC0]  }
0x71: {  	v8 =	vld [tilespmem:s4+$0x17840];
	v0 =	vadd.f32 v5, v0  }
0x72: {  	v1 =	vadd.f32 v6, v1;
	v6 =	vld [tilespmem:s4+$0x184C0]  }
.Ltmp3:
0x73: {  	v2 =	vld [tilespmem:s4+$0x17D40];
	v0 =	vadd.f32 v3, v0;
	(pc) =	sbr.rel @p0 .LBB2_6-.Ltmp3, $4  }
0x74: {  	v1 =	vadd.f32 v4, v1;
	v4 =	vld [tilespmem:s4+$0x189C0]  }
0x75: {  	v3 =	vld [tilespmem:s4+$0x18240];
	v7 =	vadd.f32 v7, v0  }
0x76: {  	s5 =	sshra.s32 s6, $0x2;
	v5 =	vadd.f32 v8, v1;
	v1 =	vld [tilespmem:s4+$0x18740]  }
0x77: {  	s6 =	sadd.s32 $0x40, s6;
	v0 =	vld [tilespmem:s5+$0x13EC0];
	v6 =	vadd.f32 v6, v7  }
0x78: {  	v7 =	vld [tilespmem:s5+$0x143C0];
	v2 =	vadd.f32 v2, v5  }
0x79: {  	v8 =	vld [tilespmem:s5+$0x13C40];
	v4 =	vadd.f32 v4, v6  }
0x7a: {  	v37 =	vld [tilespmem:s5+$0x148C0];
	v2 =	vadd.f32 v3, v2  }
0x7b: {  	v38 =	vld [tilespmem:s5+$0x14140];
	[tilespmem:s4+$0x18EC0] =	vst v4  }
0x7c: {  	v39 =	vld [tilespmem:s5+$0x14DC0];
	v1 =	vadd.f32 v1, v2  }
0x7d: {  	v40 =	vld [tilespmem:s5+$0x14640]  }
0x7e: {  	v4 =	vld [tilespmem:s5+$0x152C0];
	[tilespmem:s4+$0x18C40] =	vst v1  }
0x7f: {  	v0 =	vadd.f32 v7, v0;
	v1 =	vld [tilespmem:s5+$0x14B40]  }
0x80: {  	v6 =	vadd.f32 v38, v8  }
0x81: {  	v0 =	vadd.f32 v37, v0;
	v41 =	vld [tilespmem:s5+$0x15040]  }
0x82: {  	v42 =	vld [tilespmem:s5+$0x157C0];
	v2 =	vadd.f32 v40, v6  }
0x83: {  	v43 =	vld [tilespmem:s5+$0x15540];
	v0 =	vadd.f32 v39, v0  }
0x84: {  	v44 =	vld [tilespmem:s5+$0x15CC0];
	v1 =	vadd.f32 v1, v2  }
0x85: {  	v45 =	vld [tilespmem:s5+$0x15A40];
	v0 =	vadd.f32 v4, v0  }
0x86: {  	v46 =	vld [tilespmem:s5+$0x161C0];
	v1 =	vadd.f32 v41, v1  }
0x87: {  	v47 =	vld [tilespmem:s5+$0x15F40];
	v0 =	vadd.f32 v42, v0  }
0x88: {  	v48 =	vld [tilespmem:s5+$0x166C0];
	v1 =	vadd.f32 v43, v1  }
0x89: {  	v49 =	vld [tilespmem:s5+$0x16440];
	v0 =	vadd.f32 v44, v0  }
0x8a: {  	v50 =	vld [tilespmem:s5+$0x16BC0];
	v1 =	vadd.f32 v45, v1  }
0x8b: {  	v51 =	vld [tilespmem:s5+$0x16940];
	v0 =	vadd.f32 v46, v0  }
0x8c: {  	v52 =	vld [tilespmem:s5+$0x170C0];
	v1 =	vadd.f32 v47, v1  }
0x8d: {  	v53 =	vld [tilespmem:s5+$0x16E40];
	v0 =	vadd.f32 v48, v0  }
0x8e: {  	v54 =	vld [tilespmem:s5+$0x175C0];
	v1 =	vadd.f32 v49, v1  }
0x8f: {  	v55 =	vld [tilespmem:s5+$0x17340];
	v0 =	vadd.f32 v50, v0  }
0x90: {  	v56 =	vld [tilespmem:s5+$0x17AC0];
	v1 =	vadd.f32 v51, v1  }
0x91: {  	v57 =	vld [tilespmem:s5+$0x17840];
	v0 =	vadd.f32 v52, v0  }
0x92: {  	v58 =	vld [tilespmem:s5+$0x17FC0];
	v1 =	vadd.f32 v53, v1  }
0x93: {  	v59 =	vld [tilespmem:s5+$0x17D40];
	v0 =	vadd.f32 v54, v0  }
0x94: {  	v60 =	vld [tilespmem:s5+$0x184C0];
	v1 =	vadd.f32 v55, v1  }
0x95: {  	v61 =	vld [tilespmem:s5+$0x18240];
	v0 =	vadd.f32 v56, v0  }
0x96: {  	v62 =	vld [tilespmem:s5+$0x189C0];
	v1 =	vadd.f32 v57, v1  }
0x97: {  	v63 =	vld [tilespmem:s5+$0x18740];
	v0 =	vadd.f32 v58, v0  }
0x98: {  	v1 =	vadd.f32 v59, v1  }
0x99: {  	v0 =	vadd.f32 v60, v0  }
0x9a: {  	v1 =	vadd.f32 v61, v1  }
0x9b: {  	v0 =	vadd.f32 v62, v0  }
0x9c: {  	v1 =	vadd.f32 v63, v1  }
0x9d: {  	[tilespmem:s5+$0x18EC0] =	vst v0  }
0x9e: {  	s28 =	simm.s32 $0x0;
	s29 =	simm.s32 $0x18C40;
	s30 =	simm.s32 $0x1;
	[tilespmem:s5+$0x18C40] =	vst v1  }
0x9f: {  	[hbm4b:s3+s28] =	stream.linear.scatter [tilespmem:s29], [sflag:$0x1], $0x280, $0x38;
	[tilespmem:$0x19140] =	vst v63  }
0xa0: {  	_ =	swait.ge [sflag:s30], $0x280  }
0xa1: {  	[sflag:s30] =	ssyncset.done $0x0  }
0xa2: {  	s31 =	simm.s32 $0x18EC0;
	[sflag:s30] =	ssyncadd.s32 $0xFFFFFD80  }
0xa3: {  	[hbm4b:s2+s28] =	stream.linear.scatter [tilespmem:s31], [sflag:$0x1], $0x280, $0x38;
	[tilespmem:$0x19140] =	vst v63  }
0xa4: {  	_ =	swait.ge [sflag:s30], $0x280  }
0xa5: {  	[sflag:s30] =	ssyncset.done $0x0  }
0xa6: {  	[sflag:s30] =	ssyncadd.s32 $0xFFFFFD80  }
.LBB2_8:
0xa7: {  	_ =	sfence.sel $0x180000  }
0xa8: {  	[bflag:$0x0] =	sbarrier.arrive $0xFFFF  }
0xa9: {  	p0 =	sne.s32 s1, $0x0;
	_ =	strace $0x90000047  }
0xaa: {  	s0 =	sadd.s32 @!p0 $0x100000, s0;
	[bflag:$0x2] =	sbarrier.arrive $0xFFFF  }
0xab: {  	[sflag:s0] =	ssyncadd.tile.s32 @!p0 $0x1;
	_ =	shalt  }
.Lfunc_end2:
_tile_overlayer_lowered:
.L_overlay_start_2:
0xac: {  	(tag) =	ssettag $0x2  }
0xad: {  	s0 =	rddreg [dreg:$0x0];
	s2 =	stileid.u32  }
0xae: {  	s1 =	rddreg [dreg:$0x1];
	p0 =	sne.s32 s2, $0x0  }
0xaf: {  	s3 =	rddreg [dreg:$0x2];
	[bflag:$0x3] =	sbarrier.arrive $0xFFFF;
	s2 =	simm.s32 @!p0 $0x1C01  }
0xb0: {  	[timem:s3], [sflag:s2] =	dma.local @!p0 [hbm:s0], s1  }
0xb1: {  	s0 =	simm.s32 @!p0 $0x1  }
0xb2: {  	_ =	swait.ge @!p0 [sflag:s0], s1  }
0xb3: {  	s1 =	ssub.s32 @!p0 $0x0, s1;
	[sflag:s0] =	ssyncset.done @!p0 $0x0  }
0xb4: {  	[sflag:s0] =	ssyncadd.s32 @!p0 s1  }
0xb5: {  	[bflag:$0x3] =	sbarrier.arrive $0xFFFF  }
0xb6: {  	_ =	shalt  }

// kernel: kernel.17.cloned.1.call-start
scs
__scs_entry_jumppad:
0x0: {  	(pc) =	sbr.rel $0x88, $3  }
0x1: {  	(tag) =	ssettag $0x0;
	lr =	simm.s32 $0x1  }
0x2: {  	[smem:$0x3F85] =	sst lr;
	_ =	strace $0xD0000000  }
0x3: {  	_ = 	snop  }
0x4: {  	_ = 	snop  }
0x5: {  	_ = 	snop  }
0x6: {  	_ = 	snop  }
0x7: {  	_ = 	snop  }
__scs_overlays_trampoline_lowered:
0x8: {  	[smem:$0x3F94] =	sst s0  }
0x9: {  	[smem:$0x3F95] =	sst s1  }
0xa: {  	[smem:$0x3F96] =	sst s2  }
0xb: {  	[smem:$0x3F97] =	sst s3  }
0xc: {  	[smem:$0x3F98] =	sst s4  }
0xd: {  	[smem:$0x3F99] =	sst s5  }
0xe: {  	[smem:$0x3F9A] =	sst s6  }
0xf: {  	[smem:$0x3F9B] =	sst s7  }
0x10: {  	[smem:$0x3F9C] =	sst s8  }
0x11: {  	[smem:$0x3F9D] =	sst s9;
	s0 =	simm.s32 @!p0 $0x0  }
0x12: {  	s1 =	sld [smem:$0x3F83];
	s0 =	simm.s32 @p0 $0x1  }
0x13: {  	[smem:$0x3F9E] =	sst s0;
	s0 =	simm.s32 @!p1 $0x0  }
0x14: {  	s2 =	sld [smem:$0x3F82];
	s0 =	simm.s32 @p1 $0x1  }
0x15: {  	[smem:$0x3F9F] =	sst s0;
	s0 =	simm.s32 @!p2 $0x0  }
0x16: {  	s3 =	sld [smem:$0x3FDB];
	s0 =	simm.s32 @p2 $0x1  }
0x17: {  	s4 =	simm.s32 $0x1BF5;
	[smem:$0x3FA1] =	sst s0  }
0x18: {  	s0 =	sld [smem:$0x3F84];
	_ =	swait.ge [sflag:s4], $0x0  }
0x19: {  	s7 =	sld [smem:$0x3F85]  }
0x1a: {  	s8 =	sadd.s32 $0xFFFFE003, lr  }
0x1b: {  	s9 =	sadd.s32 $0xFFFFFEF7, lr;
	s5 =	simm.s32 $0xFFFFFFFF;
	p2 =	slt.u32 s8, $0xFFFFF086  }
0x1c: {  	p1 =	slt.u32 s9, $0xF7A;
	s5 =	simm.s32 @!p2 $0x0  }
0x1d: {  	s5 =	simm.s32 @p1 $0x1;
	p0 =	seq.s32 s7, s2  }
0x1e: {  	s7 =	smul.u32 @!p0 $0xF7A, s2;
	p2 =	seq.s32 @!p0 s5, $0x0  }
0x1f: {  	s9 =	smul.u32 $0xF7A, s1;
	s8 =	simm.s32 @!p0 $0x1BF5;
	p2 =	por !p2, p0  }
0x20: {  	[sflag:s8] =	ssyncset.s32 @!p0 $0xFFFFF086;
	s6 =	sadd.s32 @!p0 s3, s7;
	s7 =	simm.s32 @!p0 $0x108  }
0x21: {  	s3 =	sadd.s32 s3, s9;
	s6 =	sadd.s32 @!p0 $0x88, s6;
	s7 =	simm.s32 @p2 $0x1082  }
0x22: {  	[simem:s7], [sflag:s8] =	dma.local @!p0 [hbm:s6], $0xF7A  }
0x23: {  	s9 =	sor.u32 $0xD0000000, s2;
	s6 =	simm.s32 $0x108;
	_ =	swait.ge @!p0 [sflag:s8], $0x0  }
0x24: {  	s3 =	sadd.s32 $0x88, s3;
	s6 =	simm.s32 @!p1 $0x1082;
	[sflag:s4] =	ssyncset.s32 $0xFFFFF086  }
0x25: {  	[simem:s6], [sflag:s4] =	dma.local [hbm:s3], $0xF7A  }
0x26: {  	[smem:$0x3F85] =	sst s1;
	(tag) =	ssettag s2;
	_ =	strace s9  }
0x27: {  	s1 =	sld [smem:$0x3F95]  }
0x28: {  	s2 =	sld [smem:$0x3F96]  }
0x29: {  	s4 =	sld [smem:$0x3F98]  }
0x2a: {  	p0 =	seq.s32 s5, $0x0;
	s5 =	sld [smem:$0x3F99]  }
0x2b: {  	s6 =	sld [smem:$0x3F9A]  }
0x2c: {  	s7 =	sld [smem:$0x3F9B]  }
0x2d: {  	s3 =	simm.s32 $0x108;
	s8 =	sld [smem:$0x3F9C]  }
0x2e: {  	s3 =	simm.s32 @!p0 $0x1082;
	s9 =	sld [smem:$0x3F9D]  }
0x2f: {  	lr =	sadd.s32 s0, s3;
	s0 =	sld [smem:$0x3F94]  }
0x30: {  	s3 =	sld [smem:$0x3F97]  }
0x31: {  	[smem:$0x3FA0] =	sst s10  }
0x32: {  	s10 =	sld [smem:$0x3F9E];
	_ =	sdelay $0x3  }
0x33: {  	p0 =	seq.s32 s10, $0x1;
	s10 =	sld [smem:$0x3FA0];
	_ =	sdelay $0x3  }
0x34: {  	[smem:$0x3FA0] =	sst s10  }
0x35: {  	s10 =	sld [smem:$0x3F9F];
	_ =	sdelay $0x3  }
0x36: {  	p1 =	seq.s32 s10, $0x1;
	s10 =	sld [smem:$0x3FA0];
	_ =	sdelay $0x3  }
0x37: {  	[smem:$0x3FA0] =	sst s10  }
0x38: {  	s10 =	sld [smem:$0x3FA1]  }
0x39: {  	_ = 	snop;
	(pc) =	sbr.ind lr, $3  }
0x3a: {  	_ = 	snop  }
0x3b: {  	_ = 	snop  }
0x3c: {  	p2 =	seq.s32 s10, $0x1;
	s10 =	sld [smem:$0x3FA0]  }
0x3d: {  	_ =	shalt  }
0x3e: {  	_ =	shalt  }
0x3f: {  	_ =	shalt  }
0x40: {  	_ =	shalt  }
0x41: {  	_ =	shalt  }
0x42: {  	_ =	shalt  }
0x43: {  	_ =	shalt  }
0x44: {  	_ =	shalt  }
0x45: {  	_ =	shalt  }
0x46: {  	_ =	shalt  }
0x47: {  	_ =	shalt  }
0x48: {  	_ =	shalt  }
0x49: {  	_ =	shalt  }
0x4a: {  	_ =	shalt  }
0x4b: {  	_ =	shalt  }
0x4c: {  	_ =	shalt  }
0x4d: {  	_ =	shalt  }
0x4e: {  	_ =	shalt  }
0x4f: {  	_ =	shalt  }
0x50: {  	_ =	shalt  }
0x51: {  	_ =	shalt  }
0x52: {  	_ =	shalt  }
0x53: {  	_ =	shalt  }
0x54: {  	_ =	shalt  }
0x55: {  	_ =	shalt  }
0x56: {  	_ =	shalt  }
0x57: {  	_ =	shalt  }
0x58: {  	_ =	shalt  }
0x59: {  	_ =	shalt  }
0x5a: {  	_ =	shalt  }
0x5b: {  	_ =	shalt  }
0x5c: {  	_ =	shalt  }
0x5d: {  	_ =	shalt  }
0x5e: {  	_ =	shalt  }
0x5f: {  	_ =	shalt  }
0x60: {  	_ =	shalt  }
0x61: {  	_ =	shalt  }
0x62: {  	_ =	shalt  }
0x63: {  	_ =	shalt  }
0x64: {  	_ =	shalt  }
0x65: {  	_ =	shalt  }
0x66: {  	_ =	shalt  }
0x67: {  	_ =	shalt  }
0x68: {  	_ =	shalt  }
0x69: {  	_ =	shalt  }
0x6a: {  	_ =	shalt  }
0x6b: {  	_ =	shalt  }
0x6c: {  	_ =	shalt  }
0x6d: {  	_ =	shalt  }
0x6e: {  	_ =	shalt  }
0x6f: {  	_ =	shalt  }
0x70: {  	_ =	shalt  }
0x71: {  	_ =	shalt  }
0x72: {  	_ =	shalt  }
0x73: {  	_ =	shalt  }
0x74: {  	_ =	shalt  }
0x75: {  	_ =	shalt  }
0x76: {  	_ =	shalt  }
0x77: {  	_ =	shalt  }
0x78: {  	_ =	shalt  }
0x79: {  	_ =	shalt  }
0x7a: {  	_ =	shalt  }
0x7b: {  	_ =	shalt  }
0x7c: {  	_ =	shalt  }
0x7d: {  	_ =	shalt  }
0x7e: {  	_ =	shalt  }
0x7f: {  	_ =	shalt  }
0x80: {  	_ =	shalt  }
0x81: {  	_ =	shalt  }
0x82: {  	_ =	shalt  }
0x83: {  	_ =	shalt  }
0x84: {  	_ =	shalt  }
0x85: {  	_ =	shalt  }
0x86: {  	_ =	shalt  }
0x87: {  	_ =	shalt  }
.Lfunc_end0:
.L_simem_size_0:
called_computation.1_lowered:
.L_overlay_start_0:
0x88: {  	s2 =	sld [smem:$0x3FD9]  }
0x89: {  	s3 =	sld [smem:$0x3FFE];
	_ =	sdelay $0x1  }
0x8a: {  	s1 =	srdreg.scid  }
0x8b: {  	s0 =	sand.u32 $0x1, s1  }
0x8c: {  	s16 =	sshll.u32 s0, $0xA;
	s2 =	sadd.s32 s3, s2  }
0x8d: {  	s2 =	sadd.s32 s2, s16  }
0x8e: {  	[smem:$0x3FAC] =	sst s2  }
0x8f: {  	_ = 	snop  }
0x90: {  	(tm) =	ssettm $0x1  }
0x91: {  	s17 =	sld [smem:$0x3FFB];
	_ =	sdelay $0x3  }
0x92: {  	_ =	strace s17  }
0x93: {  	s2 =	sld [smem:$0x3FFC];
	_ =	sdelay $0x3  }
0x94: {  	_ =	strace s2  }
0x95: {  	s2 =	sld [smem:$0x3FFD];
	_ =	sdelay $0x3  }
0x96: {  	_ =	strace s2  }
0x97: {  	_ =	strace $0x8FFFFFFF  }
0x98: {  	s18 =	sld [smem:$0x3FDB];
	_ =	sdelay $0x1  }
0x99: {  	s19 =	simm.s32 $_scs_section_size  }
0x9a: {  	s4 =	simm.s32 $_size__tile_overlayer_lowered;
	s5 =	simm.s32 $_tile_overlayer_lowered  }
0x9b: {  	s22 =	simm.s32 $0x1BFF;
	s21 =	sshll.u32 s5, $0x1;
	s2 =	sadd.s32 s19, s18  }
0x9c: {  	s6 =	simm.s32 $0x0;
	s20 =	sshll.u32 s4, $0x1;
	s4 =	sadd.s32 s21, s2  }
0x9d: {  	[timem:s6], [sflag:s22] =	dma.local [hbm:s4], s20  }
0x9e: {  	_ =	swait.ge [sflag:s22], s20  }
0x9f: {  	s3 =	ssub.s32 $0x0, s20;
	[sflag:s22] =	ssyncset.done $0x0  }
0xa0: {  	[sflag:s22] =	ssyncadd.s32 s3;
	_ =	sdelay $0x1  }
0xa1: {  	s23 =	simm.s32 $0x1B8B  }
0xa2: {  	_ =	swait.ge [sflag:s23], $0x1  }
0xa3: {  	[sflag:s23] =	ssyncset.done $0x0  }
0xa4: {  	s25 =	simm.s32 $0x1B8E;
	s24 =	sld [smem:$0x3FFE];
	[sflag:s23] =	ssyncadd.s32 $0xFFFFFFFF  }
0xa5: {  	s26 =	simm.s32 $execute0_lowered;
	[smem:$0x3FD2] =	sst s25  }
0xa6: {  	s4 =	sshll.u32 s26, $0x1;
	_ =	strace $0x80000049;
	[dreg:$0x1] =	wrdreg $0xFFFFFFFF  }
0xa7: {  	s28 =	simm.s32 $_size_execute0_lowered;
	s2 =	sadd.s32 s2, s4;
	[dreg:$0x0] =	wrdreg $0x0  }
0xa8: {  	s4 =	sshll.u32 s28, $0x1;
	[dreg:$0x2] =	wrdreg s2  }
0xa9: {  	[dreg:$0x3] =	wrdreg s4  }
0xaa: {  	[dreg:$0x4] =	wrdreg $0xC0  }
0xab: {  	_ =	task [dreg:s6], $0x5FFFF  }
0xac: {  	[dreg:$0x1] =	wrdreg $0xFFFFFFFF  }
0xad: {  	[dreg:$0x0] =	wrdreg $0x60  }
0xae: {  	[dreg:$0x2] =	wrdreg s24  }
0xaf: {  	[dreg:$0x3] =	wrdreg $0x0  }
0xb0: {  	[dreg:$0x4] =	wrdreg $0x9  }
0xb1: {  	_ =	task.clear_ibuf [dreg:s6], $0x5FFFF;
	_ =	strace $0x90000049  }
0xb2: {  	s29 =	simm.s32 $0x9;
	_ =	strace $0x8000004B  }
0xb3: {  	_ =	swait.ge [sflag:s29], $0x1  }
0xb4: {  	[sflag:s29] =	ssyncadd.s32 $0xFFFFFFFF  }
0xb5: {  	_ =	strace $0x9000004B  }
0xb6: {  	_ =	sfence  }
0xb7: {  	s30 =	sld [smem:$0x0];
	_ =	sdelay $0x2  }
0xb8: {  	s31 =	sshll.u32 s1, $0xD;
	s1 =	sshrl.u32 s1, $0x2  }
0xb9: {  	s3 =	sand.u32 $0x4000, s31;
	s1 =	sadd.s32 s1, s30  }
0xba: {  	s0 =	sor.u32 s3, s0;
	s1 =	sshll.u32 s1, $0x11  }
0xbb: {  	s0 =	sor.u32 s1, s0  }
0xbc: {  	s0 =	sadd.s32 $0x8F2B, s0  }
0xbd: {  	[sflag:s0] =	ssyncadd.remote.s32 $0x1  }
0xbe: {  	_ =	sfence.sel $0xFFFF  }
0xbf: {  	[dreg:$0x0] =	wrdreg $0xFFFFFFFF;
	(pc) =	sbr.abs _section_cstart, $3  }
0xc0: {  	[dreg:$0x1] =	wrdreg $0xFFFFFFFF  }
0xc1: {  	_ =	task.clear_ibuf [dreg:s6], $0x2FFFF;
	_ =	strace $0x9FFFFFFF  }
0xc2: {  	(tm) =	ssettm $0x7FFFFFFF  }
0xc3: {  	_ =	shalt  }
tec
execute0_lowered:
.L_overlay_start_1:
0x0: {  	(tag) =	ssettag $0x1  }
0x1: {  	s0 =	rddreg [dreg:$0x0]  }
0x2: {  	s2 =	rddreg [dreg:$0x1];
	s3 =	simm.s32 $0x0  }
0x3: {  	s1 =	srdreg.scid;
	s9 =	stileid.u32;
	s28 =	simm.s32 $0x1  }
0x4: {  	s29 =	simm.s32 $0x3;
	s30 =	simm.s32 $0x2;
	s31 =	simm.s32 $0x4  }
0x5: {  	[smem:$0x7FF] =	sst s3;
	s1 =	sand.u32 $0x1, s1;
	s5 =	smul.u32 $0x186A0, s9  }
0x6: {  	s4 =	sadd.s32 $0xB5E00, s0;
	s18 =	sadd.s32 $0xFC00, s0;
	s17 =	sadd.s32 $0x5E00, s0  }
0x7: {  	s8 =	sadd.s32 $0x19A00, s0;
	s22 =	smul.u32 $0x2710, s9;
	_ =	strace $0x8000004A  }
0x8: {  	s6 =	smul.u32 $0x186A00, s1;
	s7 =	sshll.u32 s1, $0x4;
	[dreg:$0x3] =	wrdreg s8  }
0x9: {  	s19 =	ssub.s32 $0x2, s1;
	s1 =	smul.u32 $0x27100, s1;
	s7 =	sor.u32 s9, s7  }
0xa: {  	s20 =	sshrl.u32 s19, $0x1;
	s6 =	sadd.s32 s5, s6;
	s7 =	smul.u32 $0x2710, s7  }
0xb: {  	s5 =	sadd.s32 s5, s2;
	s1 =	sadd.s32 s22, s1;
	s22 =	simm.s32 $0x50  }
0xc: {  	s6 =	sshrl.u32 s6, $0x3;
	[dreg:$0x6] =	wrdreg s5;
	s25 =	sadd.s32 $0x140, s1  }
0xd: {  	s1 =	sadd.s32 $0xF0, s1;
	s0 =	sadd.s32 s6, s0;
	s12 =	sshrl.u32 s7, $0x3  }
0xe: {  	s6 =	ssub.s32 s19, s20;
	s26 =	sshrl.u32 s1, $0x3;
	s19 =	simm.s32 $0x186A0  }
0xf: {  	s20 =	simm.s32 $0x5;
	s7 =	sadd.s32 s18, s12;
	s21 =	sadd.s32 s17, s12  }
0x10: {  	s9 =	sadd.s32 $0xE6C00, s0;
	s10 =	smax.u32 s6, $0x1;
	s23 =	sadd.s32 $0xA, s12  }
0x11: {  	s24 =	sadd.s32 $0x14, s12;
	s0 =	sshrl.u32 s25, $0x3;
	[dreg:$0x4] =	wrdreg s7  }
0x12: {  	s25 =	simm.s32 $0x18790;
	[dreg:$0x5] =	wrdreg s21;
	s11 =	sadd.s32 s18, s23  }
0x13: {  	s12 =	sadd.s32 s17, s23;
	s13 =	sadd.s32 s18, s24;
	s14 =	sadd.s32 s17, s24  }
0x14: {  	s15 =	sadd.s32 s0, s17;
	s16 =	sadd.s32 s0, s18;
	s17 =	sadd.s32 s26, s17  }
0x15: {  	s18 =	sadd.s32 s26, s18;
	s21 =	simm.s32 $0x18740;
	s23 =	simm.s32 $0x187E0  }
0x16: {  	s24 =	simm.s32 $0x186F0;
	s26 =	simm.s32 $0x1B9E0;
	s0 =	simm.s32 $0x0  }
.LBB2_1:
0x17: {  	s1 =	rddreg [dreg:$0x4]  }
0x18: {  	[tilespmem:s19], [sflag:$0x5] =	stream.linear.gather [hbm4b:s1+s3], $0x50, $0x38;
	[tilespmem:$0x1EBE0] =	vst v63  }
0x19: {  	_ =	swait.ge [sflag:s20], $0x50  }
0x1a: {  	[sflag:s20] =	ssyncset.done $0x0  }
0x1b: {  	s6 =	stileid.u32;
	s5 =	rddreg [dreg:$0x5];
	[sflag:s20] =	ssyncadd.s32 $0xFFFFFFB0  }
0x1c: {  	[tilespmem:s21], [sflag:$0x5] =	stream.linear.gather [hbm4b:s5+s3], $0x50, $0x38;
	[tilespmem:$0x1EBE0] =	vst v63  }
0x1d: {  	s1 =	sshll.u32 s6, $0x6;
	_ =	swait.ge [sflag:s20], $0x50  }
0x1e: {  	s1 =	sor.u32 $0x1C05, s1;
	[sflag:s20] =	ssyncset.done $0x0;
	s5 =	rddreg [dreg:$0x6]  }
0x1f: {  	s6 =	rddreg [dreg:$0x3];
	[sflag:s20] =	ssyncadd.s32 $0xFFFFFFB0;
	s5 =	sshrl.u32 s5, $0x3  }
0x20: {  	[tilespmem:s23], [sflag:$0x1] =	stream.indirect.gather [hbm4b:s4+s22], $0xA0, s19, s22, $0xb8;
	[tilespmem:$0x1EBE0] =	vst v63  }
0x21: {  	[spmem:s5], [sflag:s1] =	dma.local [hbm:s6], $0x30D4  }
0x22: {  	_ =	swait.ge [sflag:s20], $0x30D4  }
0x23: {  	[sflag:s20] =	ssyncset.done $0x0  }
0x24: {  	[sflag:s20] =	ssyncadd.s32 $0xFFFFCF2C  }
0x25: {  	[bflag:$0x0] =	sbarrier.arrive $0xFFFF  }
0x26: {  	[tilespmem:s24], [sflag:$0x5] =	stream.linear.gather [hbm4b:s11+s3], $0x50, $0x38;
	[tilespmem:$0x1EBE0] =	vst v63  }
0x27: {  	_ =	swait.ge [sflag:s20], $0x50  }
0x28: {  	[sflag:s20] =	ssyncset.done $0x0  }
0x29: {  	[sflag:s20] =	ssyncadd.s32 $0xFFFFFFB0  }
0x2a: {  	[tilespmem:s25], [sflag:$0x5] =	stream.linear.gather [hbm4b:s12+s3], $0x50, $0x38;
	[tilespmem:$0x1EBE0] =	vst v63  }
0x2b: {  	_ =	swait.ge [sflag:s20], $0x50  }
0x2c: {  	[sflag:s20] =	ssyncset.done $0x0  }
0x2d: {  	[sflag:s20] =	ssyncadd.s32 $0xFFFFFFB0  }
0x2e: {  	[tilespmem:s26], [sflag:$0x2] =	stream.indirect.gather [hbm4b:s4+s22], $0xA0, s24, s22, $0xb8;
	[tilespmem:$0x1EBE0] =	vst v63  }
0x2f: {  	_ =	swait.ge [sflag:s28], $0x3200  }
0x30: {  	[sflag:s28] =	ssyncset.done $0x0  }
0x31: {  	[sflag:s28] =	ssyncadd.s32 $0xFFFFCE00  }
0x32: {  	[spmem:s2] =	stream.indirect.scatter.add.f32 [tilespmem:s23], [sflag:$0x3], $0xA0, s21, s22, $0xb8;
	[tilespmem:$0x1EBE0] =	vst v63  }
0x33: {  	_ =	swait.ge [sflag:s29], $0x3200  }
0x34: {  	[sflag:s29] =	ssyncset.done $0x0  }
0x35: {  	[sflag:s29] =	ssyncadd.s32 $0xFFFFCE00  }
0x36: {  	[tilespmem:s19], [sflag:$0x5] =	stream.linear.gather [hbm4b:s13+s3], $0x50, $0x38;
	[tilespmem:$0x1EBE0] =	vst v63  }
0x37: {  	_ =	swait.ge [sflag:s20], $0x50  }
0x38: {  	[sflag:s20] =	ssyncset.done $0x0  }
0x39: {  	[sflag:s20] =	ssyncadd.s32 $0xFFFFFFB0  }
0x3a: {  	[tilespmem:s21], [sflag:$0x5] =	stream.linear.gather [hbm4b:s14+s3], $0x50, $0x38;
	[tilespmem:$0x1EBE0] =	vst v63  }
0x3b: {  	_ =	swait.ge [sflag:s20], $0x50  }
0x3c: {  	[sflag:s20] =	ssyncset.done $0x0  }
0x3d: {  	[sflag:s20] =	ssyncadd.s32 $0xFFFFFFB0  }
0x3e: {  	[tilespmem:s23], [sflag:$0x1] =	stream.indirect.gather [hbm4b:s4+s22], $0xA0, s19, s22, $0xb8;
	[tilespmem:$0x1EBE0] =	vst v63  }
0x3f: {  	_ =	swait.ge [sflag:s30], $0x3200  }
0x40: {  	[sflag:s30] =	ssyncset.done $0x0  }
0x41: {  	[sflag:s30] =	ssyncadd.s32 $0xFFFFCE00  }
0x42: {  	[spmem:s2] =	stream.indirect.scatter.add.f32 [tilespmem:s26], [sflag:$0x4], $0xA0, s25, s22, $0xb8;
	[tilespmem:$0x1EBE0] =	vst v63  }
0x43: {  	_ =	swait.ge [sflag:s31], $0x3200  }
0x44: {  	[sflag:s31] =	ssyncset.done $0x0  }
0x45: {  	s7 =	sadd.s32 $0x0, s18;
	[sflag:s31] =	ssyncadd.s32 $0xFFFFCE00  }
0x46: {  	[tilespmem:s24], [sflag:$0x5] =	stream.linear.gather [hbm4b:s7+s3], $0x50, $0x38;
	[tilespmem:$0x1EBE0] =	vst v63  }
0x47: {  	_ =	swait.ge [sflag:s20], $0x50  }
0x48: {  	[sflag:s20] =	ssyncset.done $0x0  }
0x49: {  	s8 =	sadd.s32 $0x0, s17;
	[sflag:s20] =	ssyncadd.s32 $0xFFFFFFB0  }
0x4a: {  	[tilespmem:s25], [sflag:$0x5] =	stream.linear.gather [hbm4b:s8+s3], $0x50, $0x38;
	[tilespmem:$0x1EBE0] =	vst v63  }
0x4b: {  	_ =	swait.ge [sflag:s20], $0x50  }
0x4c: {  	[sflag:s20] =	ssyncset.done $0x0  }
0x4d: {  	[sflag:s20] =	ssyncadd.s32 $0xFFFFFFB0  }
0x4e: {  	[tilespmem:s26], [sflag:$0x2] =	stream.indirect.gather [hbm4b:s4+s22], $0xA0, s24, s22, $0xb8;
	[tilespmem:$0x1EBE0] =	vst v63  }
0x4f: {  	_ =	swait.ge [sflag:s28], $0x3200  }
0x50: {  	[sflag:s28] =	ssyncset.done $0x0  }
0x51: {  	[sflag:s28] =	ssyncadd.s32 $0xFFFFCE00  }
0x52: {  	[spmem:s2] =	stream.indirect.scatter.add.f32 [tilespmem:s23], [sflag:$0x3], $0xA0, s21, s22, $0xb8;
	[tilespmem:$0x1EBE0] =	vst v63  }
0x53: {  	_ =	swait.ge [sflag:s29], $0x3200  }
0x54: {  	[sflag:s29] =	ssyncset.done $0x0  }
0x55: {  	s7 =	sadd.s32 $0x0, s16;
	[sflag:s29] =	ssyncadd.s32 $0xFFFFCE00  }
0x56: {  	[tilespmem:s19], [sflag:$0x5] =	stream.linear.gather [hbm4b:s7+s3], $0x50, $0x38;
	[tilespmem:$0x1EBE0] =	vst v63  }
0x57: {  	_ =	swait.ge [sflag:s20], $0x50  }
0x58: {  	[sflag:s20] =	ssyncset.done $0x0  }
0x59: {  	s8 =	sadd.s32 $0x0, s15;
	[sflag:s20] =	ssyncadd.s32 $0xFFFFFFB0  }
0x5a: {  	[tilespmem:s21], [sflag:$0x5] =	stream.linear.gather [hbm4b:s8+s3], $0x50, $0x38;
	[tilespmem:$0x1EBE0] =	vst v63  }
0x5b: {  	_ =	swait.ge [sflag:s20], $0x50  }
0x5c: {  	[sflag:s20] =	ssyncset.done $0x0  }
0x5d: {  	[sflag:s20] =	ssyncadd.s32 $0xFFFFFFB0  }
0x5e: {  	[tilespmem:s23], [sflag:$0x1] =	stream.indirect.gather [hbm4b:s4+s22], $0xA0, s19, s22, $0xb8;
	[tilespmem:$0x1EBE0] =	vst v63  }
0x5f: {  	_ =	swait.ge [sflag:s30], $0x3200  }
0x60: {  	[sflag:s30] =	ssyncset.done $0x0  }
0x61: {  	s6 =	simm.s32 $0x14;
	[sflag:s30] =	ssyncadd.s32 $0xFFFFCE00  }
.LBB2_2:
0x62: {  	[spmem:s2] =	stream.indirect.scatter.add.f32 [tilespmem:s26], [sflag:$0x4], $0xA0, s25, s22, $0xb8;
	[tilespmem:$0x1EBE0] =	vst v63  }
0x63: {  	s7 =	smov.u32 s6  }
0x64: {  	p0 =	sne.s32 s6, $0x4B0;
	s6 =	sadd.s32 $0x14, s6;
	_ =	swait.ge [sflag:s31], $0x3200  }
0x65: {  	[sflag:s31] =	ssyncset.done $0x0  }
0x66: {  	s8 =	sadd.s32 s7, s18;
	[sflag:s31] =	ssyncadd.s32 $0xFFFFCE00  }
0x67: {  	[tilespmem:s24], [sflag:$0x5] =	stream.linear.gather [hbm4b:s8+s3], $0x50, $0x38;
	[tilespmem:$0x1EBE0] =	vst v63  }
0x68: {  	_ =	swait.ge [sflag:s20], $0x50  }
0x69: {  	[sflag:s20] =	ssyncset.done $0x0  }
0x6a: {  	s8 =	sadd.s32 s7, s17;
	[sflag:s20] =	ssyncadd.s32 $0xFFFFFFB0  }
0x6b: {  	[tilespmem:s25], [sflag:$0x5] =	stream.linear.gather [hbm4b:s8+s3], $0x50, $0x38;
	[tilespmem:$0x1EBE0] =	vst v63  }
0x6c: {  	_ =	swait.ge [sflag:s20], $0x50  }
0x6d: {  	[sflag:s20] =	ssyncset.done $0x0  }
0x6e: {  	[sflag:s20] =	ssyncadd.s32 $0xFFFFFFB0  }
0x6f: {  	[tilespmem:s26], [sflag:$0x2] =	stream.indirect.gather [hbm4b:s4+s22], $0xA0, s24, s22, $0xb8;
	[tilespmem:$0x1EBE0] =	vst v63  }
0x70: {  	_ =	swait.ge [sflag:s28], $0x3200  }
0x71: {  	[sflag:s28] =	ssyncset.done $0x0  }
0x72: {  	[sflag:s28] =	ssyncadd.s32 $0xFFFFCE00  }
0x73: {  	[spmem:s2] =	stream.indirect.scatter.add.f32 [tilespmem:s23], [sflag:$0x3], $0xA0, s21, s22, $0xb8;
	[tilespmem:$0x1EBE0] =	vst v63  }
0x74: {  	_ =	swait.ge [sflag:s29], $0x3200  }
0x75: {  	[sflag:s29] =	ssyncset.done $0x0  }
0x76: {  	s8 =	sadd.s32 s7, s16;
	[sflag:s29] =	ssyncadd.s32 $0xFFFFCE00  }
0x77: {  	[tilespmem:s19], [sflag:$0x5] =	stream.linear.gather [hbm4b:s8+s3], $0x50, $0x38;
	[tilespmem:$0x1EBE0] =	vst v63  }
0x78: {  	_ =	swait.ge [sflag:s20], $0x50  }
0x79: {  	[sflag:s20] =	ssyncset.done $0x0  }
0x7a: {  	s7 =	sadd.s32 s7, s15;
	[sflag:s20] =	ssyncadd.s32 $0xFFFFFFB0  }
0x7b: {  	[tilespmem:s21], [sflag:$0x5] =	stream.linear.gather [hbm4b:s7+s3], $0x50, $0x38;
	[tilespmem:$0x1EBE0] =	vst v63  }
0x7c: {  	_ =	swait.ge [sflag:s20], $0x50  }
0x7d: {  	[sflag:s20] =	ssyncset.done $0x0  }
.Ltmp0:
0x7e: {  	[sflag:s20] =	ssyncadd.s32 $0xFFFFFFB0;
	(pc) =	sbr.rel @p0 .LBB2_2-.Ltmp0, $4  }
0x7f: {  	[tilespmem:s23], [sflag:$0x1] =	stream.indirect.gather [hbm4b:s4+s22], $0xA0, s19, s22, $0xb8;
	[tilespmem:$0x1EBE0] =	vst v63  }
0x80: {  	_ =	swait.ge [sflag:s30], $0x3200  }
0x81: {  	[sflag:s30] =	ssyncset.done $0x0  }
0x82: {  	[sflag:s30] =	ssyncadd.s32 $0xFFFFCE00  }
0x83: {  	[spmem:s2] =	stream.indirect.scatter.add.f32 [tilespmem:s26], [sflag:$0x4], $0xA0, s25, s22, $0xb8;
	[tilespmem:$0x1EBE0] =	vst v63  }
0x84: {  	_ =	swait.ge [sflag:s31], $0x3200  }
0x85: {  	[sflag:s31] =	ssyncset.done $0x0  }
0x86: {  	[sflag:s31] =	ssyncadd.s32 $0xFFFFCE00  }
0x87: {  	_ =	swait.ge [sflag:s28], $0x3200  }
0x88: {  	[sflag:s28] =	ssyncset.done $0x0  }
0x89: {  	[sflag:s28] =	ssyncadd.s32 $0xFFFFCE00  }
0x8a: {  	[spmem:s2] =	stream.indirect.scatter.add.f32 [tilespmem:s23], [sflag:$0x3], $0xA0, s21, s22, $0xb8;
	[tilespmem:$0x1EBE0] =	vst v63  }
0x8b: {  	_ =	swait.ge [sflag:s29], $0x3200  }
0x8c: {  	s0 =	sadd.s32 $0x1, s0;
	[sflag:s29] =	ssyncset.done $0x0  }
0x8d: {  	p0 =	sne.s32 s0, s10;
	[sflag:s29] =	ssyncadd.s32 $0xFFFFCE00  }
.Ltmp1:
0x8e: {  	[bflag:$0x0] =	sbarrier.arrive $0xFFFF;
	(pc) =	sbr.rel @p0 .LBB2_1-.Ltmp1, $4  }
0x8f: {  	[hbm:s9], [sflag:s1] =	dma.local [spmem:s5], $0x30D4  }
0x90: {  	_ =	swait.ge [sflag:s20], $0x30D4  }
0x91: {  	[sflag:s20] =	ssyncset.done $0x0  }
0x92: {  	[sflag:s20] =	ssyncadd.s32 $0xFFFFCF2C  }
0x93: {  	_ =	sfence.sel $0x180000  }
0x94: {  	[bflag:$0x0] =	sbarrier.arrive $0xFFFF  }
0x95: {  	_ =	strace $0x9000004A  }
0x96: {  	s0 =	stileid.u32;
	[bflag:$0x2] =	sbarrier.arrive $0xFFFF  }
0x97: {  	p0 =	sne.s32 s0, $0x0;
	s0 =	rddreg [dreg:$0x2]  }
0x98: {  	s0 =	sadd.s32 @!p0 $0x100000, s0  }
0x99: {  	[sflag:s0] =	ssyncadd.tile.s32 @!p0 $0x1;
	_ =	shalt  }
.Lfunc_end2:
_tile_overlayer_lowered:
.L_overlay_start_2:
0x9a: {  	(tag) =	ssettag $0x2  }
0x9b: {  	s0 =	rddreg [dreg:$0x0];
	s2 =	stileid.u32  }
0x9c: {  	s1 =	rddreg [dreg:$0x1];
	p0 =	sne.s32 s2, $0x0  }
0x9d: {  	s3 =	rddreg [dreg:$0x2];
	[bflag:$0x3] =	sbarrier.arrive $0xFFFF;
	s2 =	simm.s32 @!p0 $0x1C05  }
0x9e: {  	[timem:s3], [sflag:s2] =	dma.local @!p0 [hbm:s0], s1  }
0x9f: {  	s0 =	simm.s32 @!p0 $0x5  }
0xa0: {  	_ =	swait.ge @!p0 [sflag:s0], s1  }
0xa1: {  	s1 =	ssub.s32 @!p0 $0x0, s1;
	[sflag:s0] =	ssyncset.done @!p0 $0x0  }
0xa2: {  	[sflag:s0] =	ssyncadd.s32 @!p0 s1  }
0xa3: {  	[bflag:$0x3] =	sbarrier.arrive $0xFFFF  }
0xa4: {  	_ =	shalt  }

// kernel: kernel.20.cloned.1.call-start
scs
__scs_entry_jumppad:
0x0: {  	(pc) =	sbr.rel $0x88, $3  }
0x1: {  	(tag) =	ssettag $0x0;
	lr =	simm.s32 $0x1  }
0x2: {  	[smem:$0x3F85] =	sst lr;
	_ =	strace $0xD0000000  }
0x3: {  	_ = 	snop  }
0x4: {  	_ = 	snop  }
0x5: {  	_ = 	snop  }
0x6: {  	_ = 	snop  }
0x7: {  	_ = 	snop  }
__scs_overlays_trampoline_lowered:
0x8: {  	[smem:$0x3F94] =	sst s0  }
0x9: {  	[smem:$0x3F95] =	sst s1  }
0xa: {  	[smem:$0x3F96] =	sst s2  }
0xb: {  	[smem:$0x3F97] =	sst s3  }
0xc: {  	[smem:$0x3F98] =	sst s4  }
0xd: {  	[smem:$0x3F99] =	sst s5  }
0xe: {  	[smem:$0x3F9A] =	sst s6  }
0xf: {  	[smem:$0x3F9B] =	sst s7  }
0x10: {  	[smem:$0x3F9C] =	sst s8  }
0x11: {  	[smem:$0x3F9D] =	sst s9;
	s0 =	simm.s32 @!p0 $0x0  }
0x12: {  	s1 =	sld [smem:$0x3F83];
	s0 =	simm.s32 @p0 $0x1  }
0x13: {  	[smem:$0x3F9E] =	sst s0;
	s0 =	simm.s32 @!p1 $0x0  }
0x14: {  	s2 =	sld [smem:$0x3F82];
	s0 =	simm.s32 @p1 $0x1  }
0x15: {  	[smem:$0x3F9F] =	sst s0;
	s0 =	simm.s32 @!p2 $0x0  }
0x16: {  	s3 =	sld [smem:$0x3FDB];
	s0 =	simm.s32 @p2 $0x1  }
0x17: {  	s4 =	simm.s32 $0x1BF5;
	[smem:$0x3FA1] =	sst s0  }
0x18: {  	s0 =	sld [smem:$0x3F84];
	_ =	swait.ge [sflag:s4], $0x0  }
0x19: {  	s7 =	sld [smem:$0x3F85]  }
0x1a: {  	s8 =	sadd.s32 $0xFFFFE003, lr  }
0x1b: {  	s9 =	sadd.s32 $0xFFFFFEF7, lr;
	s5 =	simm.s32 $0xFFFFFFFF;
	p2 =	slt.u32 s8, $0xFFFFF086  }
0x1c: {  	p1 =	slt.u32 s9, $0xF7A;
	s5 =	simm.s32 @!p2 $0x0  }
0x1d: {  	s5 =	simm.s32 @p1 $0x1;
	p0 =	seq.s32 s7, s2  }
0x1e: {  	s7 =	smul.u32 @!p0 $0xF7A, s2;
	p2 =	seq.s32 @!p0 s5, $0x0  }
0x1f: {  	s9 =	smul.u32 $0xF7A, s1;
	s8 =	simm.s32 @!p0 $0x1BF5;
	p2 =	por !p2, p0  }
0x20: {  	[sflag:s8] =	ssyncset.s32 @!p0 $0xFFFFF086;
	s6 =	sadd.s32 @!p0 s3, s7;
	s7 =	simm.s32 @!p0 $0x108  }
0x21: {  	s3 =	sadd.s32 s3, s9;
	s6 =	sadd.s32 @!p0 $0x88, s6;
	s7 =	simm.s32 @p2 $0x1082  }
0x22: {  	[simem:s7], [sflag:s8] =	dma.local @!p0 [hbm:s6], $0xF7A  }
0x23: {  	s9 =	sor.u32 $0xD0000000, s2;
	s6 =	simm.s32 $0x108;
	_ =	swait.ge @!p0 [sflag:s8], $0x0  }
0x24: {  	s3 =	sadd.s32 $0x88, s3;
	s6 =	simm.s32 @!p1 $0x1082;
	[sflag:s4] =	ssyncset.s32 $0xFFFFF086  }
0x25: {  	[simem:s6], [sflag:s4] =	dma.local [hbm:s3], $0xF7A  }
0x26: {  	[smem:$0x3F85] =	sst s1;
	(tag) =	ssettag s2;
	_ =	strace s9  }
0x27: {  	s1 =	sld [smem:$0x3F95]  }
0x28: {  	s2 =	sld [smem:$0x3F96]  }
0x29: {  	s4 =	sld [smem:$0x3F98]  }
0x2a: {  	p0 =	seq.s32 s5, $0x0;
	s5 =	sld [smem:$0x3F99]  }
0x2b: {  	s6 =	sld [smem:$0x3F9A]  }
0x2c: {  	s7 =	sld [smem:$0x3F9B]  }
0x2d: {  	s3 =	simm.s32 $0x108;
	s8 =	sld [smem:$0x3F9C]  }
0x2e: {  	s3 =	simm.s32 @!p0 $0x1082;
	s9 =	sld [smem:$0x3F9D]  }
0x2f: {  	lr =	sadd.s32 s0, s3;
	s0 =	sld [smem:$0x3F94]  }
0x30: {  	s3 =	sld [smem:$0x3F97]  }
0x31: {  	[smem:$0x3FA0] =	sst s10  }
0x32: {  	s10 =	sld [smem:$0x3F9E];
	_ =	sdelay $0x3  }
0x33: {  	p0 =	seq.s32 s10, $0x1;
	s10 =	sld [smem:$0x3FA0];
	_ =	sdelay $0x3  }
0x34: {  	[smem:$0x3FA0] =	sst s10  }
0x35: {  	s10 =	sld [smem:$0x3F9F];
	_ =	sdelay $0x3  }
0x36: {  	p1 =	seq.s32 s10, $0x1;
	s10 =	sld [smem:$0x3FA0];
	_ =	sdelay $0x3  }
0x37: {  	[smem:$0x3FA0] =	sst s10  }
0x38: {  	s10 =	sld [smem:$0x3FA1]  }
0x39: {  	_ = 	snop;
	(pc) =	sbr.ind lr, $3  }
0x3a: {  	_ = 	snop  }
0x3b: {  	_ = 	snop  }
0x3c: {  	p2 =	seq.s32 s10, $0x1;
	s10 =	sld [smem:$0x3FA0]  }
0x3d: {  	_ =	shalt  }
0x3e: {  	_ =	shalt  }
0x3f: {  	_ =	shalt  }
0x40: {  	_ =	shalt  }
0x41: {  	_ =	shalt  }
0x42: {  	_ =	shalt  }
0x43: {  	_ =	shalt  }
0x44: {  	_ =	shalt  }
0x45: {  	_ =	shalt  }
0x46: {  	_ =	shalt  }
0x47: {  	_ =	shalt  }
0x48: {  	_ =	shalt  }
0x49: {  	_ =	shalt  }
0x4a: {  	_ =	shalt  }
0x4b: {  	_ =	shalt  }
0x4c: {  	_ =	shalt  }
0x4d: {  	_ =	shalt  }
0x4e: {  	_ =	shalt  }
0x4f: {  	_ =	shalt  }
0x50: {  	_ =	shalt  }
0x51: {  	_ =	shalt  }
0x52: {  	_ =	shalt  }
0x53: {  	_ =	shalt  }
0x54: {  	_ =	shalt  }
0x55: {  	_ =	shalt  }
0x56: {  	_ =	shalt  }
0x57: {  	_ =	shalt  }
0x58: {  	_ =	shalt  }
0x59: {  	_ =	shalt  }
0x5a: {  	_ =	shalt  }
0x5b: {  	_ =	shalt  }
0x5c: {  	_ =	shalt  }
0x5d: {  	_ =	shalt  }
0x5e: {  	_ =	shalt  }
0x5f: {  	_ =	shalt  }
0x60: {  	_ =	shalt  }
0x61: {  	_ =	shalt  }
0x62: {  	_ =	shalt  }
0x63: {  	_ =	shalt  }
0x64: {  	_ =	shalt  }
0x65: {  	_ =	shalt  }
0x66: {  	_ =	shalt  }
0x67: {  	_ =	shalt  }
0x68: {  	_ =	shalt  }
0x69: {  	_ =	shalt  }
0x6a: {  	_ =	shalt  }
0x6b: {  	_ =	shalt  }
0x6c: {  	_ =	shalt  }
0x6d: {  	_ =	shalt  }
0x6e: {  	_ =	shalt  }
0x6f: {  	_ =	shalt  }
0x70: {  	_ =	shalt  }
0x71: {  	_ =	shalt  }
0x72: {  	_ =	shalt  }
0x73: {  	_ =	shalt  }
0x74: {  	_ =	shalt  }
0x75: {  	_ =	shalt  }
0x76: {  	_ =	shalt  }
0x77: {  	_ =	shalt  }
0x78: {  	_ =	shalt  }
0x79: {  	_ =	shalt  }
0x7a: {  	_ =	shalt  }
0x7b: {  	_ =	shalt  }
0x7c: {  	_ =	shalt  }
0x7d: {  	_ =	shalt  }
0x7e: {  	_ =	shalt  }
0x7f: {  	_ =	shalt  }
0x80: {  	_ =	shalt  }
0x81: {  	_ =	shalt  }
0x82: {  	_ =	shalt  }
0x83: {  	_ =	shalt  }
0x84: {  	_ =	shalt  }
0x85: {  	_ =	shalt  }
0x86: {  	_ =	shalt  }
0x87: {  	_ =	shalt  }
.Lfunc_end0:
.L_simem_size_0:
called_computation.2_lowered:
.L_overlay_start_0:
0x88: {  	s2 =	sld [smem:$0x3FD9]  }
0x89: {  	s3 =	sld [smem:$0x3FFE];
	_ =	sdelay $0x1  }
0x8a: {  	s1 =	srdreg.scid  }
0x8b: {  	s0 =	sand.u32 $0x1, s1  }
0x8c: {  	s16 =	sshll.u32 s0, $0xA;
	s2 =	sadd.s32 s3, s2  }
0x8d: {  	s2 =	sadd.s32 s2, s16  }
0x8e: {  	[smem:$0x3FAC] =	sst s2  }
0x8f: {  	_ = 	snop  }
0x90: {  	(tm) =	ssettm $0x1  }
0x91: {  	s17 =	sld [smem:$0x3FFB];
	_ =	sdelay $0x3  }
0x92: {  	_ =	strace s17  }
0x93: {  	s2 =	sld [smem:$0x3FFC];
	_ =	sdelay $0x3  }
0x94: {  	_ =	strace s2  }
0x95: {  	s2 =	sld [smem:$0x3FFD];
	_ =	sdelay $0x3  }
0x96: {  	_ =	strace s2  }
0x97: {  	_ =	strace $0x8FFFFFFF  }
0x98: {  	s18 =	sld [smem:$0x3FDB];
	_ =	sdelay $0x1  }
0x99: {  	s19 =	simm.s32 $_scs_section_size  }
0x9a: {  	s4 =	simm.s32 $_size__tile_overlayer_lowered;
	s5 =	simm.s32 $_tile_overlayer_lowered  }
0x9b: {  	s22 =	simm.s32 $0x1BFF;
	s21 =	sshll.u32 s5, $0x1;
	s2 =	sadd.s32 s19, s18  }
0x9c: {  	s6 =	simm.s32 $0x0;
	s20 =	sshll.u32 s4, $0x1;
	s4 =	sadd.s32 s21, s2  }
0x9d: {  	[timem:s6], [sflag:s22] =	dma.local [hbm:s4], s20  }
0x9e: {  	_ =	swait.ge [sflag:s22], s20  }
0x9f: {  	s3 =	ssub.s32 $0x0, s20;
	[sflag:s22] =	ssyncset.done $0x0  }
0xa0: {  	[sflag:s22] =	ssyncadd.s32 s3;
	_ =	sdelay $0x1  }
0xa1: {  	s23 =	simm.s32 $0x1B8B  }
0xa2: {  	_ =	swait.ge [sflag:s23], $0x1  }
0xa3: {  	[sflag:s23] =	ssyncset.done $0x0  }
0xa4: {  	s25 =	simm.s32 $0x1B8E;
	s24 =	sld [smem:$0x3FFE];
	[sflag:s23] =	ssyncadd.s32 $0xFFFFFFFF  }
0xa5: {  	s26 =	simm.s32 $execute0_lowered;
	[smem:$0x3FD2] =	sst s25  }
0xa6: {  	s4 =	sshll.u32 s26, $0x1;
	_ =	strace $0x8000004C;
	[dreg:$0x1] =	wrdreg $0xFFFFFFFF  }
0xa7: {  	s28 =	simm.s32 $_size_execute0_lowered;
	s2 =	sadd.s32 s2, s4;
	[dreg:$0x0] =	wrdreg $0x0  }
0xa8: {  	s4 =	sshll.u32 s28, $0x1;
	[dreg:$0x2] =	wrdreg s2  }
0xa9: {  	[dreg:$0x3] =	wrdreg s4  }
0xaa: {  	[dreg:$0x4] =	wrdreg $0xC0  }
0xab: {  	_ =	task [dreg:s6], $0x5FFFF  }
0xac: {  	[dreg:$0x1] =	wrdreg $0xFFFFFFFF  }
0xad: {  	[dreg:$0x0] =	wrdreg $0x60  }
0xae: {  	[dreg:$0x2] =	wrdreg s24  }
0xaf: {  	[dreg:$0x3] =	wrdreg $0x0  }
0xb0: {  	[dreg:$0x4] =	wrdreg $0x9  }
0xb1: {  	_ =	task.clear_ibuf [dreg:s6], $0x5FFFF;
	_ =	strace $0x9000004C  }
0xb2: {  	s29 =	simm.s32 $0x9;
	_ =	strace $0x8000004E  }
0xb3: {  	_ =	swait.ge [sflag:s29], $0x1  }
0xb4: {  	[sflag:s29] =	ssyncadd.s32 $0xFFFFFFFF  }
0xb5: {  	_ =	strace $0x9000004E  }
0xb6: {  	_ =	sfence  }
0xb7: {  	s30 =	sld [smem:$0x0];
	_ =	sdelay $0x2  }
0xb8: {  	s31 =	sshll.u32 s1, $0xD;
	s1 =	sshrl.u32 s1, $0x2  }
0xb9: {  	s3 =	sand.u32 $0x4000, s31;
	s1 =	sadd.s32 s1, s30  }
0xba: {  	s0 =	sor.u32 s3, s0;
	s1 =	sshll.u32 s1, $0x11  }
0xbb: {  	s0 =	sor.u32 s1, s0  }
0xbc: {  	s0 =	sadd.s32 $0x8F2B, s0  }
0xbd: {  	[sflag:s0] =	ssyncadd.remote.s32 $0x1  }
0xbe: {  	_ =	sfence.sel $0xFFFF  }
0xbf: {  	[dreg:$0x0] =	wrdreg $0xFFFFFFFF;
	(pc) =	sbr.abs _section_cstart, $3  }
0xc0: {  	[dreg:$0x1] =	wrdreg $0xFFFFFFFF  }
0xc1: {  	_ =	task.clear_ibuf [dreg:s6], $0x2FFFF;
	_ =	strace $0x9FFFFFFF  }
0xc2: {  	(tm) =	ssettm $0x7FFFFFFF  }
0xc3: {  	_ =	shalt  }
tec
execute0_lowered:
.L_overlay_start_1:
0x0: {  	(tag) =	ssettag $0x1  }
0x1: {  	s0 =	rddreg [dreg:$0x0]  }
0x2: {  	s2 =	rddreg [dreg:$0x1];
	s3 =	simm.s32 $0x0  }
0x3: {  	s1 =	srdreg.scid;
	s9 =	stileid.u32;
	s28 =	simm.s32 $0x1  }
0x4: {  	s29 =	simm.s32 $0x3;
	s30 =	simm.s32 $0x2;
	s31 =	simm.s32 $0x4  }
0x5: {  	[smem:$0x7FF] =	sst s3;
	s1 =	sand.u32 $0x1, s1;
	s5 =	smul.u32 $0x186A0, s9  }
0x6: {  	s4 =	sadd.s32 $0x6AE00, s0;
	s18 =	sadd.s32 $0xFC00, s0;
	s17 =	sadd.s32 $0x5E00, s0  }
0x7: {  	s8 =	sadd.s32 $0x19A00, s0;
	s22 =	smul.u32 $0x2710, s9;
	_ =	strace $0x8000004D  }
0x8: {  	s6 =	smul.u32 $0x186A00, s1;
	s7 =	sshll.u32 s1, $0x4;
	[dreg:$0x3] =	wrdreg s8  }
0x9: {  	s19 =	ssub.s32 $0x2, s1;
	s1 =	smul.u32 $0x27100, s1;
	s7 =	sor.u32 s9, s7  }
0xa: {  	s20 =	sshrl.u32 s19, $0x1;
	s6 =	sadd.s32 s5, s6;
	s7 =	smul.u32 $0x2710, s7  }
0xb: {  	s5 =	sadd.s32 s5, s2;
	s1 =	sadd.s32 s22, s1;
	s22 =	simm.s32 $0x50  }
0xc: {  	s6 =	sshrl.u32 s6, $0x3;
	[dreg:$0x6] =	wrdreg s5;
	s25 =	sadd.s32 $0x140, s1  }
0xd: {  	s1 =	sadd.s32 $0xF0, s1;
	s0 =	sadd.s32 s6, s0;
	s12 =	sshrl.u32 s7, $0x3  }
0xe: {  	s6 =	ssub.s32 s19, s20;
	s26 =	sshrl.u32 s1, $0x3;
	s19 =	simm.s32 $0x186A0  }
0xf: {  	s20 =	simm.s32 $0x5;
	s7 =	sadd.s32 s18, s12;
	s21 =	sadd.s32 s17, s12  }
0x10: {  	s9 =	sadd.s32 $0x9BC00, s0;
	s10 =	smax.u32 s6, $0x1;
	s23 =	sadd.s32 $0xA, s12  }
0x11: {  	s24 =	sadd.s32 $0x14, s12;
	s0 =	sshrl.u32 s25, $0x3;
	[dreg:$0x4] =	wrdreg s7  }
0x12: {  	s25 =	simm.s32 $0x18790;
	[dreg:$0x5] =	wrdreg s21;
	s11 =	sadd.s32 s18, s23  }
0x13: {  	s12 =	sadd.s32 s17, s23;
	s13 =	sadd.s32 s18, s24;
	s14 =	sadd.s32 s17, s24  }
0x14: {  	s15 =	sadd.s32 s0, s17;
	s16 =	sadd.s32 s0, s18;
	s17 =	sadd.s32 s26, s17  }
0x15: {  	s18 =	sadd.s32 s26, s18;
	s21 =	simm.s32 $0x18740;
	s23 =	simm.s32 $0x187E0  }
0x16: {  	s24 =	simm.s32 $0x186F0;
	s26 =	simm.s32 $0x1B9E0;
	s0 =	simm.s32 $0x0  }
.LBB2_1:
0x17: {  	s1 =	rddreg [dreg:$0x4]  }
0x18: {  	[tilespmem:s19], [sflag:$0x5] =	stream.linear.gather [hbm4b:s1+s3], $0x50, $0x38;
	[tilespmem:$0x1EBE0] =	vst v63  }
0x19: {  	_ =	swait.ge [sflag:s20], $0x50  }
0x1a: {  	[sflag:s20] =	ssyncset.done $0x0  }
0x1b: {  	s6 =	stileid.u32;
	s5 =	rddreg [dreg:$0x5];
	[sflag:s20] =	ssyncadd.s32 $0xFFFFFFB0  }
0x1c: {  	[tilespmem:s21], [sflag:$0x5] =	stream.linear.gather [hbm4b:s5+s3], $0x50, $0x38;
	[tilespmem:$0x1EBE0] =	vst v63  }
0x1d: {  	s1 =	sshll.u32 s6, $0x6;
	_ =	swait.ge [sflag:s20], $0x50  }
0x1e: {  	s1 =	sor.u32 $0x1C05, s1;
	[sflag:s20] =	ssyncset.done $0x0;
	s5 =	rddreg [dreg:$0x6]  }
0x1f: {  	s6 =	rddreg [dreg:$0x3];
	[sflag:s20] =	ssyncadd.s32 $0xFFFFFFB0;
	s5 =	sshrl.u32 s5, $0x3  }
0x20: {  	[tilespmem:s23], [sflag:$0x1] =	stream.indirect.gather [hbm4b:s4+s22], $0xA0, s19, s22, $0xb8;
	[tilespmem:$0x1EBE0] =	vst v63  }
0x21: {  	[spmem:s5], [sflag:s1] =	dma.local [hbm:s6], $0x30D4  }
0x22: {  	_ =	swait.ge [sflag:s20], $0x30D4  }
0x23: {  	[sflag:s20] =	ssyncset.done $0x0  }
0x24: {  	[sflag:s20] =	ssyncadd.s32 $0xFFFFCF2C  }
0x25: {  	[bflag:$0x0] =	sbarrier.arrive $0xFFFF  }
0x26: {  	[tilespmem:s24], [sflag:$0x5] =	stream.linear.gather [hbm4b:s11+s3], $0x50, $0x38;
	[tilespmem:$0x1EBE0] =	vst v63  }
0x27: {  	_ =	swait.ge [sflag:s20], $0x50  }
0x28: {  	[sflag:s20] =	ssyncset.done $0x0  }
0x29: {  	[sflag:s20] =	ssyncadd.s32 $0xFFFFFFB0  }
0x2a: {  	[tilespmem:s25], [sflag:$0x5] =	stream.linear.gather [hbm4b:s12+s3], $0x50, $0x38;
	[tilespmem:$0x1EBE0] =	vst v63  }
0x2b: {  	_ =	swait.ge [sflag:s20], $0x50  }
0x2c: {  	[sflag:s20] =	ssyncset.done $0x0  }
0x2d: {  	[sflag:s20] =	ssyncadd.s32 $0xFFFFFFB0  }
0x2e: {  	[tilespmem:s26], [sflag:$0x2] =	stream.indirect.gather [hbm4b:s4+s22], $0xA0, s24, s22, $0xb8;
	[tilespmem:$0x1EBE0] =	vst v63  }
0x2f: {  	_ =	swait.ge [sflag:s28], $0x3200  }
0x30: {  	[sflag:s28] =	ssyncset.done $0x0  }
0x31: {  	[sflag:s28] =	ssyncadd.s32 $0xFFFFCE00  }
0x32: {  	[spmem:s2] =	stream.indirect.scatter.add.f32 [tilespmem:s23], [sflag:$0x3], $0xA0, s21, s22, $0xb8;
	[tilespmem:$0x1EBE0] =	vst v63  }
0x33: {  	_ =	swait.ge [sflag:s29], $0x3200  }
0x34: {  	[sflag:s29] =	ssyncset.done $0x0  }
0x35: {  	[sflag:s29] =	ssyncadd.s32 $0xFFFFCE00  }
0x36: {  	[tilespmem:s19], [sflag:$0x5] =	stream.linear.gather [hbm4b:s13+s3], $0x50, $0x38;
	[tilespmem:$0x1EBE0] =	vst v63  }
0x37: {  	_ =	swait.ge [sflag:s20], $0x50  }
0x38: {  	[sflag:s20] =	ssyncset.done $0x0  }
0x39: {  	[sflag:s20] =	ssyncadd.s32 $0xFFFFFFB0  }
0x3a: {  	[tilespmem:s21], [sflag:$0x5] =	stream.linear.gather [hbm4b:s14+s3], $0x50, $0x38;
	[tilespmem:$0x1EBE0] =	vst v63  }
0x3b: {  	_ =	swait.ge [sflag:s20], $0x50  }
0x3c: {  	[sflag:s20] =	ssyncset.done $0x0  }
0x3d: {  	[sflag:s20] =	ssyncadd.s32 $0xFFFFFFB0  }
0x3e: {  	[tilespmem:s23], [sflag:$0x1] =	stream.indirect.gather [hbm4b:s4+s22], $0xA0, s19, s22, $0xb8;
	[tilespmem:$0x1EBE0] =	vst v63  }
0x3f: {  	_ =	swait.ge [sflag:s30], $0x3200  }
0x40: {  	[sflag:s30] =	ssyncset.done $0x0  }
0x41: {  	[sflag:s30] =	ssyncadd.s32 $0xFFFFCE00  }
0x42: {  	[spmem:s2] =	stream.indirect.scatter.add.f32 [tilespmem:s26], [sflag:$0x4], $0xA0, s25, s22, $0xb8;
	[tilespmem:$0x1EBE0] =	vst v63  }
0x43: {  	_ =	swait.ge [sflag:s31], $0x3200  }
0x44: {  	[sflag:s31] =	ssyncset.done $0x0  }
0x45: {  	s7 =	sadd.s32 $0x0, s18;
	[sflag:s31] =	ssyncadd.s32 $0xFFFFCE00  }
0x46: {  	[tilespmem:s24], [sflag:$0x5] =	stream.linear.gather [hbm4b:s7+s3], $0x50, $0x38;
	[tilespmem:$0x1EBE0] =	vst v63  }
0x47: {  	_ =	swait.ge [sflag:s20], $0x50  }
0x48: {  	[sflag:s20] =	ssyncset.done $0x0  }
0x49: {  	s8 =	sadd.s32 $0x0, s17;
	[sflag:s20] =	ssyncadd.s32 $0xFFFFFFB0  }
0x4a: {  	[tilespmem:s25], [sflag:$0x5] =	stream.linear.gather [hbm4b:s8+s3], $0x50, $0x38;
	[tilespmem:$0x1EBE0] =	vst v63  }
0x4b: {  	_ =	swait.ge [sflag:s20], $0x50  }
0x4c: {  	[sflag:s20] =	ssyncset.done $0x0  }
0x4d: {  	[sflag:s20] =	ssyncadd.s32 $0xFFFFFFB0  }
0x4e: {  	[tilespmem:s26], [sflag:$0x2] =	stream.indirect.gather [hbm4b:s4+s22], $0xA0, s24, s22, $0xb8;
	[tilespmem:$0x1EBE0] =	vst v63  }
0x4f: {  	_ =	swait.ge [sflag:s28], $0x3200  }
0x50: {  	[sflag:s28] =	ssyncset.done $0x0  }
0x51: {  	[sflag:s28] =	ssyncadd.s32 $0xFFFFCE00  }
0x52: {  	[spmem:s2] =	stream.indirect.scatter.add.f32 [tilespmem:s23], [sflag:$0x3], $0xA0, s21, s22, $0xb8;
	[tilespmem:$0x1EBE0] =	vst v63  }
0x53: {  	_ =	swait.ge [sflag:s29], $0x3200  }
0x54: {  	[sflag:s29] =	ssyncset.done $0x0  }
0x55: {  	s7 =	sadd.s32 $0x0, s16;
	[sflag:s29] =	ssyncadd.s32 $0xFFFFCE00  }
0x56: {  	[tilespmem:s19], [sflag:$0x5] =	stream.linear.gather [hbm4b:s7+s3], $0x50, $0x38;
	[tilespmem:$0x1EBE0] =	vst v63  }
0x57: {  	_ =	swait.ge [sflag:s20], $0x50  }
0x58: {  	[sflag:s20] =	ssyncset.done $0x0  }
0x59: {  	s8 =	sadd.s32 $0x0, s15;
	[sflag:s20] =	ssyncadd.s32 $0xFFFFFFB0  }
0x5a: {  	[tilespmem:s21], [sflag:$0x5] =	stream.linear.gather [hbm4b:s8+s3], $0x50, $0x38;
	[tilespmem:$0x1EBE0] =	vst v63  }
0x5b: {  	_ =	swait.ge [sflag:s20], $0x50  }
0x5c: {  	[sflag:s20] =	ssyncset.done $0x0  }
0x5d: {  	[sflag:s20] =	ssyncadd.s32 $0xFFFFFFB0  }
0x5e: {  	[tilespmem:s23], [sflag:$0x1] =	stream.indirect.gather [hbm4b:s4+s22], $0xA0, s19, s22, $0xb8;
	[tilespmem:$0x1EBE0] =	vst v63  }
0x5f: {  	_ =	swait.ge [sflag:s30], $0x3200  }
0x60: {  	[sflag:s30] =	ssyncset.done $0x0  }
0x61: {  	s6 =	simm.s32 $0x14;
	[sflag:s30] =	ssyncadd.s32 $0xFFFFCE00  }
.LBB2_2:
0x62: {  	[spmem:s2] =	stream.indirect.scatter.add.f32 [tilespmem:s26], [sflag:$0x4], $0xA0, s25, s22, $0xb8;
	[tilespmem:$0x1EBE0] =	vst v63  }
0x63: {  	s7 =	smov.u32 s6  }
0x64: {  	p0 =	sne.s32 s6, $0x4B0;
	s6 =	sadd.s32 $0x14, s6;
	_ =	swait.ge [sflag:s31], $0x3200  }
0x65: {  	[sflag:s31] =	ssyncset.done $0x0  }
0x66: {  	s8 =	sadd.s32 s7, s18;
	[sflag:s31] =	ssyncadd.s32 $0xFFFFCE00  }
0x67: {  	[tilespmem:s24], [sflag:$0x5] =	stream.linear.gather [hbm4b:s8+s3], $0x50, $0x38;
	[tilespmem:$0x1EBE0] =	vst v63  }
0x68: {  	_ =	swait.ge [sflag:s20], $0x50  }
0x69: {  	[sflag:s20] =	ssyncset.done $0x0  }
0x6a: {  	s8 =	sadd.s32 s7, s17;
	[sflag:s20] =	ssyncadd.s32 $0xFFFFFFB0  }
0x6b: {  	[tilespmem:s25], [sflag:$0x5] =	stream.linear.gather [hbm4b:s8+s3], $0x50, $0x38;
	[tilespmem:$0x1EBE0] =	vst v63  }
0x6c: {  	_ =	swait.ge [sflag:s20], $0x50  }
0x6d: {  	[sflag:s20] =	ssyncset.done $0x0  }
0x6e: {  	[sflag:s20] =	ssyncadd.s32 $0xFFFFFFB0  }
0x6f: {  	[tilespmem:s26], [sflag:$0x2] =	stream.indirect.gather [hbm4b:s4+s22], $0xA0, s24, s22, $0xb8;
	[tilespmem:$0x1EBE0] =	vst v63  }
0x70: {  	_ =	swait.ge [sflag:s28], $0x3200  }
0x71: {  	[sflag:s28] =	ssyncset.done $0x0  }
0x72: {  	[sflag:s28] =	ssyncadd.s32 $0xFFFFCE00  }
0x73: {  	[spmem:s2] =	stream.indirect.scatter.add.f32 [tilespmem:s23], [sflag:$0x3], $0xA0, s21, s22, $0xb8;
	[tilespmem:$0x1EBE0] =	vst v63  }
0x74: {  	_ =	swait.ge [sflag:s29], $0x3200  }
0x75: {  	[sflag:s29] =	ssyncset.done $0x0  }
0x76: {  	s8 =	sadd.s32 s7, s16;
	[sflag:s29] =	ssyncadd.s32 $0xFFFFCE00  }
0x77: {  	[tilespmem:s19], [sflag:$0x5] =	stream.linear.gather [hbm4b:s8+s3], $0x50, $0x38;
	[tilespmem:$0x1EBE0] =	vst v63  }
0x78: {  	_ =	swait.ge [sflag:s20], $0x50  }
0x79: {  	[sflag:s20] =	ssyncset.done $0x0  }
0x7a: {  	s7 =	sadd.s32 s7, s15;
	[sflag:s20] =	ssyncadd.s32 $0xFFFFFFB0  }
0x7b: {  	[tilespmem:s21], [sflag:$0x5] =	stream.linear.gather [hbm4b:s7+s3], $0x50, $0x38;
	[tilespmem:$0x1EBE0] =	vst v63  }
0x7c: {  	_ =	swait.ge [sflag:s20], $0x50  }
0x7d: {  	[sflag:s20] =	ssyncset.done $0x0  }
.Ltmp0:
0x7e: {  	[sflag:s20] =	ssyncadd.s32 $0xFFFFFFB0;
	(pc) =	sbr.rel @p0 .LBB2_2-.Ltmp0, $4  }
0x7f: {  	[tilespmem:s23], [sflag:$0x1] =	stream.indirect.gather [hbm4b:s4+s22], $0xA0, s19, s22, $0xb8;
	[tilespmem:$0x1EBE0] =	vst v63  }
0x80: {  	_ =	swait.ge [sflag:s30], $0x3200  }
0x81: {  	[sflag:s30] =	ssyncset.done $0x0  }
0x82: {  	[sflag:s30] =	ssyncadd.s32 $0xFFFFCE00  }
0x83: {  	[spmem:s2] =	stream.indirect.scatter.add.f32 [tilespmem:s26], [sflag:$0x4], $0xA0, s25, s22, $0xb8;
	[tilespmem:$0x1EBE0] =	vst v63  }
0x84: {  	_ =	swait.ge [sflag:s31], $0x3200  }
0x85: {  	[sflag:s31] =	ssyncset.done $0x0  }
0x86: {  	[sflag:s31] =	ssyncadd.s32 $0xFFFFCE00  }
0x87: {  	_ =	swait.ge [sflag:s28], $0x3200  }
0x88: {  	[sflag:s28] =	ssyncset.done $0x0  }
0x89: {  	[sflag:s28] =	ssyncadd.s32 $0xFFFFCE00  }
0x8a: {  	[spmem:s2] =	stream.indirect.scatter.add.f32 [tilespmem:s23], [sflag:$0x3], $0xA0, s21, s22, $0xb8;
	[tilespmem:$0x1EBE0] =	vst v63  }
0x8b: {  	_ =	swait.ge [sflag:s29], $0x3200  }
0x8c: {  	s0 =	sadd.s32 $0x1, s0;
	[sflag:s29] =	ssyncset.done $0x0  }
0x8d: {  	p0 =	sne.s32 s0, s10;
	[sflag:s29] =	ssyncadd.s32 $0xFFFFCE00  }
.Ltmp1:
0x8e: {  	[bflag:$0x0] =	sbarrier.arrive $0xFFFF;
	(pc) =	sbr.rel @p0 .LBB2_1-.Ltmp1, $4  }
0x8f: {  	[hbm:s9], [sflag:s1] =	dma.local [spmem:s5], $0x30D4  }
0x90: {  	_ =	swait.ge [sflag:s20], $0x30D4  }
0x91: {  	[sflag:s20] =	ssyncset.done $0x0  }
0x92: {  	[sflag:s20] =	ssyncadd.s32 $0xFFFFCF2C  }
0x93: {  	_ =	sfence.sel $0x180000  }
0x94: {  	[bflag:$0x0] =	sbarrier.arrive $0xFFFF  }
0x95: {  	_ =	strace $0x9000004D  }
0x96: {  	s0 =	stileid.u32;
	[bflag:$0x2] =	sbarrier.arrive $0xFFFF  }
0x97: {  	p0 =	sne.s32 s0, $0x0;
	s0 =	rddreg [dreg:$0x2]  }
0x98: {  	s0 =	sadd.s32 @!p0 $0x100000, s0  }
0x99: {  	[sflag:s0] =	ssyncadd.tile.s32 @!p0 $0x1;
	_ =	shalt  }
.Lfunc_end2:
_tile_overlayer_lowered:
.L_overlay_start_2:
0x9a: {  	(tag) =	ssettag $0x2  }
0x9b: {  	s0 =	rddreg [dreg:$0x0];
	s2 =	stileid.u32  }
0x9c: {  	s1 =	rddreg [dreg:$0x1];
	p0 =	sne.s32 s2, $0x0  }
0x9d: {  	s3 =	rddreg [dreg:$0x2];
	[bflag:$0x3] =	sbarrier.arrive $0xFFFF;
	s2 =	simm.s32 @!p0 $0x1C05  }
0x9e: {  	[timem:s3], [sflag:s2] =	dma.local @!p0 [hbm:s0], s1  }
0x9f: {  	s0 =	simm.s32 @!p0 $0x5  }
0xa0: {  	_ =	swait.ge @!p0 [sflag:s0], s1  }
0xa1: {  	s1 =	ssub.s32 @!p0 $0x0, s1;
	[sflag:s0] =	ssyncset.done @!p0 $0x0  }
0xa2: {  	[sflag:s0] =	ssyncadd.s32 @!p0 s1  }
0xa3: {  	[bflag:$0x3] =	sbarrier.arrive $0xFFFF  }
0xa4: {  	_ =	shalt  }

// kernel: kernel.23.cloned.1.call-start
scs
__scs_entry_jumppad:
0x0: {  	(pc) =	sbr.rel $0x88, $3  }
0x1: {  	(tag) =	ssettag $0x0;
	lr =	simm.s32 $0x1  }
0x2: {  	[smem:$0x3F85] =	sst lr;
	_ =	strace $0xD0000000  }
0x3: {  	_ = 	snop  }
0x4: {  	_ = 	snop  }
0x5: {  	_ = 	snop  }
0x6: {  	_ = 	snop  }
0x7: {  	_ = 	snop  }
__scs_overlays_trampoline_lowered:
0x8: {  	[smem:$0x3F94] =	sst s0  }
0x9: {  	[smem:$0x3F95] =	sst s1  }
0xa: {  	[smem:$0x3F96] =	sst s2  }
0xb: {  	[smem:$0x3F97] =	sst s3  }
0xc: {  	[smem:$0x3F98] =	sst s4  }
0xd: {  	[smem:$0x3F99] =	sst s5  }
0xe: {  	[smem:$0x3F9A] =	sst s6  }
0xf: {  	[smem:$0x3F9B] =	sst s7  }
0x10: {  	[smem:$0x3F9C] =	sst s8  }
0x11: {  	[smem:$0x3F9D] =	sst s9;
	s0 =	simm.s32 @!p0 $0x0  }
0x12: {  	s1 =	sld [smem:$0x3F83];
	s0 =	simm.s32 @p0 $0x1  }
0x13: {  	[smem:$0x3F9E] =	sst s0;
	s0 =	simm.s32 @!p1 $0x0  }
0x14: {  	s2 =	sld [smem:$0x3F82];
	s0 =	simm.s32 @p1 $0x1  }
0x15: {  	[smem:$0x3F9F] =	sst s0;
	s0 =	simm.s32 @!p2 $0x0  }
0x16: {  	s3 =	sld [smem:$0x3FDB];
	s0 =	simm.s32 @p2 $0x1  }
0x17: {  	s4 =	simm.s32 $0x1BF5;
	[smem:$0x3FA1] =	sst s0  }
0x18: {  	s0 =	sld [smem:$0x3F84];
	_ =	swait.ge [sflag:s4], $0x0  }
0x19: {  	s7 =	sld [smem:$0x3F85]  }
0x1a: {  	s8 =	sadd.s32 $0xFFFFE003, lr  }
0x1b: {  	s9 =	sadd.s32 $0xFFFFFEF7, lr;
	s5 =	simm.s32 $0xFFFFFFFF;
	p2 =	slt.u32 s8, $0xFFFFF086  }
0x1c: {  	p1 =	slt.u32 s9, $0xF7A;
	s5 =	simm.s32 @!p2 $0x0  }
0x1d: {  	s5 =	simm.s32 @p1 $0x1;
	p0 =	seq.s32 s7, s2  }
0x1e: {  	s7 =	smul.u32 @!p0 $0xF7A, s2;
	p2 =	seq.s32 @!p0 s5, $0x0  }
0x1f: {  	s9 =	smul.u32 $0xF7A, s1;
	s8 =	simm.s32 @!p0 $0x1BF5;
	p2 =	por !p2, p0  }
0x20: {  	[sflag:s8] =	ssyncset.s32 @!p0 $0xFFFFF086;
	s6 =	sadd.s32 @!p0 s3, s7;
	s7 =	simm.s32 @!p0 $0x108  }
0x21: {  	s3 =	sadd.s32 s3, s9;
	s6 =	sadd.s32 @!p0 $0x88, s6;
	s7 =	simm.s32 @p2 $0x1082  }
0x22: {  	[simem:s7], [sflag:s8] =	dma.local @!p0 [hbm:s6], $0xF7A  }
0x23: {  	s9 =	sor.u32 $0xD0000000, s2;
	s6 =	simm.s32 $0x108;
	_ =	swait.ge @!p0 [sflag:s8], $0x0  }
0x24: {  	s3 =	sadd.s32 $0x88, s3;
	s6 =	simm.s32 @!p1 $0x1082;
	[sflag:s4] =	ssyncset.s32 $0xFFFFF086  }
0x25: {  	[simem:s6], [sflag:s4] =	dma.local [hbm:s3], $0xF7A  }
0x26: {  	[smem:$0x3F85] =	sst s1;
	(tag) =	ssettag s2;
	_ =	strace s9  }
0x27: {  	s1 =	sld [smem:$0x3F95]  }
0x28: {  	s2 =	sld [smem:$0x3F96]  }
0x29: {  	s4 =	sld [smem:$0x3F98]  }
0x2a: {  	p0 =	seq.s32 s5, $0x0;
	s5 =	sld [smem:$0x3F99]  }
0x2b: {  	s6 =	sld [smem:$0x3F9A]  }
0x2c: {  	s7 =	sld [smem:$0x3F9B]  }
0x2d: {  	s3 =	simm.s32 $0x108;
	s8 =	sld [smem:$0x3F9C]  }
0x2e: {  	s3 =	simm.s32 @!p0 $0x1082;
	s9 =	sld [smem:$0x3F9D]  }
0x2f: {  	lr =	sadd.s32 s0, s3;
	s0 =	sld [smem:$0x3F94]  }
0x30: {  	s3 =	sld [smem:$0x3F97]  }
0x31: {  	[smem:$0x3FA0] =	sst s10  }
0x32: {  	s10 =	sld [smem:$0x3F9E];
	_ =	sdelay $0x3  }
0x33: {  	p0 =	seq.s32 s10, $0x1;
	s10 =	sld [smem:$0x3FA0];
	_ =	sdelay $0x3  }
0x34: {  	[smem:$0x3FA0] =	sst s10  }
0x35: {  	s10 =	sld [smem:$0x3F9F];
	_ =	sdelay $0x3  }
0x36: {  	p1 =	seq.s32 s10, $0x1;
	s10 =	sld [smem:$0x3FA0];
	_ =	sdelay $0x3  }
0x37: {  	[smem:$0x3FA0] =	sst s10  }
0x38: {  	s10 =	sld [smem:$0x3FA1]  }
0x39: {  	_ = 	snop;
	(pc) =	sbr.ind lr, $3  }
0x3a: {  	_ = 	snop  }
0x3b: {  	_ = 	snop  }
0x3c: {  	p2 =	seq.s32 s10, $0x1;
	s10 =	sld [smem:$0x3FA0]  }
0x3d: {  	_ =	shalt  }
0x3e: {  	_ =	shalt  }
0x3f: {  	_ =	shalt  }
0x40: {  	_ =	shalt  }
0x41: {  	_ =	shalt  }
0x42: {  	_ =	shalt  }
0x43: {  	_ =	shalt  }
0x44: {  	_ =	shalt  }
0x45: {  	_ =	shalt  }
0x46: {  	_ =	shalt  }
0x47: {  	_ =	shalt  }
0x48: {  	_ =	shalt  }
0x49: {  	_ =	shalt  }
0x4a: {  	_ =	shalt  }
0x4b: {  	_ =	shalt  }
0x4c: {  	_ =	shalt  }
0x4d: {  	_ =	shalt  }
0x4e: {  	_ =	shalt  }
0x4f: {  	_ =	shalt  }
0x50: {  	_ =	shalt  }
0x51: {  	_ =	shalt  }
0x52: {  	_ =	shalt  }
0x53: {  	_ =	shalt  }
0x54: {  	_ =	shalt  }
0x55: {  	_ =	shalt  }
0x56: {  	_ =	shalt  }
0x57: {  	_ =	shalt  }
0x58: {  	_ =	shalt  }
0x59: {  	_ =	shalt  }
0x5a: {  	_ =	shalt  }
0x5b: {  	_ =	shalt  }
0x5c: {  	_ =	shalt  }
0x5d: {  	_ =	shalt  }
0x5e: {  	_ =	shalt  }
0x5f: {  	_ =	shalt  }
0x60: {  	_ =	shalt  }
0x61: {  	_ =	shalt  }
0x62: {  	_ =	shalt  }
0x63: {  	_ =	shalt  }
0x64: {  	_ =	shalt  }
0x65: {  	_ =	shalt  }
0x66: {  	_ =	shalt  }
0x67: {  	_ =	shalt  }
0x68: {  	_ =	shalt  }
0x69: {  	_ =	shalt  }
0x6a: {  	_ =	shalt  }
0x6b: {  	_ =	shalt  }
0x6c: {  	_ =	shalt  }
0x6d: {  	_ =	shalt  }
0x6e: {  	_ =	shalt  }
0x6f: {  	_ =	shalt  }
0x70: {  	_ =	shalt  }
0x71: {  	_ =	shalt  }
0x72: {  	_ =	shalt  }
0x73: {  	_ =	shalt  }
0x74: {  	_ =	shalt  }
0x75: {  	_ =	shalt  }
0x76: {  	_ =	shalt  }
0x77: {  	_ =	shalt  }
0x78: {  	_ =	shalt  }
0x79: {  	_ =	shalt  }
0x7a: {  	_ =	shalt  }
0x7b: {  	_ =	shalt  }
0x7c: {  	_ =	shalt  }
0x7d: {  	_ =	shalt  }
0x7e: {  	_ =	shalt  }
0x7f: {  	_ =	shalt  }
0x80: {  	_ =	shalt  }
0x81: {  	_ =	shalt  }
0x82: {  	_ =	shalt  }
0x83: {  	_ =	shalt  }
0x84: {  	_ =	shalt  }
0x85: {  	_ =	shalt  }
0x86: {  	_ =	shalt  }
0x87: {  	_ =	shalt  }
.Lfunc_end0:
.L_simem_size_0:
called_computation.3_lowered:
.L_overlay_start_0:
0x88: {  	s2 =	sld [smem:$0x3FD9]  }
0x89: {  	s3 =	sld [smem:$0x3FFE];
	_ =	sdelay $0x1  }
0x8a: {  	s1 =	srdreg.scid  }
0x8b: {  	s0 =	sand.u32 $0x1, s1  }
0x8c: {  	s16 =	sshll.u32 s0, $0xA;
	s2 =	sadd.s32 s3, s2  }
0x8d: {  	s2 =	sadd.s32 s2, s16  }
0x8e: {  	[smem:$0x3FAC] =	sst s2  }
0x8f: {  	_ = 	snop  }
0x90: {  	(tm) =	ssettm $0x1  }
0x91: {  	s17 =	sld [smem:$0x3FFB];
	_ =	sdelay $0x3  }
0x92: {  	_ =	strace s17  }
0x93: {  	s2 =	sld [smem:$0x3FFC];
	_ =	sdelay $0x3  }
0x94: {  	_ =	strace s2  }
0x95: {  	s2 =	sld [smem:$0x3FFD];
	_ =	sdelay $0x3  }
0x96: {  	_ =	strace s2  }
0x97: {  	_ =	strace $0x8FFFFFFF  }
0x98: {  	s18 =	sld [smem:$0x3FDB];
	_ =	sdelay $0x1  }
0x99: {  	s19 =	simm.s32 $_scs_section_size  }
0x9a: {  	s4 =	simm.s32 $_size__tile_overlayer_lowered;
	s5 =	simm.s32 $_tile_overlayer_lowered  }
0x9b: {  	s22 =	simm.s32 $0x1BFF;
	s21 =	sshll.u32 s5, $0x1;
	s2 =	sadd.s32 s19, s18  }
0x9c: {  	s6 =	simm.s32 $0x0;
	s20 =	sshll.u32 s4, $0x1;
	s4 =	sadd.s32 s21, s2  }
0x9d: {  	[timem:s6], [sflag:s22] =	dma.local [hbm:s4], s20  }
0x9e: {  	_ =	swait.ge [sflag:s22], s20  }
0x9f: {  	s3 =	ssub.s32 $0x0, s20;
	[sflag:s22] =	ssyncset.done $0x0  }
0xa0: {  	[sflag:s22] =	ssyncadd.s32 s3;
	_ =	sdelay $0x1  }
0xa1: {  	s23 =	simm.s32 $0x1B8B  }
0xa2: {  	_ =	swait.ge [sflag:s23], $0x1  }
0xa3: {  	[sflag:s23] =	ssyncset.done $0x0  }
0xa4: {  	s25 =	simm.s32 $0x1B8E;
	s24 =	sld [smem:$0x3FFE];
	[sflag:s23] =	ssyncadd.s32 $0xFFFFFFFF  }
0xa5: {  	s26 =	simm.s32 $execute0_lowered;
	[smem:$0x3FD2] =	sst s25  }
0xa6: {  	s4 =	sshll.u32 s26, $0x1;
	_ =	strace $0x8000004F;
	[dreg:$0x1] =	wrdreg $0xFFFFFFFF  }
0xa7: {  	s28 =	simm.s32 $_size_execute0_lowered;
	s2 =	sadd.s32 s2, s4;
	[dreg:$0x0] =	wrdreg $0x0  }
0xa8: {  	s4 =	sshll.u32 s28, $0x1;
	[dreg:$0x2] =	wrdreg s2  }
0xa9: {  	[dreg:$0x3] =	wrdreg s4  }
0xaa: {  	[dreg:$0x4] =	wrdreg $0xC0  }
0xab: {  	_ =	task [dreg:s6], $0x5FFFF  }
0xac: {  	[dreg:$0x1] =	wrdreg $0xFFFFFFFF  }
0xad: {  	[dreg:$0x0] =	wrdreg $0x60  }
0xae: {  	[dreg:$0x2] =	wrdreg s24  }
0xaf: {  	[dreg:$0x3] =	wrdreg $0x0  }
0xb0: {  	[dreg:$0x4] =	wrdreg $0x9  }
0xb1: {  	_ =	task.clear_ibuf [dreg:s6], $0x5FFFF;
	_ =	strace $0x9000004F  }
0xb2: {  	s29 =	simm.s32 $0x9;
	_ =	strace $0x80000051  }
0xb3: {  	_ =	swait.ge [sflag:s29], $0x1  }
0xb4: {  	[sflag:s29] =	ssyncadd.s32 $0xFFFFFFFF  }
0xb5: {  	_ =	strace $0x90000051  }
0xb6: {  	_ =	sfence  }
0xb7: {  	s30 =	sld [smem:$0x0];
	_ =	sdelay $0x2  }
0xb8: {  	s31 =	sshll.u32 s1, $0xD;
	s1 =	sshrl.u32 s1, $0x2  }
0xb9: {  	s3 =	sand.u32 $0x4000, s31;
	s1 =	sadd.s32 s1, s30  }
0xba: {  	s0 =	sor.u32 s3, s0;
	s1 =	sshll.u32 s1, $0x11  }
0xbb: {  	s0 =	sor.u32 s1, s0  }
0xbc: {  	s0 =	sadd.s32 $0x8F2B, s0  }
0xbd: {  	[sflag:s0] =	ssyncadd.remote.s32 $0x1  }
0xbe: {  	_ =	sfence.sel $0xFFFF  }
0xbf: {  	[dreg:$0x0] =	wrdreg $0xFFFFFFFF;
	(pc) =	sbr.abs _section_cstart, $3  }
0xc0: {  	[dreg:$0x1] =	wrdreg $0xFFFFFFFF  }
0xc1: {  	_ =	task.clear_ibuf [dreg:s6], $0x2FFFF;
	_ =	strace $0x9FFFFFFF  }
0xc2: {  	(tm) =	ssettm $0x7FFFFFFF  }
0xc3: {  	_ =	shalt  }
tec
execute0_lowered:
.L_overlay_start_1:
0x0: {  	(tag) =	ssettag $0x1  }
0x1: {  	s0 =	rddreg [dreg:$0x0]  }
0x2: {  	s2 =	rddreg [dreg:$0x1];
	s3 =	simm.s32 $0x0  }
0x3: {  	s1 =	srdreg.scid;
	s9 =	stileid.u32;
	s28 =	simm.s32 $0x1  }
0x4: {  	s29 =	simm.s32 $0x3;
	s30 =	simm.s32 $0x2;
	s31 =	simm.s32 $0x4  }
0x5: {  	[smem:$0x7FF] =	sst s3;
	s1 =	sand.u32 $0x1, s1;
	s5 =	smul.u32 $0x186A0, s9  }
0x6: {  	s4 =	sadd.s32 $0xB9000, s0;
	s18 =	sadd.s32 $0xFC00, s0;
	s17 =	sadd.s32 $0x5E00, s0  }
0x7: {  	s8 =	sadd.s32 $0x19A00, s0;
	s22 =	smul.u32 $0x2710, s9;
	_ =	strace $0x80000050  }
0x8: {  	s6 =	smul.u32 $0x186A00, s1;
	s7 =	sshll.u32 s1, $0x4;
	[dreg:$0x3] =	wrdreg s8  }
0x9: {  	s19 =	ssub.s32 $0x2, s1;
	s1 =	smul.u32 $0x27100, s1;
	s7 =	sor.u32 s9, s7  }
0xa: {  	s20 =	sshrl.u32 s19, $0x1;
	s6 =	sadd.s32 s5, s6;
	s7 =	smul.u32 $0x2710, s7  }
0xb: {  	s5 =	sadd.s32 s5, s2;
	s1 =	sadd.s32 s22, s1;
	s22 =	simm.s32 $0x50  }
0xc: {  	s6 =	sshrl.u32 s6, $0x3;
	[dreg:$0x6] =	wrdreg s5;
	s25 =	sadd.s32 $0x140, s1  }
0xd: {  	s1 =	sadd.s32 $0xF0, s1;
	s0 =	sadd.s32 s6, s0;
	s12 =	sshrl.u32 s7, $0x3  }
0xe: {  	s6 =	ssub.s32 s19, s20;
	s26 =	sshrl.u32 s1, $0x3;
	s19 =	simm.s32 $0x186A0  }
0xf: {  	s20 =	simm.s32 $0x5;
	s7 =	sadd.s32 s18, s12;
	s21 =	sadd.s32 s17, s12  }
0x10: {  	s9 =	sadd.s32 $0xE9E00, s0;
	s10 =	smax.u32 s6, $0x1;
	s23 =	sadd.s32 $0xA, s12  }
0x11: {  	s24 =	sadd.s32 $0x14, s12;
	s0 =	sshrl.u32 s25, $0x3;
	[dreg:$0x4] =	wrdreg s7  }
0x12: {  	s25 =	simm.s32 $0x18790;
	[dreg:$0x5] =	wrdreg s21;
	s11 =	sadd.s32 s18, s23  }
0x13: {  	s12 =	sadd.s32 s17, s23;
	s13 =	sadd.s32 s18, s24;
	s14 =	sadd.s32 s17, s24  }
0x14: {  	s15 =	sadd.s32 s0, s17;
	s16 =	sadd.s32 s0, s18;
	s17 =	sadd.s32 s26, s17  }
0x15: {  	s18 =	sadd.s32 s26, s18;
	s21 =	simm.s32 $0x18740;
	s23 =	simm.s32 $0x187E0  }
0x16: {  	s24 =	simm.s32 $0x186F0;
	s26 =	simm.s32 $0x1B9E0;
	s0 =	simm.s32 $0x0  }
.LBB2_1:
0x17: {  	s1 =	rddreg [dreg:$0x4]  }
0x18: {  	[tilespmem:s19], [sflag:$0x5] =	stream.linear.gather [hbm4b:s1+s3], $0x50, $0x38;
	[tilespmem:$0x1EBE0] =	vst v63  }
0x19: {  	_ =	swait.ge [sflag:s20], $0x50  }
0x1a: {  	[sflag:s20] =	ssyncset.done $0x0  }
0x1b: {  	s6 =	stileid.u32;
	s5 =	rddreg [dreg:$0x5];
	[sflag:s20] =	ssyncadd.s32 $0xFFFFFFB0  }
0x1c: {  	[tilespmem:s21], [sflag:$0x5] =	stream.linear.gather [hbm4b:s5+s3], $0x50, $0x38;
	[tilespmem:$0x1EBE0] =	vst v63  }
0x1d: {  	s1 =	sshll.u32 s6, $0x6;
	_ =	swait.ge [sflag:s20], $0x50  }
0x1e: {  	s1 =	sor.u32 $0x1C05, s1;
	[sflag:s20] =	ssyncset.done $0x0;
	s5 =	rddreg [dreg:$0x6]  }
0x1f: {  	s6 =	rddreg [dreg:$0x3];
	[sflag:s20] =	ssyncadd.s32 $0xFFFFFFB0;
	s5 =	sshrl.u32 s5, $0x3  }
0x20: {  	[tilespmem:s23], [sflag:$0x1] =	stream.indirect.gather [hbm4b:s4+s22], $0xA0, s19, s22, $0xb8;
	[tilespmem:$0x1EBE0] =	vst v63  }
0x21: {  	[spmem:s5], [sflag:s1] =	dma.local [hbm:s6], $0x30D4  }
0x22: {  	_ =	swait.ge [sflag:s20], $0x30D4  }
0x23: {  	[sflag:s20] =	ssyncset.done $0x0  }
0x24: {  	[sflag:s20] =	ssyncadd.s32 $0xFFFFCF2C  }
0x25: {  	[bflag:$0x0] =	sbarrier.arrive $0xFFFF  }
0x26: {  	[tilespmem:s24], [sflag:$0x5] =	stream.linear.gather [hbm4b:s11+s3], $0x50, $0x38;
	[tilespmem:$0x1EBE0] =	vst v63  }
0x27: {  	_ =	swait.ge [sflag:s20], $0x50  }
0x28: {  	[sflag:s20] =	ssyncset.done $0x0  }
0x29: {  	[sflag:s20] =	ssyncadd.s32 $0xFFFFFFB0  }
0x2a: {  	[tilespmem:s25], [sflag:$0x5] =	stream.linear.gather [hbm4b:s12+s3], $0x50, $0x38;
	[tilespmem:$0x1EBE0] =	vst v63  }
0x2b: {  	_ =	swait.ge [sflag:s20], $0x50  }
0x2c: {  	[sflag:s20] =	ssyncset.done $0x0  }
0x2d: {  	[sflag:s20] =	ssyncadd.s32 $0xFFFFFFB0  }
0x2e: {  	[tilespmem:s26], [sflag:$0x2] =	stream.indirect.gather [hbm4b:s4+s22], $0xA0, s24, s22, $0xb8;
	[tilespmem:$0x1EBE0] =	vst v63  }
0x2f: {  	_ =	swait.ge [sflag:s28], $0x3200  }
0x30: {  	[sflag:s28] =	ssyncset.done $0x0  }
0x31: {  	[sflag:s28] =	ssyncadd.s32 $0xFFFFCE00  }
0x32: {  	[spmem:s2] =	stream.indirect.scatter.add.f32 [tilespmem:s23], [sflag:$0x3], $0xA0, s21, s22, $0xb8;
	[tilespmem:$0x1EBE0] =	vst v63  }
0x33: {  	_ =	swait.ge [sflag:s29], $0x3200  }
0x34: {  	[sflag:s29] =	ssyncset.done $0x0  }
0x35: {  	[sflag:s29] =	ssyncadd.s32 $0xFFFFCE00  }
0x36: {  	[tilespmem:s19], [sflag:$0x5] =	stream.linear.gather [hbm4b:s13+s3], $0x50, $0x38;
	[tilespmem:$0x1EBE0] =	vst v63  }
0x37: {  	_ =	swait.ge [sflag:s20], $0x50  }
0x38: {  	[sflag:s20] =	ssyncset.done $0x0  }
0x39: {  	[sflag:s20] =	ssyncadd.s32 $0xFFFFFFB0  }
0x3a: {  	[tilespmem:s21], [sflag:$0x5] =	stream.linear.gather [hbm4b:s14+s3], $0x50, $0x38;
	[tilespmem:$0x1EBE0] =	vst v63  }
0x3b: {  	_ =	swait.ge [sflag:s20], $0x50  }
0x3c: {  	[sflag:s20] =	ssyncset.done $0x0  }
0x3d: {  	[sflag:s20] =	ssyncadd.s32 $0xFFFFFFB0  }
0x3e: {  	[tilespmem:s23], [sflag:$0x1] =	stream.indirect.gather [hbm4b:s4+s22], $0xA0, s19, s22, $0xb8;
	[tilespmem:$0x1EBE0] =	vst v63  }
0x3f: {  	_ =	swait.ge [sflag:s30], $0x3200  }
0x40: {  	[sflag:s30] =	ssyncset.done $0x0  }
0x41: {  	[sflag:s30] =	ssyncadd.s32 $0xFFFFCE00  }
0x42: {  	[spmem:s2] =	stream.indirect.scatter.add.f32 [tilespmem:s26], [sflag:$0x4], $0xA0, s25, s22, $0xb8;
	[tilespmem:$0x1EBE0] =	vst v63  }
0x43: {  	_ =	swait.ge [sflag:s31], $0x3200  }
0x44: {  	[sflag:s31] =	ssyncset.done $0x0  }
0x45: {  	s7 =	sadd.s32 $0x0, s18;
	[sflag:s31] =	ssyncadd.s32 $0xFFFFCE00  }
0x46: {  	[tilespmem:s24], [sflag:$0x5] =	stream.linear.gather [hbm4b:s7+s3], $0x50, $0x38;
	[tilespmem:$0x1EBE0] =	vst v63  }
0x47: {  	_ =	swait.ge [sflag:s20], $0x50  }
0x48: {  	[sflag:s20] =	ssyncset.done $0x0  }
0x49: {  	s8 =	sadd.s32 $0x0, s17;
	[sflag:s20] =	ssyncadd.s32 $0xFFFFFFB0  }
0x4a: {  	[tilespmem:s25], [sflag:$0x5] =	stream.linear.gather [hbm4b:s8+s3], $0x50, $0x38;
	[tilespmem:$0x1EBE0] =	vst v63  }
0x4b: {  	_ =	swait.ge [sflag:s20], $0x50  }
0x4c: {  	[sflag:s20] =	ssyncset.done $0x0  }
0x4d: {  	[sflag:s20] =	ssyncadd.s32 $0xFFFFFFB0  }
0x4e: {  	[tilespmem:s26], [sflag:$0x2] =	stream.indirect.gather [hbm4b:s4+s22], $0xA0, s24, s22, $0xb8;
	[tilespmem:$0x1EBE0] =	vst v63  }
0x4f: {  	_ =	swait.ge [sflag:s28], $0x3200  }
0x50: {  	[sflag:s28] =	ssyncset.done $0x0  }
0x51: {  	[sflag:s28] =	ssyncadd.s32 $0xFFFFCE00  }
0x52: {  	[spmem:s2] =	stream.indirect.scatter.add.f32 [tilespmem:s23], [sflag:$0x3], $0xA0, s21, s22, $0xb8;
	[tilespmem:$0x1EBE0] =	vst v63  }
0x53: {  	_ =	swait.ge [sflag:s29], $0x3200  }
0x54: {  	[sflag:s29] =	ssyncset.done $0x0  }
0x55: {  	s7 =	sadd.s32 $0x0, s16;
	[sflag:s29] =	ssyncadd.s32 $0xFFFFCE00  }
0x56: {  	[tilespmem:s19], [sflag:$0x5] =	stream.linear.gather [hbm4b:s7+s3], $0x50, $0x38;
	[tilespmem:$0x1EBE0] =	vst v63  }
0x57: {  	_ =	swait.ge [sflag:s20], $0x50  }
0x58: {  	[sflag:s20] =	ssyncset.done $0x0  }
0x59: {  	s8 =	sadd.s32 $0x0, s15;
	[sflag:s20] =	ssyncadd.s32 $0xFFFFFFB0  }
0x5a: {  	[tilespmem:s21], [sflag:$0x5] =	stream.linear.gather [hbm4b:s8+s3], $0x50, $0x38;
	[tilespmem:$0x1EBE0] =	vst v63  }
0x5b: {  	_ =	swait.ge [sflag:s20], $0x50  }
0x5c: {  	[sflag:s20] =	ssyncset.done $0x0  }
0x5d: {  	[sflag:s20] =	ssyncadd.s32 $0xFFFFFFB0  }
0x5e: {  	[tilespmem:s23], [sflag:$0x1] =	stream.indirect.gather [hbm4b:s4+s22], $0xA0, s19, s22, $0xb8;
	[tilespmem:$0x1EBE0] =	vst v63  }
0x5f: {  	_ =	swait.ge [sflag:s30], $0x3200  }
0x60: {  	[sflag:s30] =	ssyncset.done $0x0  }
0x61: {  	s6 =	simm.s32 $0x14;
	[sflag:s30] =	ssyncadd.s32 $0xFFFFCE00  }
.LBB2_2:
0x62: {  	[spmem:s2] =	stream.indirect.scatter.add.f32 [tilespmem:s26], [sflag:$0x4], $0xA0, s25, s22, $0xb8;
	[tilespmem:$0x1EBE0] =	vst v63  }
0x63: {  	s7 =	smov.u32 s6  }
0x64: {  	p0 =	sne.s32 s6, $0x4B0;
	s6 =	sadd.s32 $0x14, s6;
	_ =	swait.ge [sflag:s31], $0x3200  }
0x65: {  	[sflag:s31] =	ssyncset.done $0x0  }
0x66: {  	s8 =	sadd.s32 s7, s18;
	[sflag:s31] =	ssyncadd.s32 $0xFFFFCE00  }
0x67: {  	[tilespmem:s24], [sflag:$0x5] =	stream.linear.gather [hbm4b:s8+s3], $0x50, $0x38;
	[tilespmem:$0x1EBE0] =	vst v63  }
0x68: {  	_ =	swait.ge [sflag:s20], $0x50  }
0x69: {  	[sflag:s20] =	ssyncset.done $0x0  }
0x6a: {  	s8 =	sadd.s32 s7, s17;
	[sflag:s20] =	ssyncadd.s32 $0xFFFFFFB0  }
0x6b: {  	[tilespmem:s25], [sflag:$0x5] =	stream.linear.gather [hbm4b:s8+s3], $0x50, $0x38;
	[tilespmem:$0x1EBE0] =	vst v63  }
0x6c: {  	_ =	swait.ge [sflag:s20], $0x50  }
0x6d: {  	[sflag:s20] =	ssyncset.done $0x0  }
0x6e: {  	[sflag:s20] =	ssyncadd.s32 $0xFFFFFFB0  }
0x6f: {  	[tilespmem:s26], [sflag:$0x2] =	stream.indirect.gather [hbm4b:s4+s22], $0xA0, s24, s22, $0xb8;
	[tilespmem:$0x1EBE0] =	vst v63  }
0x70: {  	_ =	swait.ge [sflag:s28], $0x3200  }
0x71: {  	[sflag:s28] =	ssyncset.done $0x0  }
0x72: {  	[sflag:s28] =	ssyncadd.s32 $0xFFFFCE00  }
0x73: {  	[spmem:s2] =	stream.indirect.scatter.add.f32 [tilespmem:s23], [sflag:$0x3], $0xA0, s21, s22, $0xb8;
	[tilespmem:$0x1EBE0] =	vst v63  }
0x74: {  	_ =	swait.ge [sflag:s29], $0x3200  }
0x75: {  	[sflag:s29] =	ssyncset.done $0x0  }
0x76: {  	s8 =	sadd.s32 s7, s16;
	[sflag:s29] =	ssyncadd.s32 $0xFFFFCE00  }
0x77: {  	[tilespmem:s19], [sflag:$0x5] =	stream.linear.gather [hbm4b:s8+s3], $0x50, $0x38;
	[tilespmem:$0x1EBE0] =	vst v63  }
0x78: {  	_ =	swait.ge [sflag:s20], $0x50  }
0x79: {  	[sflag:s20] =	ssyncset.done $0x0  }
0x7a: {  	s7 =	sadd.s32 s7, s15;
	[sflag:s20] =	ssyncadd.s32 $0xFFFFFFB0  }
0x7b: {  	[tilespmem:s21], [sflag:$0x5] =	stream.linear.gather [hbm4b:s7+s3], $0x50, $0x38;
	[tilespmem:$0x1EBE0] =	vst v63  }
0x7c: {  	_ =	swait.ge [sflag:s20], $0x50  }
0x7d: {  	[sflag:s20] =	ssyncset.done $0x0  }
.Ltmp0:
0x7e: {  	[sflag:s20] =	ssyncadd.s32 $0xFFFFFFB0;
	(pc) =	sbr.rel @p0 .LBB2_2-.Ltmp0, $4  }
0x7f: {  	[tilespmem:s23], [sflag:$0x1] =	stream.indirect.gather [hbm4b:s4+s22], $0xA0, s19, s22, $0xb8;
	[tilespmem:$0x1EBE0] =	vst v63  }
0x80: {  	_ =	swait.ge [sflag:s30], $0x3200  }
0x81: {  	[sflag:s30] =	ssyncset.done $0x0  }
0x82: {  	[sflag:s30] =	ssyncadd.s32 $0xFFFFCE00  }
0x83: {  	[spmem:s2] =	stream.indirect.scatter.add.f32 [tilespmem:s26], [sflag:$0x4], $0xA0, s25, s22, $0xb8;
	[tilespmem:$0x1EBE0] =	vst v63  }
0x84: {  	_ =	swait.ge [sflag:s31], $0x3200  }
0x85: {  	[sflag:s31] =	ssyncset.done $0x0  }
0x86: {  	[sflag:s31] =	ssyncadd.s32 $0xFFFFCE00  }
0x87: {  	_ =	swait.ge [sflag:s28], $0x3200  }
0x88: {  	[sflag:s28] =	ssyncset.done $0x0  }
0x89: {  	[sflag:s28] =	ssyncadd.s32 $0xFFFFCE00  }
0x8a: {  	[spmem:s2] =	stream.indirect.scatter.add.f32 [tilespmem:s23], [sflag:$0x3], $0xA0, s21, s22, $0xb8;
	[tilespmem:$0x1EBE0] =	vst v63  }
0x8b: {  	_ =	swait.ge [sflag:s29], $0x3200  }
0x8c: {  	s0 =	sadd.s32 $0x1, s0;
	[sflag:s29] =	ssyncset.done $0x0  }
0x8d: {  	p0 =	sne.s32 s0, s10;
	[sflag:s29] =	ssyncadd.s32 $0xFFFFCE00  }
.Ltmp1:
0x8e: {  	[bflag:$0x0] =	sbarrier.arrive $0xFFFF;
	(pc) =	sbr.rel @p0 .LBB2_1-.Ltmp1, $4  }
0x8f: {  	[hbm:s9], [sflag:s1] =	dma.local [spmem:s5], $0x30D4  }
0x90: {  	_ =	swait.ge [sflag:s20], $0x30D4  }
0x91: {  	[sflag:s20] =	ssyncset.done $0x0  }
0x92: {  	[sflag:s20] =	ssyncadd.s32 $0xFFFFCF2C  }
0x93: {  	_ =	sfence.sel $0x180000  }
0x94: {  	[bflag:$0x0] =	sbarrier.arrive $0xFFFF  }
0x95: {  	_ =	strace $0x90000050  }
0x96: {  	s0 =	stileid.u32;
	[bflag:$0x2] =	sbarrier.arrive $0xFFFF  }
0x97: {  	p0 =	sne.s32 s0, $0x0;
	s0 =	rddreg [dreg:$0x2]  }
0x98: {  	s0 =	sadd.s32 @!p0 $0x100000, s0  }
0x99: {  	[sflag:s0] =	ssyncadd.tile.s32 @!p0 $0x1;
	_ =	shalt  }
.Lfunc_end2:
_tile_overlayer_lowered:
.L_overlay_start_2:
0x9a: {  	(tag) =	ssettag $0x2  }
0x9b: {  	s0 =	rddreg [dreg:$0x0];
	s2 =	stileid.u32  }
0x9c: {  	s1 =	rddreg [dreg:$0x1];
	p0 =	sne.s32 s2, $0x0  }
0x9d: {  	s3 =	rddreg [dreg:$0x2];
	[bflag:$0x3] =	sbarrier.arrive $0xFFFF;
	s2 =	simm.s32 @!p0 $0x1C05  }
0x9e: {  	[timem:s3], [sflag:s2] =	dma.local @!p0 [hbm:s0], s1  }
0x9f: {  	s0 =	simm.s32 @!p0 $0x5  }
0xa0: {  	_ =	swait.ge @!p0 [sflag:s0], s1  }
0xa1: {  	s1 =	ssub.s32 @!p0 $0x0, s1;
	[sflag:s0] =	ssyncset.done @!p0 $0x0  }
0xa2: {  	[sflag:s0] =	ssyncadd.s32 @!p0 s1  }
0xa3: {  	[bflag:$0x3] =	sbarrier.arrive $0xFFFF  }
0xa4: {  	_ =	shalt  }

// kernel: kernel.26.cloned.1.call-start
scs
__scs_entry_jumppad:
0x0: {  	(pc) =	sbr.rel $0x88, $3  }
0x1: {  	(tag) =	ssettag $0x0;
	lr =	simm.s32 $0x1  }
0x2: {  	[smem:$0x3F85] =	sst lr;
	_ =	strace $0xD0000000  }
0x3: {  	_ = 	snop  }
0x4: {  	_ = 	snop  }
0x5: {  	_ = 	snop  }
0x6: {  	_ = 	snop  }
0x7: {  	_ = 	snop  }
__scs_overlays_trampoline_lowered:
0x8: {  	[smem:$0x3F94] =	sst s0  }
0x9: {  	[smem:$0x3F95] =	sst s1  }
0xa: {  	[smem:$0x3F96] =	sst s2  }
0xb: {  	[smem:$0x3F97] =	sst s3  }
0xc: {  	[smem:$0x3F98] =	sst s4  }
0xd: {  	[smem:$0x3F99] =	sst s5  }
0xe: {  	[smem:$0x3F9A] =	sst s6  }
0xf: {  	[smem:$0x3F9B] =	sst s7  }
0x10: {  	[smem:$0x3F9C] =	sst s8  }
0x11: {  	[smem:$0x3F9D] =	sst s9;
	s0 =	simm.s32 @!p0 $0x0  }
0x12: {  	s1 =	sld [smem:$0x3F83];
	s0 =	simm.s32 @p0 $0x1  }
0x13: {  	[smem:$0x3F9E] =	sst s0;
	s0 =	simm.s32 @!p1 $0x0  }
0x14: {  	s2 =	sld [smem:$0x3F82];
	s0 =	simm.s32 @p1 $0x1  }
0x15: {  	[smem:$0x3F9F] =	sst s0;
	s0 =	simm.s32 @!p2 $0x0  }
0x16: {  	s3 =	sld [smem:$0x3FDB];
	s0 =	simm.s32 @p2 $0x1  }
0x17: {  	s4 =	simm.s32 $0x1BF5;
	[smem:$0x3FA1] =	sst s0  }
0x18: {  	s0 =	sld [smem:$0x3F84];
	_ =	swait.ge [sflag:s4], $0x0  }
0x19: {  	s7 =	sld [smem:$0x3F85]  }
0x1a: {  	s8 =	sadd.s32 $0xFFFFE003, lr  }
0x1b: {  	s9 =	sadd.s32 $0xFFFFFEF7, lr;
	s5 =	simm.s32 $0xFFFFFFFF;
	p2 =	slt.u32 s8, $0xFFFFF086  }
0x1c: {  	p1 =	slt.u32 s9, $0xF7A;
	s5 =	simm.s32 @!p2 $0x0  }
0x1d: {  	s5 =	simm.s32 @p1 $0x1;
	p0 =	seq.s32 s7, s2  }
0x1e: {  	s7 =	smul.u32 @!p0 $0xF7A, s2;
	p2 =	seq.s32 @!p0 s5, $0x0  }
0x1f: {  	s9 =	smul.u32 $0xF7A, s1;
	s8 =	simm.s32 @!p0 $0x1BF5;
	p2 =	por !p2, p0  }
0x20: {  	[sflag:s8] =	ssyncset.s32 @!p0 $0xFFFFF086;
	s6 =	sadd.s32 @!p0 s3, s7;
	s7 =	simm.s32 @!p0 $0x108  }
0x21: {  	s3 =	sadd.s32 s3, s9;
	s6 =	sadd.s32 @!p0 $0x88, s6;
	s7 =	simm.s32 @p2 $0x1082  }
0x22: {  	[simem:s7], [sflag:s8] =	dma.local @!p0 [hbm:s6], $0xF7A  }
0x23: {  	s9 =	sor.u32 $0xD0000000, s2;
	s6 =	simm.s32 $0x108;
	_ =	swait.ge @!p0 [sflag:s8], $0x0  }
0x24: {  	s3 =	sadd.s32 $0x88, s3;
	s6 =	simm.s32 @!p1 $0x1082;
	[sflag:s4] =	ssyncset.s32 $0xFFFFF086  }
0x25: {  	[simem:s6], [sflag:s4] =	dma.local [hbm:s3], $0xF7A  }
0x26: {  	[smem:$0x3F85] =	sst s1;
	(tag) =	ssettag s2;
	_ =	strace s9  }
0x27: {  	s1 =	sld [smem:$0x3F95]  }
0x28: {  	s2 =	sld [smem:$0x3F96]  }
0x29: {  	s4 =	sld [smem:$0x3F98]  }
0x2a: {  	p0 =	seq.s32 s5, $0x0;
	s5 =	sld [smem:$0x3F99]  }
0x2b: {  	s6 =	sld [smem:$0x3F9A]  }
0x2c: {  	s7 =	sld [smem:$0x3F9B]  }
0x2d: {  	s3 =	simm.s32 $0x108;
	s8 =	sld [smem:$0x3F9C]  }
0x2e: {  	s3 =	simm.s32 @!p0 $0x1082;
	s9 =	sld [smem:$0x3F9D]  }
0x2f: {  	lr =	sadd.s32 s0, s3;
	s0 =	sld [smem:$0x3F94]  }
0x30: {  	s3 =	sld [smem:$0x3F97]  }
0x31: {  	[smem:$0x3FA0] =	sst s10  }
0x32: {  	s10 =	sld [smem:$0x3F9E];
	_ =	sdelay $0x3  }
0x33: {  	p0 =	seq.s32 s10, $0x1;
	s10 =	sld [smem:$0x3FA0];
	_ =	sdelay $0x3  }
0x34: {  	[smem:$0x3FA0] =	sst s10  }
0x35: {  	s10 =	sld [smem:$0x3F9F];
	_ =	sdelay $0x3  }
0x36: {  	p1 =	seq.s32 s10, $0x1;
	s10 =	sld [smem:$0x3FA0];
	_ =	sdelay $0x3  }
0x37: {  	[smem:$0x3FA0] =	sst s10  }
0x38: {  	s10 =	sld [smem:$0x3FA1]  }
0x39: {  	_ = 	snop;
	(pc) =	sbr.ind lr, $3  }
0x3a: {  	_ = 	snop  }
0x3b: {  	_ = 	snop  }
0x3c: {  	p2 =	seq.s32 s10, $0x1;
	s10 =	sld [smem:$0x3FA0]  }
0x3d: {  	_ =	shalt  }
0x3e: {  	_ =	shalt  }
0x3f: {  	_ =	shalt  }
0x40: {  	_ =	shalt  }
0x41: {  	_ =	shalt  }
0x42: {  	_ =	shalt  }
0x43: {  	_ =	shalt  }
0x44: {  	_ =	shalt  }
0x45: {  	_ =	shalt  }
0x46: {  	_ =	shalt  }
0x47: {  	_ =	shalt  }
0x48: {  	_ =	shalt  }
0x49: {  	_ =	shalt  }
0x4a: {  	_ =	shalt  }
0x4b: {  	_ =	shalt  }
0x4c: {  	_ =	shalt  }
0x4d: {  	_ =	shalt  }
0x4e: {  	_ =	shalt  }
0x4f: {  	_ =	shalt  }
0x50: {  	_ =	shalt  }
0x51: {  	_ =	shalt  }
0x52: {  	_ =	shalt  }
0x53: {  	_ =	shalt  }
0x54: {  	_ =	shalt  }
0x55: {  	_ =	shalt  }
0x56: {  	_ =	shalt  }
0x57: {  	_ =	shalt  }
0x58: {  	_ =	shalt  }
0x59: {  	_ =	shalt  }
0x5a: {  	_ =	shalt  }
0x5b: {  	_ =	shalt  }
0x5c: {  	_ =	shalt  }
0x5d: {  	_ =	shalt  }
0x5e: {  	_ =	shalt  }
0x5f: {  	_ =	shalt  }
0x60: {  	_ =	shalt  }
0x61: {  	_ =	shalt  }
0x62: {  	_ =	shalt  }
0x63: {  	_ =	shalt  }
0x64: {  	_ =	shalt  }
0x65: {  	_ =	shalt  }
0x66: {  	_ =	shalt  }
0x67: {  	_ =	shalt  }
0x68: {  	_ =	shalt  }
0x69: {  	_ =	shalt  }
0x6a: {  	_ =	shalt  }
0x6b: {  	_ =	shalt  }
0x6c: {  	_ =	shalt  }
0x6d: {  	_ =	shalt  }
0x6e: {  	_ =	shalt  }
0x6f: {  	_ =	shalt  }
0x70: {  	_ =	shalt  }
0x71: {  	_ =	shalt  }
0x72: {  	_ =	shalt  }
0x73: {  	_ =	shalt  }
0x74: {  	_ =	shalt  }
0x75: {  	_ =	shalt  }
0x76: {  	_ =	shalt  }
0x77: {  	_ =	shalt  }
0x78: {  	_ =	shalt  }
0x79: {  	_ =	shalt  }
0x7a: {  	_ =	shalt  }
0x7b: {  	_ =	shalt  }
0x7c: {  	_ =	shalt  }
0x7d: {  	_ =	shalt  }
0x7e: {  	_ =	shalt  }
0x7f: {  	_ =	shalt  }
0x80: {  	_ =	shalt  }
0x81: {  	_ =	shalt  }
0x82: {  	_ =	shalt  }
0x83: {  	_ =	shalt  }
0x84: {  	_ =	shalt  }
0x85: {  	_ =	shalt  }
0x86: {  	_ =	shalt  }
0x87: {  	_ =	shalt  }
.Lfunc_end0:
.L_simem_size_0:
called_computation.4_lowered:
.L_overlay_start_0:
0x88: {  	s2 =	sld [smem:$0x3FD9]  }
0x89: {  	s3 =	sld [smem:$0x3FFE];
	_ =	sdelay $0x1  }
0x8a: {  	s1 =	srdreg.scid  }
0x8b: {  	s0 =	sand.u32 $0x1, s1  }
0x8c: {  	s16 =	sshll.u32 s0, $0xA;
	s2 =	sadd.s32 s3, s2  }
0x8d: {  	s2 =	sadd.s32 s2, s16  }
0x8e: {  	[smem:$0x3FAC] =	sst s2  }
0x8f: {  	_ = 	snop  }
0x90: {  	(tm) =	ssettm $0x1  }
0x91: {  	s17 =	sld [smem:$0x3FFB];
	_ =	sdelay $0x3  }
0x92: {  	_ =	strace s17  }
0x93: {  	s2 =	sld [smem:$0x3FFC];
	_ =	sdelay $0x3  }
0x94: {  	_ =	strace s2  }
0x95: {  	s2 =	sld [smem:$0x3FFD];
	_ =	sdelay $0x3  }
0x96: {  	_ =	strace s2  }
0x97: {  	_ =	strace $0x8FFFFFFF  }
0x98: {  	s18 =	sld [smem:$0x3FDB];
	_ =	sdelay $0x1  }
0x99: {  	s19 =	simm.s32 $_scs_section_size  }
0x9a: {  	s4 =	simm.s32 $_size__tile_overlayer_lowered;
	s5 =	simm.s32 $_tile_overlayer_lowered  }
0x9b: {  	s22 =	simm.s32 $0x1BFF;
	s21 =	sshll.u32 s5, $0x1;
	s2 =	sadd.s32 s19, s18  }
0x9c: {  	s6 =	simm.s32 $0x0;
	s20 =	sshll.u32 s4, $0x1;
	s4 =	sadd.s32 s21, s2  }
0x9d: {  	[timem:s6], [sflag:s22] =	dma.local [hbm:s4], s20  }
0x9e: {  	_ =	swait.ge [sflag:s22], s20  }
0x9f: {  	s3 =	ssub.s32 $0x0, s20;
	[sflag:s22] =	ssyncset.done $0x0  }
0xa0: {  	[sflag:s22] =	ssyncadd.s32 s3;
	_ =	sdelay $0x1  }
0xa1: {  	s23 =	simm.s32 $0x1B8B  }
0xa2: {  	_ =	swait.ge [sflag:s23], $0x1  }
0xa3: {  	[sflag:s23] =	ssyncset.done $0x0  }
0xa4: {  	s25 =	simm.s32 $0x1B8E;
	s24 =	sld [smem:$0x3FFE];
	[sflag:s23] =	ssyncadd.s32 $0xFFFFFFFF  }
0xa5: {  	s26 =	simm.s32 $execute0_lowered;
	[smem:$0x3FD2] =	sst s25  }
0xa6: {  	s4 =	sshll.u32 s26, $0x1;
	_ =	strace $0x80000052;
	[dreg:$0x1] =	wrdreg $0xFFFFFFFF  }
0xa7: {  	s28 =	simm.s32 $_size_execute0_lowered;
	s2 =	sadd.s32 s2, s4;
	[dreg:$0x0] =	wrdreg $0x0  }
0xa8: {  	s4 =	sshll.u32 s28, $0x1;
	[dreg:$0x2] =	wrdreg s2  }
0xa9: {  	[dreg:$0x3] =	wrdreg s4  }
0xaa: {  	[dreg:$0x4] =	wrdreg $0xC0  }
0xab: {  	_ =	task [dreg:s6], $0x5FFFF  }
0xac: {  	[dreg:$0x1] =	wrdreg $0xFFFFFFFF  }
0xad: {  	[dreg:$0x0] =	wrdreg $0x60  }
0xae: {  	[dreg:$0x2] =	wrdreg s24  }
0xaf: {  	[dreg:$0x3] =	wrdreg $0x0  }
0xb0: {  	[dreg:$0x4] =	wrdreg $0x9  }
0xb1: {  	_ =	task.clear_ibuf [dreg:s6], $0x5FFFF;
	_ =	strace $0x90000052  }
0xb2: {  	s29 =	simm.s32 $0x9;
	_ =	strace $0x80000054  }
0xb3: {  	_ =	swait.ge [sflag:s29], $0x1  }
0xb4: {  	[sflag:s29] =	ssyncadd.s32 $0xFFFFFFFF  }
0xb5: {  	_ =	strace $0x90000054  }
0xb6: {  	_ =	sfence  }
0xb7: {  	s30 =	sld [smem:$0x0];
	_ =	sdelay $0x2  }
0xb8: {  	s31 =	sshll.u32 s1, $0xD;
	s1 =	sshrl.u32 s1, $0x2  }
0xb9: {  	s3 =	sand.u32 $0x4000, s31;
	s1 =	sadd.s32 s1, s30  }
0xba: {  	s0 =	sor.u32 s3, s0;
	s1 =	sshll.u32 s1, $0x11  }
0xbb: {  	s0 =	sor.u32 s1, s0  }
0xbc: {  	s0 =	sadd.s32 $0x8F2B, s0  }
0xbd: {  	[sflag:s0] =	ssyncadd.remote.s32 $0x1  }
0xbe: {  	_ =	sfence.sel $0xFFFF  }
0xbf: {  	[dreg:$0x0] =	wrdreg $0xFFFFFFFF;
	(pc) =	sbr.abs _section_cstart, $3  }
0xc0: {  	[dreg:$0x1] =	wrdreg $0xFFFFFFFF  }
0xc1: {  	_ =	task.clear_ibuf [dreg:s6], $0x2FFFF;
	_ =	strace $0x9FFFFFFF  }
0xc2: {  	(tm) =	ssettm $0x7FFFFFFF  }
0xc3: {  	_ =	shalt  }
tec
execute0_lowered:
.L_overlay_start_1:
0x0: {  	(tag) =	ssettag $0x1  }
0x1: {  	s0 =	rddreg [dreg:$0x0]  }
0x2: {  	s2 =	rddreg [dreg:$0x1];
	s3 =	simm.s32 $0x0  }
0x3: {  	s1 =	srdreg.scid;
	s9 =	stileid.u32;
	s28 =	simm.s32 $0x1  }
0x4: {  	s29 =	simm.s32 $0x3;
	s30 =	simm.s32 $0x2;
	s31 =	simm.s32 $0x4  }
0x5: {  	[smem:$0x7FF] =	sst s3;
	s1 =	sand.u32 $0x1, s1;
	s5 =	smul.u32 $0x186A0, s9  }
0x6: {  	s4 =	sadd.s32 $0xB9000, s0;
	s18 =	sadd.s32 $0xFC00, s0;
	s17 =	sadd.s32 $0x5E00, s0  }
0x7: {  	s8 =	sadd.s32 $0x19A00, s0;
	s22 =	smul.u32 $0x2710, s9;
	_ =	strace $0x80000053  }
0x8: {  	s6 =	smul.u32 $0x186A00, s1;
	s7 =	sshll.u32 s1, $0x4;
	[dreg:$0x3] =	wrdreg s8  }
0x9: {  	s19 =	ssub.s32 $0x2, s1;
	s1 =	smul.u32 $0x27100, s1;
	s7 =	sor.u32 s9, s7  }
0xa: {  	s20 =	sshrl.u32 s19, $0x1;
	s6 =	sadd.s32 s5, s6;
	s7 =	smul.u32 $0x2710, s7  }
0xb: {  	s5 =	sadd.s32 s5, s2;
	s1 =	sadd.s32 s22, s1;
	s22 =	simm.s32 $0x50  }
0xc: {  	s6 =	sshrl.u32 s6, $0x3;
	[dreg:$0x6] =	wrdreg s5;
	s25 =	sadd.s32 $0x140, s1  }
0xd: {  	s1 =	sadd.s32 $0xF0, s1;
	s0 =	sadd.s32 s6, s0;
	s12 =	sshrl.u32 s7, $0x3  }
0xe: {  	s6 =	ssub.s32 s19, s20;
	s26 =	sshrl.u32 s1, $0x3;
	s19 =	simm.s32 $0x186A0  }
0xf: {  	s20 =	simm.s32 $0x5;
	s7 =	sadd.s32 s18, s12;
	s21 =	sadd.s32 s17, s12  }
0x10: {  	s9 =	sadd.s32 $0xE9E00, s0;
	s10 =	smax.u32 s6, $0x1;
	s23 =	sadd.s32 $0xA, s12  }
0x11: {  	s24 =	sadd.s32 $0x14, s12;
	s0 =	sshrl.u32 s25, $0x3;
	[dreg:$0x4] =	wrdreg s7  }
0x12: {  	s25 =	simm.s32 $0x18790;
	[dreg:$0x5] =	wrdreg s21;
	s11 =	sadd.s32 s18, s23  }
0x13: {  	s12 =	sadd.s32 s17, s23;
	s13 =	sadd.s32 s18, s24;
	s14 =	sadd.s32 s17, s24  }
0x14: {  	s15 =	sadd.s32 s0, s17;
	s16 =	sadd.s32 s0, s18;
	s17 =	sadd.s32 s26, s17  }
0x15: {  	s18 =	sadd.s32 s26, s18;
	s21 =	simm.s32 $0x18740;
	s23 =	simm.s32 $0x187E0  }
0x16: {  	s24 =	simm.s32 $0x186F0;
	s26 =	simm.s32 $0x1B9E0;
	s0 =	simm.s32 $0x0  }
.LBB2_1:
0x17: {  	s1 =	rddreg [dreg:$0x4]  }
0x18: {  	[tilespmem:s19], [sflag:$0x5] =	stream.linear.gather [hbm4b:s1+s3], $0x50, $0x38;
	[tilespmem:$0x1EBE0] =	vst v63  }
0x19: {  	_ =	swait.ge [sflag:s20], $0x50  }
0x1a: {  	[sflag:s20] =	ssyncset.done $0x0  }
0x1b: {  	s6 =	stileid.u32;
	s5 =	rddreg [dreg:$0x5];
	[sflag:s20] =	ssyncadd.s32 $0xFFFFFFB0  }
0x1c: {  	[tilespmem:s21], [sflag:$0x5] =	stream.linear.gather [hbm4b:s5+s3], $0x50, $0x38;
	[tilespmem:$0x1EBE0] =	vst v63  }
0x1d: {  	s1 =	sshll.u32 s6, $0x6;
	_ =	swait.ge [sflag:s20], $0x50  }
0x1e: {  	s1 =	sor.u32 $0x1C05, s1;
	[sflag:s20] =	ssyncset.done $0x0;
	s5 =	rddreg [dreg:$0x6]  }
0x1f: {  	s6 =	rddreg [dreg:$0x3];
	[sflag:s20] =	ssyncadd.s32 $0xFFFFFFB0;
	s5 =	sshrl.u32 s5, $0x3  }
0x20: {  	[tilespmem:s23], [sflag:$0x1] =	stream.indirect.gather [hbm4b:s4+s22], $0xA0, s19, s22, $0xb8;
	[tilespmem:$0x1EBE0] =	vst v63  }
0x21: {  	[spmem:s5], [sflag:s1] =	dma.local [hbm:s6], $0x30D4  }
0x22: {  	_ =	swait.ge [sflag:s20], $0x30D4  }
0x23: {  	[sflag:s20] =	ssyncset.done $0x0  }
0x24: {  	[sflag:s20] =	ssyncadd.s32 $0xFFFFCF2C  }
0x25: {  	[bflag:$0x0] =	sbarrier.arrive $0xFFFF  }
0x26: {  	[tilespmem:s24], [sflag:$0x5] =	stream.linear.gather [hbm4b:s11+s3], $0x50, $0x38;
	[tilespmem:$0x1EBE0] =	vst v63  }
0x27: {  	_ =	swait.ge [sflag:s20], $0x50  }
0x28: {  	[sflag:s20] =	ssyncset.done $0x0  }
0x29: {  	[sflag:s20] =	ssyncadd.s32 $0xFFFFFFB0  }
0x2a: {  	[tilespmem:s25], [sflag:$0x5] =	stream.linear.gather [hbm4b:s12+s3], $0x50, $0x38;
	[tilespmem:$0x1EBE0] =	vst v63  }
0x2b: {  	_ =	swait.ge [sflag:s20], $0x50  }
0x2c: {  	[sflag:s20] =	ssyncset.done $0x0  }
0x2d: {  	[sflag:s20] =	ssyncadd.s32 $0xFFFFFFB0  }
0x2e: {  	[tilespmem:s26], [sflag:$0x2] =	stream.indirect.gather [hbm4b:s4+s22], $0xA0, s24, s22, $0xb8;
	[tilespmem:$0x1EBE0] =	vst v63  }
0x2f: {  	_ =	swait.ge [sflag:s28], $0x3200  }
0x30: {  	[sflag:s28] =	ssyncset.done $0x0  }
0x31: {  	[sflag:s28] =	ssyncadd.s32 $0xFFFFCE00  }
0x32: {  	[spmem:s2] =	stream.indirect.scatter.add.f32 [tilespmem:s23], [sflag:$0x3], $0xA0, s21, s22, $0xb8;
	[tilespmem:$0x1EBE0] =	vst v63  }
0x33: {  	_ =	swait.ge [sflag:s29], $0x3200  }
0x34: {  	[sflag:s29] =	ssyncset.done $0x0  }
0x35: {  	[sflag:s29] =	ssyncadd.s32 $0xFFFFCE00  }
0x36: {  	[tilespmem:s19], [sflag:$0x5] =	stream.linear.gather [hbm4b:s13+s3], $0x50, $0x38;
	[tilespmem:$0x1EBE0] =	vst v63  }
0x37: {  	_ =	swait.ge [sflag:s20], $0x50  }
0x38: {  	[sflag:s20] =	ssyncset.done $0x0  }
0x39: {  	[sflag:s20] =	ssyncadd.s32 $0xFFFFFFB0  }
0x3a: {  	[tilespmem:s21], [sflag:$0x5] =	stream.linear.gather [hbm4b:s14+s3], $0x50, $0x38;
	[tilespmem:$0x1EBE0] =	vst v63  }
0x3b: {  	_ =	swait.ge [sflag:s20], $0x50  }
0x3c: {  	[sflag:s20] =	ssyncset.done $0x0  }
0x3d: {  	[sflag:s20] =	ssyncadd.s32 $0xFFFFFFB0  }
0x3e: {  	[tilespmem:s23], [sflag:$0x1] =	stream.indirect.gather [hbm4b:s4+s22], $0xA0, s19, s22, $0xb8;
	[tilespmem:$0x1EBE0] =	vst v63  }
0x3f: {  	_ =	swait.ge [sflag:s30], $0x3200  }
0x40: {  	[sflag:s30] =	ssyncset.done $0x0  }
0x41: {  	[sflag:s30] =	ssyncadd.s32 $0xFFFFCE00  }
0x42: {  	[spmem:s2] =	stream.indirect.scatter.add.f32 [tilespmem:s26], [sflag:$0x4], $0xA0, s25, s22, $0xb8;
	[tilespmem:$0x1EBE0] =	vst v63  }
0x43: {  	_ =	swait.ge [sflag:s31], $0x3200  }
0x44: {  	[sflag:s31] =	ssyncset.done $0x0  }
0x45: {  	s7 =	sadd.s32 $0x0, s18;
	[sflag:s31] =	ssyncadd.s32 $0xFFFFCE00  }
0x46: {  	[tilespmem:s24], [sflag:$0x5] =	stream.linear.gather [hbm4b:s7+s3], $0x50, $0x38;
	[tilespmem:$0x1EBE0] =	vst v63  }
0x47: {  	_ =	swait.ge [sflag:s20], $0x50  }
0x48: {  	[sflag:s20] =	ssyncset.done $0x0  }
0x49: {  	s8 =	sadd.s32 $0x0, s17;
	[sflag:s20] =	ssyncadd.s32 $0xFFFFFFB0  }
0x4a: {  	[tilespmem:s25], [sflag:$0x5] =	stream.linear.gather [hbm4b:s8+s3], $0x50, $0x38;
	[tilespmem:$0x1EBE0] =	vst v63  }
0x4b: {  	_ =	swait.ge [sflag:s20], $0x50  }
0x4c: {  	[sflag:s20] =	ssyncset.done $0x0  }
0x4d: {  	[sflag:s20] =	ssyncadd.s32 $0xFFFFFFB0  }
0x4e: {  	[tilespmem:s26], [sflag:$0x2] =	stream.indirect.gather [hbm4b:s4+s22], $0xA0, s24, s22, $0xb8;
	[tilespmem:$0x1EBE0] =	vst v63  }
0x4f: {  	_ =	swait.ge [sflag:s28], $0x3200  }
0x50: {  	[sflag:s28] =	ssyncset.done $0x0  }
0x51: {  	[sflag:s28] =	ssyncadd.s32 $0xFFFFCE00  }
0x52: {  	[spmem:s2] =	stream.indirect.scatter.add.f32 [tilespmem:s23], [sflag:$0x3], $0xA0, s21, s22, $0xb8;
	[tilespmem:$0x1EBE0] =	vst v63  }
0x53: {  	_ =	swait.ge [sflag:s29], $0x3200  }
0x54: {  	[sflag:s29] =	ssyncset.done $0x0  }
0x55: {  	s7 =	sadd.s32 $0x0, s16;
	[sflag:s29] =	ssyncadd.s32 $0xFFFFCE00  }
0x56: {  	[tilespmem:s19], [sflag:$0x5] =	stream.linear.gather [hbm4b:s7+s3], $0x50, $0x38;
	[tilespmem:$0x1EBE0] =	vst v63  }
0x57: {  	_ =	swait.ge [sflag:s20], $0x50  }
0x58: {  	[sflag:s20] =	ssyncset.done $0x0  }
0x59: {  	s8 =	sadd.s32 $0x0, s15;
	[sflag:s20] =	ssyncadd.s32 $0xFFFFFFB0  }
0x5a: {  	[tilespmem:s21], [sflag:$0x5] =	stream.linear.gather [hbm4b:s8+s3], $0x50, $0x38;
	[tilespmem:$0x1EBE0] =	vst v63  }
0x5b: {  	_ =	swait.ge [sflag:s20], $0x50  }
0x5c: {  	[sflag:s20] =	ssyncset.done $0x0  }
0x5d: {  	[sflag:s20] =	ssyncadd.s32 $0xFFFFFFB0  }
0x5e: {  	[tilespmem:s23], [sflag:$0x1] =	stream.indirect.gather [hbm4b:s4+s22], $0xA0, s19, s22, $0xb8;
	[tilespmem:$0x1EBE0] =	vst v63  }
0x5f: {  	_ =	swait.ge [sflag:s30], $0x3200  }
0x60: {  	[sflag:s30] =	ssyncset.done $0x0  }
0x61: {  	s6 =	simm.s32 $0x14;
	[sflag:s30] =	ssyncadd.s32 $0xFFFFCE00  }
.LBB2_2:
0x62: {  	[spmem:s2] =	stream.indirect.scatter.add.f32 [tilespmem:s26], [sflag:$0x4], $0xA0, s25, s22, $0xb8;
	[tilespmem:$0x1EBE0] =	vst v63  }
0x63: {  	s7 =	smov.u32 s6  }
0x64: {  	p0 =	sne.s32 s6, $0x4B0;
	s6 =	sadd.s32 $0x14, s6;
	_ =	swait.ge [sflag:s31], $0x3200  }
0x65: {  	[sflag:s31] =	ssyncset.done $0x0  }
0x66: {  	s8 =	sadd.s32 s7, s18;
	[sflag:s31] =	ssyncadd.s32 $0xFFFFCE00  }
0x67: {  	[tilespmem:s24], [sflag:$0x5] =	stream.linear.gather [hbm4b:s8+s3], $0x50, $0x38;
	[tilespmem:$0x1EBE0] =	vst v63  }
0x68: {  	_ =	swait.ge [sflag:s20], $0x50  }
0x69: {  	[sflag:s20] =	ssyncset.done $0x0  }
0x6a: {  	s8 =	sadd.s32 s7, s17;
	[sflag:s20] =	ssyncadd.s32 $0xFFFFFFB0  }
0x6b: {  	[tilespmem:s25], [sflag:$0x5] =	stream.linear.gather [hbm4b:s8+s3], $0x50, $0x38;
	[tilespmem:$0x1EBE0] =	vst v63  }
0x6c: {  	_ =	swait.ge [sflag:s20], $0x50  }
0x6d: {  	[sflag:s20] =	ssyncset.done $0x0  }
0x6e: {  	[sflag:s20] =	ssyncadd.s32 $0xFFFFFFB0  }
0x6f: {  	[tilespmem:s26], [sflag:$0x2] =	stream.indirect.gather [hbm4b:s4+s22], $0xA0, s24, s22, $0xb8;
	[tilespmem:$0x1EBE0] =	vst v63  }
0x70: {  	_ =	swait.ge [sflag:s28], $0x3200  }
0x71: {  	[sflag:s28] =	ssyncset.done $0x0  }
0x72: {  	[sflag:s28] =	ssyncadd.s32 $0xFFFFCE00  }
0x73: {  	[spmem:s2] =	stream.indirect.scatter.add.f32 [tilespmem:s23], [sflag:$0x3], $0xA0, s21, s22, $0xb8;
	[tilespmem:$0x1EBE0] =	vst v63  }
0x74: {  	_ =	swait.ge [sflag:s29], $0x3200  }
0x75: {  	[sflag:s29] =	ssyncset.done $0x0  }
0x76: {  	s8 =	sadd.s32 s7, s16;
	[sflag:s29] =	ssyncadd.s32 $0xFFFFCE00  }
0x77: {  	[tilespmem:s19], [sflag:$0x5] =	stream.linear.gather [hbm4b:s8+s3], $0x50, $0x38;
	[tilespmem:$0x1EBE0] =	vst v63  }
0x78: {  	_ =	swait.ge [sflag:s20], $0x50  }
0x79: {  	[sflag:s20] =	ssyncset.done $0x0  }
0x7a: {  	s7 =	sadd.s32 s7, s15;
	[sflag:s20] =	ssyncadd.s32 $0xFFFFFFB0  }
0x7b: {  	[tilespmem:s21], [sflag:$0x5] =	stream.linear.gather [hbm4b:s7+s3], $0x50, $0x38;
	[tilespmem:$0x1EBE0] =	vst v63  }
0x7c: {  	_ =	swait.ge [sflag:s20], $0x50  }
0x7d: {  	[sflag:s20] =	ssyncset.done $0x0  }
.Ltmp0:
0x7e: {  	[sflag:s20] =	ssyncadd.s32 $0xFFFFFFB0;
	(pc) =	sbr.rel @p0 .LBB2_2-.Ltmp0, $4  }
0x7f: {  	[tilespmem:s23], [sflag:$0x1] =	stream.indirect.gather [hbm4b:s4+s22], $0xA0, s19, s22, $0xb8;
	[tilespmem:$0x1EBE0] =	vst v63  }
0x80: {  	_ =	swait.ge [sflag:s30], $0x3200  }
0x81: {  	[sflag:s30] =	ssyncset.done $0x0  }
0x82: {  	[sflag:s30] =	ssyncadd.s32 $0xFFFFCE00  }
0x83: {  	[spmem:s2] =	stream.indirect.scatter.add.f32 [tilespmem:s26], [sflag:$0x4], $0xA0, s25, s22, $0xb8;
	[tilespmem:$0x1EBE0] =	vst v63  }
0x84: {  	_ =	swait.ge [sflag:s31], $0x3200  }
0x85: {  	[sflag:s31] =	ssyncset.done $0x0  }
0x86: {  	[sflag:s31] =	ssyncadd.s32 $0xFFFFCE00  }
0x87: {  	_ =	swait.ge [sflag:s28], $0x3200  }
0x88: {  	[sflag:s28] =	ssyncset.done $0x0  }
0x89: {  	[sflag:s28] =	ssyncadd.s32 $0xFFFFCE00  }
0x8a: {  	[spmem:s2] =	stream.indirect.scatter.add.f32 [tilespmem:s23], [sflag:$0x3], $0xA0, s21, s22, $0xb8;
	[tilespmem:$0x1EBE0] =	vst v63  }
0x8b: {  	_ =	swait.ge [sflag:s29], $0x3200  }
0x8c: {  	s0 =	sadd.s32 $0x1, s0;
	[sflag:s29] =	ssyncset.done $0x0  }
0x8d: {  	p0 =	sne.s32 s0, s10;
	[sflag:s29] =	ssyncadd.s32 $0xFFFFCE00  }
.Ltmp1:
0x8e: {  	[bflag:$0x0] =	sbarrier.arrive $0xFFFF;
	(pc) =	sbr.rel @p0 .LBB2_1-.Ltmp1, $4  }
0x8f: {  	[hbm:s9], [sflag:s1] =	dma.local [spmem:s5], $0x30D4  }
0x90: {  	_ =	swait.ge [sflag:s20], $0x30D4  }
0x91: {  	[sflag:s20] =	ssyncset.done $0x0  }
0x92: {  	[sflag:s20] =	ssyncadd.s32 $0xFFFFCF2C  }
0x93: {  	_ =	sfence.sel $0x180000  }
0x94: {  	[bflag:$0x0] =	sbarrier.arrive $0xFFFF  }
0x95: {  	_ =	strace $0x90000053  }
0x96: {  	s0 =	stileid.u32;
	[bflag:$0x2] =	sbarrier.arrive $0xFFFF  }
0x97: {  	p0 =	sne.s32 s0, $0x0;
	s0 =	rddreg [dreg:$0x2]  }
0x98: {  	s0 =	sadd.s32 @!p0 $0x100000, s0  }
0x99: {  	[sflag:s0] =	ssyncadd.tile.s32 @!p0 $0x1;
	_ =	shalt  }
.Lfunc_end2:
_tile_overlayer_lowered:
.L_overlay_start_2:
0x9a: {  	(tag) =	ssettag $0x2  }
0x9b: {  	s0 =	rddreg [dreg:$0x0];
	s2 =	stileid.u32  }
0x9c: {  	s1 =	rddreg [dreg:$0x1];
	p0 =	sne.s32 s2, $0x0  }
0x9d: {  	s3 =	rddreg [dreg:$0x2];
	[bflag:$0x3] =	sbarrier.arrive $0xFFFF;
	s2 =	simm.s32 @!p0 $0x1C05  }
0x9e: {  	[timem:s3], [sflag:s2] =	dma.local @!p0 [hbm:s0], s1  }
0x9f: {  	s0 =	simm.s32 @!p0 $0x5  }
0xa0: {  	_ =	swait.ge @!p0 [sflag:s0], s1  }
0xa1: {  	s1 =	ssub.s32 @!p0 $0x0, s1;
	[sflag:s0] =	ssyncset.done @!p0 $0x0  }
0xa2: {  	[sflag:s0] =	ssyncadd.s32 @!p0 s1  }
0xa3: {  	[bflag:$0x3] =	sbarrier.arrive $0xFFFF  }
0xa4: {  	_ =	shalt  }

</sc_bundles>
